<compile_context>
chip_gen: v7x
topology: tpu7x:2x2x1
jax: 0.10.2.dev20260603
libtpu: 0.0.44.dev20260713+nightly
codegen_flags: <defaults>
</compile_context>

<pallas_src>
import functools

import jax
import jax.numpy as jnp
from jax import lax
from jax.experimental import pallas as pl
from jax.experimental.pallas import tpu as pltpu
from jax.experimental.pallas import tpu_sc as plsc

_NW = 32
_W = 256


@functools.lru_cache(maxsize=None)
def _build_gather(n_idx: int, vocab: int, emb: int):
    per_w = n_idx // _NW
    steps = per_w // _W
    gps = _W // 8
    mesh = plsc.VectorSubcoreMesh(core_axis_name="core", subcore_axis_name="subcore")

    @functools.partial(
        pl.kernel,
        out_type=jax.ShapeDtypeStruct((n_idx, emb), jnp.float32),
        mesh=mesh,
        compiler_params=pltpu.CompilerParams(needs_layout_passes=False),
        scratch_types=[
            pltpu.VMEM((vocab * emb,), jnp.float32),
            pltpu.VMEM((_W,), jnp.int32),
            pltpu.VMEM((_W,), jnp.int32),
            pltpu.VMEM((_W, emb), jnp.float32),
            pltpu.VMEM((_W, emb), jnp.float32),
            pltpu.SemaphoreType.DMA,
            pltpu.SemaphoreType.DMA,
            pltpu.SemaphoreType.DMA,
            pltpu.SemaphoreType.DMA,
            pltpu.SemaphoreType.DMA,
        ],
    )
    def gather_kernel(table_hbm, idx_hbm, out_hbm, tab_v, ibuf0, ibuf1,
                      obuf0, obuf1, tsem, isem0, isem1, osem0, osem1):
        wid = lax.axis_index("subcore") * 2 + lax.axis_index("core")
        ibase = wid * per_w

        pltpu.make_async_copy(table_hbm, tab_v, tsem).start()
        pltpu.make_async_copy(table_hbm, tab_v, tsem).wait()

        ibufs = (ibuf0, ibuf1)
        obufs = (obuf0, obuf1)
        isems = (isem0, isem1)
        osems = (osem0, osem1)

        def idx_copy(s, b):
            return pltpu.make_async_copy(
                idx_hbm.at[pl.ds(ibase + s * _W, _W)], ibufs[b], isems[b])

        def out_copy(s, b):
            return pltpu.make_async_copy(
                obufs[b],
                out_hbm.at[pl.ds(ibase + s * _W, _W)],
                osems[b])

        idx_copy(0, 0).start()
        idx_copy(1, 1).start()

        iota = lax.iota(jnp.int32, 16)

        def half(s, b):
            idx_copy(s, b).wait()

            @pl.when(s >= 2)
            def _():
                out_copy(s - 2, b).wait()

            @pl.loop(0, _W // 16)
            def _(i):
                enc = ibufs[b][pl.ds(i * 16, 16)]
                for l0 in range(0, 16, 2):
                    vals = []
                    for l in (l0, l0 + 1):
                        base = jnp.broadcast_to(enc[l], (16,)) * emb + iota
                        for k in range(emb // 16):
                            vals.append(plsc.load_gather(tab_v, [base + k * 16]))
                    for dl in (0, 1):
                        for k in range(emb // 16):
                            obufs[b][i * 16 + l0 + dl, pl.ds(k * 16, 16)] = (
                                vals[dl * (emb // 16) + k])

            out_copy(s, b).start()

            @pl.when(s + 2 < steps)
            def _():
                idx_copy(s + 2, b).start()

        @pl.loop(0, steps, step=2)
        def _(s):
            half(s, 0)
            half(s + 1, 1)

        out_copy(steps - 2, 0).wait()
        out_copy(steps - 1, 1).wait()

    return gather_kernel


def _mask_body(m_ref, o_ref):
    o_ref[...] = m_ref[...]


@functools.lru_cache(maxsize=None)
def _build_mask_copy(n: int, c: int, dtype_name: str):
    blk = 8192
    dtype = jnp.dtype(dtype_name)
    return pl.pallas_call(
        _mask_body,
        grid=(n // blk,),
        in_specs=[pl.BlockSpec((blk, c), lambda i: (i, 0))],
        out_specs=pl.BlockSpec((blk, c), lambda i: (i, 0)),
        out_shape=jax.ShapeDtypeStruct((n, c), dtype),
    )


def kernel(encodings, mask, table):
    n_tok, chr_len = encodings.shape
    vocab, emb = table.shape
    n_idx = n_tok * chr_len
    idx = encodings.reshape(n_idx).astype(jnp.int32)
    out = _build_gather(n_idx, vocab, emb)(table.reshape(vocab * emb), idx)
    mask_out = _build_mask_copy(n_tok, chr_len, mask.dtype.name)(mask)
    return out.reshape(n_tok, chr_len, emb), mask_out

# --- scband reference (transcript-rebuilt; emitter-appended) ---
"""Pipeline reference for scband-char-embedder-532575945014 (READ-ONLY COPY).

The authoritative reference and input builder live on the scoring server;
editing this copy changes nothing except your own understanding.
"""

import jax, jax.numpy as jnp
import numpy as np

N_TOK = 204800   # 4096 sentences * 50 tokens (padded)
CHR_LEN = 16     # MAX chars per token
VOCAB = 66       # pad + unk + 64 alphabet chars
EMB = 64         # embedding_length


def setup_inputs(seed: int = 0) -> dict:
    key = jax.random.key(seed)
    k1, k2, k3 = jax.random.split(key, 3)
    # char indices already encoded via char_to_index (pad=0, unk=1, chars=2..65)
    encodings = jax.random.randint(k1, (N_TOK, CHR_LEN), 0, VOCAB, dtype=jnp.int64)
    mask = jax.random.randint(k2, (N_TOK, CHR_LEN), 0, 2, dtype=jnp.int64)
    # nn.Embedding weight: normal(0,1) init in torch
    table = jax.random.normal(k3, (VOCAB, EMB), dtype=jnp.float32)
    return {"encodings": encodings, "mask": mask, "table": table}


def reference(encodings, mask, table):
    # self.embedding(encodings) -> gather rows of the char embedding table
    outputs = jnp.take(table, encodings, axis=0)  # [N_TOK, CHR_LEN, EMB]
    # forward returns {'outputs': ..., 'mask': ...}
    return (outputs, mask)

if __name__ == "__main__":
    import jax
    _d = setup_inputs()
    print(jax.jit(kernel)(*tuple(_d.values())))

</pallas_src>

<mosaic_0001>
#map = affine_map<(d0, d1) -> (0)>
#map1 = affine_map<(d0, d1) -> (0, 0)>
module attributes {stable_mosaic.version = 14 : i64} {
  func.func @gather_kernel(%arg0: i32, %arg1: i32, %arg2: memref<4224xf32, #tpu.memory_space<hbm>>, %arg3: memref<3276800xi32, #tpu.memory_space<hbm>>, %arg4: memref<3276800x64xf32, #tpu.memory_space<hbm>>, %arg5: memref<4224xf32, #tpu.memory_space<vmem>>, %arg6: memref<256xi32, #tpu.memory_space<vmem>>, %arg7: memref<256xi32, #tpu.memory_space<vmem>>, %arg8: memref<256x64xf32, #tpu.memory_space<vmem>>, %arg9: memref<256x64xf32, #tpu.memory_space<vmem>>, %arg10: memref<!tpu.dma_semaphore, #tpu.memory_space<semaphore_mem>>, %arg11: memref<!tpu.dma_semaphore, #tpu.memory_space<semaphore_mem>>, %arg12: memref<!tpu.dma_semaphore, #tpu.memory_space<semaphore_mem>>, %arg13: memref<!tpu.dma_semaphore, #tpu.memory_space<semaphore_mem>>, %arg14: memref<!tpu.dma_semaphore, #tpu.memory_space<semaphore_mem>>) attributes {dimension_semantics = [#tpu.dimension_semantics<core_parallel>, #tpu.dimension_semantics<subcore_parallel>], iteration_bounds = array<i64: 2, 16>, scalar_prefetch = 0 : i64, scratch_operands = 10 : i64, tpu.core_type = #tpu.core_type<sc_vector_subcore>, window_params = [{transform_indices = #map}, {transform_indices = #map}, {transform_indices = #map1}]} {
    %mul3A = arith.constant 2 : i32
    %mul3A_0 = arith.muli %arg1, %mul3A : i32
    %add3A = arith.addi %mul3A_0, %arg0 : i32
    %mul3A_1 = arith.constant 102400 : i32
    %mul3A_2 = arith.muli %add3A, %mul3A_1 : i32
    tpu.enqueue_dma source(%arg2 : memref<4224xf32, #tpu.memory_space<hbm>>) target(%arg5 : memref<4224xf32, #tpu.memory_space<vmem>>) target_semaphore(%arg10 : memref<!tpu.dma_semaphore, #tpu.memory_space<semaphore_mem>>)
    tpu.wait_dma2 semaphore(%arg10 : memref<!tpu.dma_semaphore, #tpu.memory_space<semaphore_mem>>) src(%arg2 : memref<4224xf32, #tpu.memory_space<hbm>>) dst(%arg5 : memref<4224xf32, #tpu.memory_space<vmem>>)
    %add3A_3 = arith.constant 0 : i32
    %add3A_4 = arith.addi %mul3A_2, %add3A_3 : i32
    %dma_start3A = tpu.memref_slice %arg3[%add3A_4] : memref<3276800xi32, #tpu.memory_space<hbm>> -> memref<256xi32, #tpu.memory_space<hbm>>
    %dma_start3A_5 = tpu.memref_slice %arg3[%add3A_4] : memref<3276800xi32, #tpu.memory_space<hbm>> -> memref<256xi32, #tpu.memory_space<hbm>>
    tpu.enqueue_dma source(%dma_start3A_5 : memref<256xi32, #tpu.memory_space<hbm>>) target(%arg6 : memref<256xi32, #tpu.memory_space<vmem>>) target_semaphore(%arg11 : memref<!tpu.dma_semaphore, #tpu.memory_space<semaphore_mem>>)
    %add3A_6 = arith.constant 256 : i32
    %add3A_7 = arith.addi %mul3A_2, %add3A_6 : i32
    %dma_start3A_8 = tpu.memref_slice %arg3[%add3A_7] : memref<3276800xi32, #tpu.memory_space<hbm>> -> memref<256xi32, #tpu.memory_space<hbm>>
    %dma_start3A_9 = tpu.memref_slice %arg3[%add3A_7] : memref<3276800xi32, #tpu.memory_space<hbm>> -> memref<256xi32, #tpu.memory_space<hbm>>
    tpu.enqueue_dma source(%dma_start3A_9 : memref<256xi32, #tpu.memory_space<hbm>>) target(%arg7 : memref<256xi32, #tpu.memory_space<vmem>>) target_semaphore(%arg12 : memref<!tpu.dma_semaphore, #tpu.memory_space<semaphore_mem>>)
    %iota3A = tpu.iota {dimensions = array<i32: 0>} : vector<16xi32>
    %scan3A = arith.constant 0 : i32
    %scan3A_10 = arith.constant 200 : i32
    %scan3A_11 = arith.addi %scan3A, %scan3A_10 : i32
    %scan3A_12 = arith.constant 1 : i32
    scf.for %scan3A_25 = %scan3A to %scan3A_11 step %scan3A_12  : i32 {
      %mul3A_26 = arith.constant 2 : i32
      %mul3A_27 = arith.muli %scan3A_25, %mul3A_26 : i32
      %add3A_28 = arith.constant 0 : i32
      %add3A_29 = arith.addi %add3A_28, %mul3A_27 : i32
      %mul3A_30 = arith.constant 256 : i32
      %mul3A_31 = arith.muli %add3A_29, %mul3A_30 : i32
      %add3A_32 = arith.addi %mul3A_2, %mul3A_31 : i32
      %dma_wait3A_33 = tpu.memref_slice %arg3[%add3A_32] : memref<3276800xi32, #tpu.memory_space<hbm>> -> memref<256xi32, #tpu.memory_space<hbm>>
      %dma_wait3A_34 = tpu.memref_slice %arg3[%add3A_32] : memref<3276800xi32, #tpu.memory_space<hbm>> -> memref<256xi32, #tpu.memory_space<hbm>>
      tpu.wait_dma2 semaphore(%arg11 : memref<!tpu.dma_semaphore, #tpu.memory_space<semaphore_mem>>) src(%dma_wait3A_34 : memref<256xi32, #tpu.memory_space<hbm>>) dst(%arg6 : memref<256xi32, #tpu.memory_space<vmem>>)
      %ge3A = arith.constant 2 : i32
      %ge3A_35 = arith.cmpi sge, %add3A_29, %ge3A : i32
      %convert_element_type3A = arith.extui %ge3A_35 : i1 to i32
      %cond3A = arith.constant 0 : i32
      %cond3A_36 = arith.cmpi ne, %convert_element_type3A, %cond3A : i32
      scf.if %cond3A_36 {
        %sub3A = arith.constant 2 : i32
        %sub3A_86 = arith.subi %add3A_29, %sub3A : i32
        %mul3A_87 = arith.constant 256 : i32
        %mul3A_88 = arith.muli %sub3A_86, %mul3A_87 : i32
        %add3A_89 = arith.addi %mul3A_2, %mul3A_88 : i32
        %dma_wait3A_90 = arith.constant 0 : i32
        %dma_wait3A_91 = tpu.memref_slice %arg4[%add3A_89, %dma_wait3A_90] : memref<3276800x64xf32, #tpu.memory_space<hbm>> -> memref<256x64xf32, #tpu.memory_space<hbm>>
        %dma_wait3A_92 = arith.constant 0 : i32
        %dma_wait3A_93 = tpu.memref_slice %arg4[%add3A_89, %dma_wait3A_92] : memref<3276800x64xf32, #tpu.memory_space<hbm>> -> memref<256x64xf32, #tpu.memory_space<hbm>>
        tpu.wait_dma2 semaphore(%arg13 : memref<!tpu.dma_semaphore, #tpu.memory_space<semaphore_mem>>) src(%arg8 : memref<256x64xf32, #tpu.memory_space<vmem>>) dst(%dma_wait3A_93 : memref<256x64xf32, #tpu.memory_space<hbm>>)
      } else {
      }
      %scan3A_37 = arith.constant 0 : i32
      %scan3A_38 = arith.constant 16 : i32
      %scan3A_39 = arith.addi %scan3A_37, %scan3A_38 : i32
      %scan3A_40 = arith.constant 1 : i32
      scf.for %scan3A_86 = %scan3A_37 to %scan3A_39 step %scan3A_40  : i32 {
        %mul3A_87 = arith.constant 1 : i32
        %mul3A_88 = arith.muli %scan3A_86, %mul3A_87 : i32
        %add3A_89 = arith.constant 0 : i32
        %add3A_90 = arith.addi %add3A_89, %mul3A_88 : i32
        %mul3A_91 = arith.constant 16 : i32
        %mul3A_92 = arith.muli %add3A_90, %mul3A_91 : i32
        %get3A = arith.index_cast %mul3A_92 : i32 to index
        %get3A_93 = tpu.vector_load %arg6[%get3A] {strides = array<i32>} : memref<256xi32, #tpu.memory_space<vmem>>, vector<16xi32>,
        %slice3A = vector.extract_strided_slice %get3A_93 {offsets = [0], sizes = [1], strides = [1]} : vector<16xi32> to vector<1xi32>
        %squeeze3A = vector.extract %slice3A[0] : i32 from vector<1xi32>
        %broadcast_in_dim3A = vector.broadcast %squeeze3A : i32 to vector<16xi32>
        %mul3A_94 = arith.constant 64 : i32
        %mul3A_95 = vector.broadcast %mul3A_94 : i32 to vector<16xi32>
        %mul3A_96 = arith.muli %broadcast_in_dim3A, %mul3A_95 : vector<16xi32>
        %add3A_97 = arith.addi %mul3A_96, %iota3A : vector<16xi32>
        %add3A_98 = arith.constant 0 : i32
        %add3A_99 = vector.broadcast %add3A_98 : i32 to vector<16xi32>
        %add3A_100 = arith.addi %add3A_97, %add3A_99 : vector<16xi32>
        %gather3A = tpu.vector_load_idx %arg5[%add3A_100] : memref<4224xf32, #tpu.memory_space<vmem>>[vector<16xi32>], vector<16xf32>,
        %add3A_101 = arith.constant 16 : i32
        %add3A_102 = vector.broadcast %add3A_101 : i32 to vector<16xi32>
        %add3A_103 = arith.addi %add3A_97, %add3A_102 : vector<16xi32>
        %gather3A_104 = tpu.vector_load_idx %arg5[%add3A_103] : memref<4224xf32, #tpu.memory_space<vmem>>[vector<16xi32>], vector<16xf32>,
        %add3A_105 = arith.constant 32 : i32
        %add3A_106 = vector.broadcast %add3A_105 : i32 to vector<16xi32>
        %add3A_107 = arith.addi %add3A_97, %add3A_106 : vector<16xi32>
        %gather3A_108 = tpu.vector_load_idx %arg5[%add3A_107] : memref<4224xf32, #tpu.memory_space<vmem>>[vector<16xi32>], vector<16xf32>,
        %add3A_109 = arith.constant 48 : i32
        %add3A_110 = vector.broadcast %add3A_109 : i32 to vector<16xi32>
        %add3A_111 = arith.addi %add3A_97, %add3A_110 : vector<16xi32>
        %gather3A_112 = tpu.vector_load_idx %arg5[%add3A_111] : memref<4224xf32, #tpu.memory_space<vmem>>[vector<16xi32>], vector<16xf32>,
        %slice3A_113 = vector.extract_strided_slice %get3A_93 {offsets = [1], sizes = [1], strides = [1]} : vector<16xi32> to vector<1xi32>
        %squeeze3A_114 = vector.extract %slice3A_113[0] : i32 from vector<1xi32>
        %broadcast_in_dim3A_115 = vector.broadcast %squeeze3A_114 : i32 to vector<16xi32>
        %mul3A_116 = arith.constant 64 : i32
        %mul3A_117 = vector.broadcast %mul3A_116 : i32 to vector<16xi32>
        %mul3A_118 = arith.muli %broadcast_in_dim3A_115, %mul3A_117 : vector<16xi32>
        %add3A_119 = arith.addi %mul3A_118, %iota3A : vector<16xi32>
        %add3A_120 = arith.constant 0 : i32
        %add3A_121 = vector.broadcast %add3A_120 : i32 to vector<16xi32>
        %add3A_122 = arith.addi %add3A_119, %add3A_121 : vector<16xi32>
        %gather3A_123 = tpu.vector_load_idx %arg5[%add3A_122] : memref<4224xf32, #tpu.memory_space<vmem>>[vector<16xi32>], vector<16xf32>,
        %add3A_124 = arith.constant 16 : i32
        %add3A_125 = vector.broadcast %add3A_124 : i32 to vector<16xi32>
        %add3A_126 = arith.addi %add3A_119, %add3A_125 : vector<16xi32>
        %gather3A_127 = tpu.vector_load_idx %arg5[%add3A_126] : memref<4224xf32, #tpu.memory_space<vmem>>[vector<16xi32>], vector<16xf32>,
        %add3A_128 = arith.constant 32 : i32
        %add3A_129 = vector.broadcast %add3A_128 : i32 to vector<16xi32>
        %add3A_130 = arith.addi %add3A_119, %add3A_129 : vector<16xi32>
        %gather3A_131 = tpu.vector_load_idx %arg5[%add3A_130] : memref<4224xf32, #tpu.memory_space<vmem>>[vector<16xi32>], vector<16xf32>,
        %add3A_132 = arith.constant 48 : i32
        %add3A_133 = vector.broadcast %add3A_132 : i32 to vector<16xi32>
        %add3A_134 = arith.addi %add3A_119, %add3A_133 : vector<16xi32>
        %gather3A_135 = tpu.vector_load_idx %arg5[%add3A_134] : memref<4224xf32, #tpu.memory_space<vmem>>[vector<16xi32>], vector<16xf32>,
        %mul3A_136 = arith.constant 16 : i32
        %mul3A_137 = arith.muli %add3A_90, %mul3A_136 : i32
        %add3A_138 = arith.constant 0 : i32
        %add3A_139 = arith.addi %mul3A_137, %add3A_138 : i32
        %add3A_140 = arith.constant 0 : i32
        %add3A_141 = arith.addi %add3A_139, %add3A_140 : i32
        %swap3A = arith.index_cast %add3A_141 : i32 to index
        %swap3A_142 = arith.constant 0 : index
        %swap3A_143 = tpu.vector_load %arg8[%swap3A, %swap3A_142] {strides = array<i32>} : memref<256x64xf32, #tpu.memory_space<vmem>>, vector<16xf32>,
        tpu.vector_store %arg8[%swap3A, %swap3A_142], %gather3A {strides = array<i32>} : memref<256x64xf32, #tpu.memory_space<vmem>>, vector<16xf32>,
        %mul3A_144 = arith.constant 16 : i32
        %mul3A_145 = arith.muli %add3A_90, %mul3A_144 : i32
        %add3A_146 = arith.constant 0 : i32
        %add3A_147 = arith.addi %mul3A_145, %add3A_146 : i32
        %add3A_148 = arith.constant 0 : i32
        %add3A_149 = arith.addi %add3A_147, %add3A_148 : i32
        %swap3A_150 = arith.index_cast %add3A_149 : i32 to index
        %swap3A_151 = arith.constant 16 : index
        %swap3A_152 = tpu.vector_load %arg8[%swap3A_150, %swap3A_151] {strides = array<i32>} : memref<256x64xf32, #tpu.memory_space<vmem>>, vector<16xf32>,
        tpu.vector_store %arg8[%swap3A_150, %swap3A_151], %gather3A_104 {strides = array<i32>} : memref<256x64xf32, #tpu.memory_space<vmem>>, vector<16xf32>,
        %mul3A_153 = arith.constant 16 : i32
        %mul3A_154 = arith.muli %add3A_90, %mul3A_153 : i32
        %add3A_155 = arith.constant 0 : i32
        %add3A_156 = arith.addi %mul3A_154, %add3A_155 : i32
        %add3A_157 = arith.constant 0 : i32
        %add3A_158 = arith.addi %add3A_156, %add3A_157 : i32
        %swap3A_159 = arith.index_cast %add3A_158 : i32 to index
        %swap3A_160 = arith.constant 32 : index
        %swap3A_161 = tpu.vector_load %arg8[%swap3A_159, %swap3A_160] {strides = array<i32>} : memref<256x64xf32, #tpu.memory_space<vmem>>, vector<16xf32>,
        tpu.vector_store %arg8[%swap3A_159, %swap3A_160], %gather3A_108 {strides = array<i32>} : memref<256x64xf32, #tpu.memory_space<vmem>>, vector<16xf32>,
        %mul3A_162 = arith.constant 16 : i32
        %mul3A_163 = arith.muli %add3A_90, %mul3A_162 : i32
        %add3A_164 = arith.constant 0 : i32
        %add3A_165 = arith.addi %mul3A_163, %add3A_164 : i32
        %add3A_166 = arith.constant 0 : i32
        %add3A_167 = arith.addi %add3A_165, %add3A_166 : i32
        %swap3A_168 = arith.index_cast %add3A_167 : i32 to index
        %swap3A_169 = arith.constant 48 : index
        %swap3A_170 = tpu.vector_load %arg8[%swap3A_168, %swap3A_169] {strides = array<i32>} : memref<256x64xf32, #tpu.memory_space<vmem>>, vector<16xf32>,
        tpu.vector_store %arg8[%swap3A_168, %swap3A_169], %gather3A_112 {strides = array<i32>} : memref<256x64xf32, #tpu.memory_space<vmem>>, vector<16xf32>,
        %mul3A_171 = arith.constant 16 : i32
        %mul3A_172 = arith.muli %add3A_90, %mul3A_171 : i32
        %add3A_173 = arith.constant 0 : i32
        %add3A_174 = arith.addi %mul3A_172, %add3A_173 : i32
        %add3A_175 = arith.constant 1 : i32
        %add3A_176 = arith.addi %add3A_174, %add3A_175 : i32
        %swap3A_177 = arith.index_cast %add3A_176 : i32 to index
        %swap3A_178 = arith.constant 0 : index
        %swap3A_179 = tpu.vector_load %arg8[%swap3A_177, %swap3A_178] {strides = array<i32>} : memref<256x64xf32, #tpu.memory_space<vmem>>, vector<16xf32>,
        tpu.vector_store %arg8[%swap3A_177, %swap3A_178], %gather3A_123 {strides = array<i32>} : memref<256x64xf32, #tpu.memory_space<vmem>>, vector<16xf32>,
        %mul3A_180 = arith.constant 16 : i32
        %mul3A_181 = arith.muli %add3A_90, %mul3A_180 : i32
        %add3A_182 = arith.constant 0 : i32
        %add3A_183 = arith.addi %mul3A_181, %add3A_182 : i32
        %add3A_184 = arith.constant 1 : i32
        %add3A_185 = arith.addi %add3A_183, %add3A_184 : i32
        %swap3A_186 = arith.index_cast %add3A_185 : i32 to index
        %swap3A_187 = arith.constant 16 : index
        %swap3A_188 = tpu.vector_load %arg8[%swap3A_186, %swap3A_187] {strides = array<i32>} : memref<256x64xf32, #tpu.memory_space<vmem>>, vector<16xf32>,
        tpu.vector_store %arg8[%swap3A_186, %swap3A_187], %gather3A_127 {strides = array<i32>} : memref<256x64xf32, #tpu.memory_space<vmem>>, vector<16xf32>,
        %mul3A_189 = arith.constant 16 : i32
        %mul3A_190 = arith.muli %add3A_90, %mul3A_189 : i32
        %add3A_191 = arith.constant 0 : i32
        %add3A_192 = arith.addi %mul3A_190, %add3A_191 : i32
        %add3A_193 = arith.constant 1 : i32
        %add3A_194 = arith.addi %add3A_192, %add3A_193 : i32
        %swap3A_195 = arith.index_cast %add3A_194 : i32 to index
        %swap3A_196 = arith.constant 32 : index
        %swap3A_197 = tpu.vector_load %arg8[%swap3A_195, %swap3A_196] {strides = array<i32>} : memref<256x64xf32, #tpu.memory_space<vmem>>, vector<16xf32>,
        tpu.vector_store %arg8[%swap3A_195, %swap3A_196], %gather3A_131 {strides = array<i32>} : memref<256x64xf32, #tpu.memory_space<vmem>>, vector<16xf32>,
        %mul3A_198 = arith.constant 16 : i32
        %mul3A_199 = arith.muli %add3A_90, %mul3A_198 : i32
        %add3A_200 = arith.constant 0 : i32
        %add3A_201 = arith.addi %mul3A_199, %add3A_200 : i32
        %add3A_202 = arith.constant 1 : i32
        %add3A_203 = arith.addi %add3A_201, %add3A_202 : i32
        %swap3A_204 = arith.index_cast %add3A_203 : i32 to index
        %swap3A_205 = arith.constant 48 : index
        %swap3A_206 = tpu.vector_load %arg8[%swap3A_204, %swap3A_205] {strides = array<i32>} : memref<256x64xf32, #tpu.memory_space<vmem>>, vector<16xf32>,
        tpu.vector_store %arg8[%swap3A_204, %swap3A_205], %gather3A_135 {strides = array<i32>} : memref<256x64xf32, #tpu.memory_space<vmem>>, vector<16xf32>,
        %slice3A_207 = vector.extract_strided_slice %get3A_93 {offsets = [2], sizes = [1], strides = [1]} : vector<16xi32> to vector<1xi32>
        %squeeze3A_208 = vector.extract %slice3A_207[0] : i32 from vector<1xi32>
        %broadcast_in_dim3A_209 = vector.broadcast %squeeze3A_208 : i32 to vector<16xi32>
        %mul3A_210 = arith.constant 64 : i32
        %mul3A_211 = vector.broadcast %mul3A_210 : i32 to vector<16xi32>
        %mul3A_212 = arith.muli %broadcast_in_dim3A_209, %mul3A_211 : vector<16xi32>
        %add3A_213 = arith.addi %mul3A_212, %iota3A : vector<16xi32>
        %add3A_214 = arith.constant 0 : i32
        %add3A_215 = vector.broadcast %add3A_214 : i32 to vector<16xi32>
        %add3A_216 = arith.addi %add3A_213, %add3A_215 : vector<16xi32>
        %gather3A_217 = tpu.vector_load_idx %arg5[%add3A_216] : memref<4224xf32, #tpu.memory_space<vmem>>[vector<16xi32>], vector<16xf32>,
        %add3A_218 = arith.constant 16 : i32
        %add3A_219 = vector.broadcast %add3A_218 : i32 to vector<16xi32>
        %add3A_220 = arith.addi %add3A_213, %add3A_219 : vector<16xi32>
        %gather3A_221 = tpu.vector_load_idx %arg5[%add3A_220] : memref<4224xf32, #tpu.memory_space<vmem>>[vector<16xi32>], vector<16xf32>,
        %add3A_222 = arith.constant 32 : i32
        %add3A_223 = vector.broadcast %add3A_222 : i32 to vector<16xi32>
        %add3A_224 = arith.addi %add3A_213, %add3A_223 : vector<16xi32>
        %gather3A_225 = tpu.vector_load_idx %arg5[%add3A_224] : memref<4224xf32, #tpu.memory_space<vmem>>[vector<16xi32>], vector<16xf32>,
        %add3A_226 = arith.constant 48 : i32
        %add3A_227 = vector.broadcast %add3A_226 : i32 to vector<16xi32>
        %add3A_228 = arith.addi %add3A_213, %add3A_227 : vector<16xi32>
        %gather3A_229 = tpu.vector_load_idx %arg5[%add3A_228] : memref<4224xf32, #tpu.memory_space<vmem>>[vector<16xi32>], vector<16xf32>,
        %slice3A_230 = vector.extract_strided_slice %get3A_93 {offsets = [3], sizes = [1], strides = [1]} : vector<16xi32> to vector<1xi32>
        %squeeze3A_231 = vector.extract %slice3A_230[0] : i32 from vector<1xi32>
        %broadcast_in_dim3A_232 = vector.broadcast %squeeze3A_231 : i32 to vector<16xi32>
        %mul3A_233 = arith.constant 64 : i32
        %mul3A_234 = vector.broadcast %mul3A_233 : i32 to vector<16xi32>
        %mul3A_235 = arith.muli %broadcast_in_dim3A_232, %mul3A_234 : vector<16xi32>
        %add3A_236 = arith.addi %mul3A_235, %iota3A : vector<16xi32>
        %add3A_237 = arith.constant 0 : i32
        %add3A_238 = vector.broadcast %add3A_237 : i32 to vector<16xi32>
        %add3A_239 = arith.addi %add3A_236, %add3A_238 : vector<16xi32>
        %gather3A_240 = tpu.vector_load_idx %arg5[%add3A_239] : memref<4224xf32, #tpu.memory_space<vmem>>[vector<16xi32>], vector<16xf32>,
        %add3A_241 = arith.constant 16 : i32
        %add3A_242 = vector.broadcast %add3A_241 : i32 to vector<16xi32>
        %add3A_243 = arith.addi %add3A_236, %add3A_242 : vector<16xi32>
        %gather3A_244 = tpu.vector_load_idx %arg5[%add3A_243] : memref<4224xf32, #tpu.memory_space<vmem>>[vector<16xi32>], vector<16xf32>,
        %add3A_245 = arith.constant 32 : i32
        %add3A_246 = vector.broadcast %add3A_245 : i32 to vector<16xi32>
        %add3A_247 = arith.addi %add3A_236, %add3A_246 : vector<16xi32>
        %gather3A_248 = tpu.vector_load_idx %arg5[%add3A_247] : memref<4224xf32, #tpu.memory_space<vmem>>[vector<16xi32>], vector<16xf32>,
        %add3A_249 = arith.constant 48 : i32
        %add3A_250 = vector.broadcast %add3A_249 : i32 to vector<16xi32>
        %add3A_251 = arith.addi %add3A_236, %add3A_250 : vector<16xi32>
        %gather3A_252 = tpu.vector_load_idx %arg5[%add3A_251] : memref<4224xf32, #tpu.memory_space<vmem>>[vector<16xi32>], vector<16xf32>,
        %mul3A_253 = arith.constant 16 : i32
        %mul3A_254 = arith.muli %add3A_90, %mul3A_253 : i32
        %add3A_255 = arith.constant 2 : i32
        %add3A_256 = arith.addi %mul3A_254, %add3A_255 : i32
        %add3A_257 = arith.constant 0 : i32
        %add3A_258 = arith.addi %add3A_256, %add3A_257 : i32
        %swap3A_259 = arith.index_cast %add3A_258 : i32 to index
        %swap3A_260 = arith.constant 0 : index
        %swap3A_261 = tpu.vector_load %arg8[%swap3A_259, %swap3A_260] {strides = array<i32>} : memref<256x64xf32, #tpu.memory_space<vmem>>, vector<16xf32>,
        tpu.vector_store %arg8[%swap3A_259, %swap3A_260], %gather3A_217 {strides = array<i32>} : memref<256x64xf32, #tpu.memory_space<vmem>>, vector<16xf32>,
        %mul3A_262 = arith.constant 16 : i32
        %mul3A_263 = arith.muli %add3A_90, %mul3A_262 : i32
        %add3A_264 = arith.constant 2 : i32
        %add3A_265 = arith.addi %mul3A_263, %add3A_264 : i32
        %add3A_266 = arith.constant 0 : i32
        %add3A_267 = arith.addi %add3A_265, %add3A_266 : i32
        %swap3A_268 = arith.index_cast %add3A_267 : i32 to index
        %swap3A_269 = arith.constant 16 : index
        %swap3A_270 = tpu.vector_load %arg8[%swap3A_268, %swap3A_269] {strides = array<i32>} : memref<256x64xf32, #tpu.memory_space<vmem>>, vector<16xf32>,
        tpu.vector_store %arg8[%swap3A_268, %swap3A_269], %gather3A_221 {strides = array<i32>} : memref<256x64xf32, #tpu.memory_space<vmem>>, vector<16xf32>,
        %mul3A_271 = arith.constant 16 : i32
        %mul3A_272 = arith.muli %add3A_90, %mul3A_271 : i32
        %add3A_273 = arith.constant 2 : i32
        %add3A_274 = arith.addi %mul3A_272, %add3A_273 : i32
        %add3A_275 = arith.constant 0 : i32
        %add3A_276 = arith.addi %add3A_274, %add3A_275 : i32
        %swap3A_277 = arith.index_cast %add3A_276 : i32 to index
        %swap3A_278 = arith.constant 32 : index
        %swap3A_279 = tpu.vector_load %arg8[%swap3A_277, %swap3A_278] {strides = array<i32>} : memref<256x64xf32, #tpu.memory_space<vmem>>, vector<16xf32>,
        tpu.vector_store %arg8[%swap3A_277, %swap3A_278], %gather3A_225 {strides = array<i32>} : memref<256x64xf32, #tpu.memory_space<vmem>>, vector<16xf32>,
        %mul3A_280 = arith.constant 16 : i32
        %mul3A_281 = arith.muli %add3A_90, %mul3A_280 : i32
        %add3A_282 = arith.constant 2 : i32
        %add3A_283 = arith.addi %mul3A_281, %add3A_282 : i32
        %add3A_284 = arith.constant 0 : i32
        %add3A_285 = arith.addi %add3A_283, %add3A_284 : i32
        %swap3A_286 = arith.index_cast %add3A_285 : i32 to index
        %swap3A_287 = arith.constant 48 : index
        %swap3A_288 = tpu.vector_load %arg8[%swap3A_286, %swap3A_287] {strides = array<i32>} : memref<256x64xf32, #tpu.memory_space<vmem>>, vector<16xf32>,
        tpu.vector_store %arg8[%swap3A_286, %swap3A_287], %gather3A_229 {strides = array<i32>} : memref<256x64xf32, #tpu.memory_space<vmem>>, vector<16xf32>,
        %mul3A_289 = arith.constant 16 : i32
        %mul3A_290 = arith.muli %add3A_90, %mul3A_289 : i32
        %add3A_291 = arith.constant 2 : i32
        %add3A_292 = arith.addi %mul3A_290, %add3A_291 : i32
        %add3A_293 = arith.constant 1 : i32
        %add3A_294 = arith.addi %add3A_292, %add3A_293 : i32
        %swap3A_295 = arith.index_cast %add3A_294 : i32 to index
        %swap3A_296 = arith.constant 0 : index
        %swap3A_297 = tpu.vector_load %arg8[%swap3A_295, %swap3A_296] {strides = array<i32>} : memref<256x64xf32, #tpu.memory_space<vmem>>, vector<16xf32>,
        tpu.vector_store %arg8[%swap3A_295, %swap3A_296], %gather3A_240 {strides = array<i32>} : memref<256x64xf32, #tpu.memory_space<vmem>>, vector<16xf32>,
        %mul3A_298 = arith.constant 16 : i32
        %mul3A_299 = arith.muli %add3A_90, %mul3A_298 : i32
        %add3A_300 = arith.constant 2 : i32
        %add3A_301 = arith.addi %mul3A_299, %add3A_300 : i32
        %add3A_302 = arith.constant 1 : i32
        %add3A_303 = arith.addi %add3A_301, %add3A_302 : i32
        %swap3A_304 = arith.index_cast %add3A_303 : i32 to index
        %swap3A_305 = arith.constant 16 : index
        %swap3A_306 = tpu.vector_load %arg8[%swap3A_304, %swap3A_305] {strides = array<i32>} : memref<256x64xf32, #tpu.memory_space<vmem>>, vector<16xf32>,
        tpu.vector_store %arg8[%swap3A_304, %swap3A_305], %gather3A_244 {strides = array<i32>} : memref<256x64xf32, #tpu.memory_space<vmem>>, vector<16xf32>,
        %mul3A_307 = arith.constant 16 : i32
        %mul3A_308 = arith.muli %add3A_90, %mul3A_307 : i32
        %add3A_309 = arith.constant 2 : i32
        %add3A_310 = arith.addi %mul3A_308, %add3A_309 : i32
        %add3A_311 = arith.constant 1 : i32
        %add3A_312 = arith.addi %add3A_310, %add3A_311 : i32
        %swap3A_313 = arith.index_cast %add3A_312 : i32 to index
        %swap3A_314 = arith.constant 32 : index
        %swap3A_315 = tpu.vector_load %arg8[%swap3A_313, %swap3A_314] {strides = array<i32>} : memref<256x64xf32, #tpu.memory_space<vmem>>, vector<16xf32>,
        tpu.vector_store %arg8[%swap3A_313, %swap3A_314], %gather3A_248 {strides = array<i32>} : memref<256x64xf32, #tpu.memory_space<vmem>>, vector<16xf32>,
        %mul3A_316 = arith.constant 16 : i32
        %mul3A_317 = arith.muli %add3A_90, %mul3A_316 : i32
        %add3A_318 = arith.constant 2 : i32
        %add3A_319 = arith.addi %mul3A_317, %add3A_318 : i32
        %add3A_320 = arith.constant 1 : i32
        %add3A_321 = arith.addi %add3A_319, %add3A_320 : i32
        %swap3A_322 = arith.index_cast %add3A_321 : i32 to index
        %swap3A_323 = arith.constant 48 : index
        %swap3A_324 = tpu.vector_load %arg8[%swap3A_322, %swap3A_323] {strides = array<i32>} : memref<256x64xf32, #tpu.memory_space<vmem>>, vector<16xf32>,
        tpu.vector_store %arg8[%swap3A_322, %swap3A_323], %gather3A_252 {strides = array<i32>} : memref<256x64xf32, #tpu.memory_space<vmem>>, vector<16xf32>,
        %slice3A_325 = vector.extract_strided_slice %get3A_93 {offsets = [4], sizes = [1], strides = [1]} : vector<16xi32> to vector<1xi32>
        %squeeze3A_326 = vector.extract %slice3A_325[0] : i32 from vector<1xi32>
        %broadcast_in_dim3A_327 = vector.broadcast %squeeze3A_326 : i32 to vector<16xi32>
        %mul3A_328 = arith.constant 64 : i32
        %mul3A_329 = vector.broadcast %mul3A_328 : i32 to vector<16xi32>
        %mul3A_330 = arith.muli %broadcast_in_dim3A_327, %mul3A_329 : vector<16xi32>
        %add3A_331 = arith.addi %mul3A_330, %iota3A : vector<16xi32>
        %add3A_332 = arith.constant 0 : i32
        %add3A_333 = vector.broadcast %add3A_332 : i32 to vector<16xi32>
        %add3A_334 = arith.addi %add3A_331, %add3A_333 : vector<16xi32>
        %gather3A_335 = tpu.vector_load_idx %arg5[%add3A_334] : memref<4224xf32, #tpu.memory_space<vmem>>[vector<16xi32>], vector<16xf32>,
        %add3A_336 = arith.constant 16 : i32
        %add3A_337 = vector.broadcast %add3A_336 : i32 to vector<16xi32>
        %add3A_338 = arith.addi %add3A_331, %add3A_337 : vector<16xi32>
        %gather3A_339 = tpu.vector_load_idx %arg5[%add3A_338] : memref<4224xf32, #tpu.memory_space<vmem>>[vector<16xi32>], vector<16xf32>,
        %add3A_340 = arith.constant 32 : i32
        %add3A_341 = vector.broadcast %add3A_340 : i32 to vector<16xi32>
        %add3A_342 = arith.addi %add3A_331, %add3A_341 : vector<16xi32>
        %gather3A_343 = tpu.vector_load_idx %arg5[%add3A_342] : memref<4224xf32, #tpu.memory_space<vmem>>[vector<16xi32>], vector<16xf32>,
        %add3A_344 = arith.constant 48 : i32
        %add3A_345 = vector.broadcast %add3A_344 : i32 to vector<16xi32>
        %add3A_346 = arith.addi %add3A_331, %add3A_345 : vector<16xi32>
        %gather3A_347 = tpu.vector_load_idx %arg5[%add3A_346] : memref<4224xf32, #tpu.memory_space<vmem>>[vector<16xi32>], vector<16xf32>,
        %slice3A_348 = vector.extract_strided_slice %get3A_93 {offsets = [5], sizes = [1], strides = [1]} : vector<16xi32> to vector<1xi32>
        %squeeze3A_349 = vector.extract %slice3A_348[0] : i32 from vector<1xi32>
        %broadcast_in_dim3A_350 = vector.broadcast %squeeze3A_349 : i32 to vector<16xi32>
        %mul3A_351 = arith.constant 64 : i32
        %mul3A_352 = vector.broadcast %mul3A_351 : i32 to vector<16xi32>
        %mul3A_353 = arith.muli %broadcast_in_dim3A_350, %mul3A_352 : vector<16xi32>
        %add3A_354 = arith.addi %mul3A_353, %iota3A : vector<16xi32>
        %add3A_355 = arith.constant 0 : i32
        %add3A_356 = vector.broadcast %add3A_355 : i32 to vector<16xi32>
        %add3A_357 = arith.addi %add3A_354, %add3A_356 : vector<16xi32>
        %gather3A_358 = tpu.vector_load_idx %arg5[%add3A_357] : memref<4224xf32, #tpu.memory_space<vmem>>[vector<16xi32>], vector<16xf32>,
        %add3A_359 = arith.constant 16 : i32
        %add3A_360 = vector.broadcast %add3A_359 : i32 to vector<16xi32>
        %add3A_361 = arith.addi %add3A_354, %add3A_360 : vector<16xi32>
        %gather3A_362 = tpu.vector_load_idx %arg5[%add3A_361] : memref<4224xf32, #tpu.memory_space<vmem>>[vector<16xi32>], vector<16xf32>,
        %add3A_363 = arith.constant 32 : i32
        %add3A_364 = vector.broadcast %add3A_363 : i32 to vector<16xi32>
        %add3A_365 = arith.addi %add3A_354, %add3A_364 : vector<16xi32>
        %gather3A_366 = tpu.vector_load_idx %arg5[%add3A_365] : memref<4224xf32, #tpu.memory_space<vmem>>[vector<16xi32>], vector<16xf32>,
        %add3A_367 = arith.constant 48 : i32
        %add3A_368 = vector.broadcast %add3A_367 : i32 to vector<16xi32>
        %add3A_369 = arith.addi %add3A_354, %add3A_368 : vector<16xi32>
        %gather3A_370 = tpu.vector_load_idx %arg5[%add3A_369] : memref<4224xf32, #tpu.memory_space<vmem>>[vector<16xi32>], vector<16xf32>,
        %mul3A_371 = arith.constant 16 : i32
        %mul3A_372 = arith.muli %add3A_90, %mul3A_371 : i32
        %add3A_373 = arith.constant 4 : i32
        %add3A_374 = arith.addi %mul3A_372, %add3A_373 : i32
        %add3A_375 = arith.constant 0 : i32
        %add3A_376 = arith.addi %add3A_374, %add3A_375 : i32
        %swap3A_377 = arith.index_cast %add3A_376 : i32 to index
        %swap3A_378 = arith.constant 0 : index
        %swap3A_379 = tpu.vector_load %arg8[%swap3A_377, %swap3A_378] {strides = array<i32>} : memref<256x64xf32, #tpu.memory_space<vmem>>, vector<16xf32>,
        tpu.vector_store %arg8[%swap3A_377, %swap3A_378], %gather3A_335 {strides = array<i32>} : memref<256x64xf32, #tpu.memory_space<vmem>>, vector<16xf32>,
        %mul3A_380 = arith.constant 16 : i32
        %mul3A_381 = arith.muli %add3A_90, %mul3A_380 : i32
        %add3A_382 = arith.constant 4 : i32
        %add3A_383 = arith.addi %mul3A_381, %add3A_382 : i32
        %add3A_384 = arith.constant 0 : i32
        %add3A_385 = arith.addi %add3A_383, %add3A_384 : i32
        %swap3A_386 = arith.index_cast %add3A_385 : i32 to index
        %swap3A_387 = arith.constant 16 : index
        %swap3A_388 = tpu.vector_load %arg8[%swap3A_386, %swap3A_387] {strides = array<i32>} : memref<256x64xf32, #tpu.memory_space<vmem>>, vector<16xf32>,
        tpu.vector_store %arg8[%swap3A_386, %swap3A_387], %gather3A_339 {strides = array<i32>} : memref<256x64xf32, #tpu.memory_space<vmem>>, vector<16xf32>,
        %mul3A_389 = arith.constant 16 : i32
        %mul3A_390 = arith.muli %add3A_90, %mul3A_389 : i32
        %add3A_391 = arith.constant 4 : i32
        %add3A_392 = arith.addi %mul3A_390, %add3A_391 : i32
        %add3A_393 = arith.constant 0 : i32
        %add3A_394 = arith.addi %add3A_392, %add3A_393 : i32
        %swap3A_395 = arith.index_cast %add3A_394 : i32 to index
        %swap3A_396 = arith.constant 32 : index
        %swap3A_397 = tpu.vector_load %arg8[%swap3A_395, %swap3A_396] {strides = array<i32>} : memref<256x64xf32, #tpu.memory_space<vmem>>, vector<16xf32>,
        tpu.vector_store %arg8[%swap3A_395, %swap3A_396], %gather3A_343 {strides = array<i32>} : memref<256x64xf32, #tpu.memory_space<vmem>>, vector<16xf32>,
        %mul3A_398 = arith.constant 16 : i32
        %mul3A_399 = arith.muli %add3A_90, %mul3A_398 : i32
        %add3A_400 = arith.constant 4 : i32
        %add3A_401 = arith.addi %mul3A_399, %add3A_400 : i32
        %add3A_402 = arith.constant 0 : i32
        %add3A_403 = arith.addi %add3A_401, %add3A_402 : i32
        %swap3A_404 = arith.index_cast %add3A_403 : i32 to index
        %swap3A_405 = arith.constant 48 : index
        %swap3A_406 = tpu.vector_load %arg8[%swap3A_404, %swap3A_405] {strides = array<i32>} : memref<256x64xf32, #tpu.memory_space<vmem>>, vector<16xf32>,
        tpu.vector_store %arg8[%swap3A_404, %swap3A_405], %gather3A_347 {strides = array<i32>} : memref<256x64xf32, #tpu.memory_space<vmem>>, vector<16xf32>,
        %mul3A_407 = arith.constant 16 : i32
        %mul3A_408 = arith.muli %add3A_90, %mul3A_407 : i32
        %add3A_409 = arith.constant 4 : i32
        %add3A_410 = arith.addi %mul3A_408, %add3A_409 : i32
        %add3A_411 = arith.constant 1 : i32
        %add3A_412 = arith.addi %add3A_410, %add3A_411 : i32
        %swap3A_413 = arith.index_cast %add3A_412 : i32 to index
        %swap3A_414 = arith.constant 0 : index
        %swap3A_415 = tpu.vector_load %arg8[%swap3A_413, %swap3A_414] {strides = array<i32>} : memref<256x64xf32, #tpu.memory_space<vmem>>, vector<16xf32>,
        tpu.vector_store %arg8[%swap3A_413, %swap3A_414], %gather3A_358 {strides = array<i32>} : memref<256x64xf32, #tpu.memory_space<vmem>>, vector<16xf32>,
        %mul3A_416 = arith.constant 16 : i32
        %mul3A_417 = arith.muli %add3A_90, %mul3A_416 : i32
        %add3A_418 = arith.constant 4 : i32
        %add3A_419 = arith.addi %mul3A_417, %add3A_418 : i32
        %add3A_420 = arith.constant 1 : i32
        %add3A_421 = arith.addi %add3A_419, %add3A_420 : i32
        %swap3A_422 = arith.index_cast %add3A_421 : i32 to index
        %swap3A_423 = arith.constant 16 : index
        %swap3A_424 = tpu.vector_load %arg8[%swap3A_422, %swap3A_423] {strides = array<i32>} : memref<256x64xf32, #tpu.memory_space<vmem>>, vector<16xf32>,
        tpu.vector_store %arg8[%swap3A_422, %swap3A_423], %gather3A_362 {strides = array<i32>} : memref<256x64xf32, #tpu.memory_space<vmem>>, vector<16xf32>,
        %mul3A_425 = arith.constant 16 : i32
        %mul3A_426 = arith.muli %add3A_90, %mul3A_425 : i32
        %add3A_427 = arith.constant 4 : i32
        %add3A_428 = arith.addi %mul3A_426, %add3A_427 : i32
        %add3A_429 = arith.constant 1 : i32
        %add3A_430 = arith.addi %add3A_428, %add3A_429 : i32
        %swap3A_431 = arith.index_cast %add3A_430 : i32 to index
        %swap3A_432 = arith.constant 32 : index
        %swap3A_433 = tpu.vector_load %arg8[%swap3A_431, %swap3A_432] {strides = array<i32>} : memref<256x64xf32, #tpu.memory_space<vmem>>, vector<16xf32>,
        tpu.vector_store %arg8[%swap3A_431, %swap3A_432], %gather3A_366 {strides = array<i32>} : memref<256x64xf32, #tpu.memory_space<vmem>>, vector<16xf32>,
        %mul3A_434 = arith.constant 16 : i32
        %mul3A_435 = arith.muli %add3A_90, %mul3A_434 : i32
        %add3A_436 = arith.constant 4 : i32
        %add3A_437 = arith.addi %mul3A_435, %add3A_436 : i32
        %add3A_438 = arith.constant 1 : i32
        %add3A_439 = arith.addi %add3A_437, %add3A_438 : i32
        %swap3A_440 = arith.index_cast %add3A_439 : i32 to index
        %swap3A_441 = arith.constant 48 : index
        %swap3A_442 = tpu.vector_load %arg8[%swap3A_440, %swap3A_441] {strides = array<i32>} : memref<256x64xf32, #tpu.memory_space<vmem>>, vector<16xf32>,
        tpu.vector_store %arg8[%swap3A_440, %swap3A_441], %gather3A_370 {strides = array<i32>} : memref<256x64xf32, #tpu.memory_space<vmem>>, vector<16xf32>,
        %slice3A_443 = vector.extract_strided_slice %get3A_93 {offsets = [6], sizes = [1], strides = [1]} : vector<16xi32> to vector<1xi32>
        %squeeze3A_444 = vector.extract %slice3A_443[0] : i32 from vector<1xi32>
        %broadcast_in_dim3A_445 = vector.broadcast %squeeze3A_444 : i32 to vector<16xi32>
        %mul3A_446 = arith.constant 64 : i32
        %mul3A_447 = vector.broadcast %mul3A_446 : i32 to vector<16xi32>
        %mul3A_448 = arith.muli %broadcast_in_dim3A_445, %mul3A_447 : vector<16xi32>
        %add3A_449 = arith.addi %mul3A_448, %iota3A : vector<16xi32>
        %add3A_450 = arith.constant 0 : i32
        %add3A_451 = vector.broadcast %add3A_450 : i32 to vector<16xi32>
        %add3A_452 = arith.addi %add3A_449, %add3A_451 : vector<16xi32>
        %gather3A_453 = tpu.vector_load_idx %arg5[%add3A_452] : memref<4224xf32, #tpu.memory_space<vmem>>[vector<16xi32>], vector<16xf32>,
        %add3A_454 = arith.constant 16 : i32
        %add3A_455 = vector.broadcast %add3A_454 : i32 to vector<16xi32>
        %add3A_456 = arith.addi %add3A_449, %add3A_455 : vector<16xi32>
        %gather3A_457 = tpu.vector_load_idx %arg5[%add3A_456] : memref<4224xf32, #tpu.memory_space<vmem>>[vector<16xi32>], vector<16xf32>,
        %add3A_458 = arith.constant 32 : i32
        %add3A_459 = vector.broadcast %add3A_458 : i32 to vector<16xi32>
        %add3A_460 = arith.addi %add3A_449, %add3A_459 : vector<16xi32>
        %gather3A_461 = tpu.vector_load_idx %arg5[%add3A_460] : memref<4224xf32, #tpu.memory_space<vmem>>[vector<16xi32>], vector<16xf32>,
        %add3A_462 = arith.constant 48 : i32
        %add3A_463 = vector.broadcast %add3A_462 : i32 to vector<16xi32>
        %add3A_464 = arith.addi %add3A_449, %add3A_463 : vector<16xi32>
        %gather3A_465 = tpu.vector_load_idx %arg5[%add3A_464] : memref<4224xf32, #tpu.memory_space<vmem>>[vector<16xi32>], vector<16xf32>,
        %slice3A_466 = vector.extract_strided_slice %get3A_93 {offsets = [7], sizes = [1], strides = [1]} : vector<16xi32> to vector<1xi32>
        %squeeze3A_467 = vector.extract %slice3A_466[0] : i32 from vector<1xi32>
        %broadcast_in_dim3A_468 = vector.broadcast %squeeze3A_467 : i32 to vector<16xi32>
        %mul3A_469 = arith.constant 64 : i32
        %mul3A_470 = vector.broadcast %mul3A_469 : i32 to vector<16xi32>
        %mul3A_471 = arith.muli %broadcast_in_dim3A_468, %mul3A_470 : vector<16xi32>
        %add3A_472 = arith.addi %mul3A_471, %iota3A : vector<16xi32>
        %add3A_473 = arith.constant 0 : i32
        %add3A_474 = vector.broadcast %add3A_473 : i32 to vector<16xi32>
        %add3A_475 = arith.addi %add3A_472, %add3A_474 : vector<16xi32>
        %gather3A_476 = tpu.vector_load_idx %arg5[%add3A_475] : memref<4224xf32, #tpu.memory_space<vmem>>[vector<16xi32>], vector<16xf32>,
        %add3A_477 = arith.constant 16 : i32
        %add3A_478 = vector.broadcast %add3A_477 : i32 to vector<16xi32>
        %add3A_479 = arith.addi %add3A_472, %add3A_478 : vector<16xi32>
        %gather3A_480 = tpu.vector_load_idx %arg5[%add3A_479] : memref<4224xf32, #tpu.memory_space<vmem>>[vector<16xi32>], vector<16xf32>,
        %add3A_481 = arith.constant 32 : i32
        %add3A_482 = vector.broadcast %add3A_481 : i32 to vector<16xi32>
        %add3A_483 = arith.addi %add3A_472, %add3A_482 : vector<16xi32>
        %gather3A_484 = tpu.vector_load_idx %arg5[%add3A_483] : memref<4224xf32, #tpu.memory_space<vmem>>[vector<16xi32>], vector<16xf32>,
        %add3A_485 = arith.constant 48 : i32
        %add3A_486 = vector.broadcast %add3A_485 : i32 to vector<16xi32>
        %add3A_487 = arith.addi %add3A_472, %add3A_486 : vector<16xi32>
        %gather3A_488 = tpu.vector_load_idx %arg5[%add3A_487] : memref<4224xf32, #tpu.memory_space<vmem>>[vector<16xi32>], vector<16xf32>,
        %mul3A_489 = arith.constant 16 : i32
        %mul3A_490 = arith.muli %add3A_90, %mul3A_489 : i32
        %add3A_491 = arith.constant 6 : i32
        %add3A_492 = arith.addi %mul3A_490, %add3A_491 : i32
        %add3A_493 = arith.constant 0 : i32
        %add3A_494 = arith.addi %add3A_492, %add3A_493 : i32
        %swap3A_495 = arith.index_cast %add3A_494 : i32 to index
        %swap3A_496 = arith.constant 0 : index
        %swap3A_497 = tpu.vector_load %arg8[%swap3A_495, %swap3A_496] {strides = array<i32>} : memref<256x64xf32, #tpu.memory_space<vmem>>, vector<16xf32>,
        tpu.vector_store %arg8[%swap3A_495, %swap3A_496], %gather3A_453 {strides = array<i32>} : memref<256x64xf32, #tpu.memory_space<vmem>>, vector<16xf32>,
        %mul3A_498 = arith.constant 16 : i32
        %mul3A_499 = arith.muli %add3A_90, %mul3A_498 : i32
        %add3A_500 = arith.constant 6 : i32
        %add3A_501 = arith.addi %mul3A_499, %add3A_500 : i32
        %add3A_502 = arith.constant 0 : i32
        %add3A_503 = arith.addi %add3A_501, %add3A_502 : i32
        %swap3A_504 = arith.index_cast %add3A_503 : i32 to index
        %swap3A_505 = arith.constant 16 : index
        %swap3A_506 = tpu.vector_load %arg8[%swap3A_504, %swap3A_505] {strides = array<i32>} : memref<256x64xf32, #tpu.memory_space<vmem>>, vector<16xf32>,
        tpu.vector_store %arg8[%swap3A_504, %swap3A_505], %gather3A_457 {strides = array<i32>} : memref<256x64xf32, #tpu.memory_space<vmem>>, vector<16xf32>,
        %mul3A_507 = arith.constant 16 : i32
        %mul3A_508 = arith.muli %add3A_90, %mul3A_507 : i32
        %add3A_509 = arith.constant 6 : i32
        %add3A_510 = arith.addi %mul3A_508, %add3A_509 : i32
        %add3A_511 = arith.constant 0 : i32
        %add3A_512 = arith.addi %add3A_510, %add3A_511 : i32
        %swap3A_513 = arith.index_cast %add3A_512 : i32 to index
        %swap3A_514 = arith.constant 32 : index
        %swap3A_515 = tpu.vector_load %arg8[%swap3A_513, %swap3A_514] {strides = array<i32>} : memref<256x64xf32, #tpu.memory_space<vmem>>, vector<16xf32>,
        tpu.vector_store %arg8[%swap3A_513, %swap3A_514], %gather3A_461 {strides = array<i32>} : memref<256x64xf32, #tpu.memory_space<vmem>>, vector<16xf32>,
        %mul3A_516 = arith.constant 16 : i32
        %mul3A_517 = arith.muli %add3A_90, %mul3A_516 : i32
        %add3A_518 = arith.constant 6 : i32
        %add3A_519 = arith.addi %mul3A_517, %add3A_518 : i32
        %add3A_520 = arith.constant 0 : i32
        %add3A_521 = arith.addi %add3A_519, %add3A_520 : i32
        %swap3A_522 = arith.index_cast %add3A_521 : i32 to index
        %swap3A_523 = arith.constant 48 : index
        %swap3A_524 = tpu.vector_load %arg8[%swap3A_522, %swap3A_523] {strides = array<i32>} : memref<256x64xf32, #tpu.memory_space<vmem>>, vector<16xf32>,
        tpu.vector_store %arg8[%swap3A_522, %swap3A_523], %gather3A_465 {strides = array<i32>} : memref<256x64xf32, #tpu.memory_space<vmem>>, vector<16xf32>,
        %mul3A_525 = arith.constant 16 : i32
        %mul3A_526 = arith.muli %add3A_90, %mul3A_525 : i32
        %add3A_527 = arith.constant 6 : i32
        %add3A_528 = arith.addi %mul3A_526, %add3A_527 : i32
        %add3A_529 = arith.constant 1 : i32
        %add3A_530 = arith.addi %add3A_528, %add3A_529 : i32
        %swap3A_531 = arith.index_cast %add3A_530 : i32 to index
        %swap3A_532 = arith.constant 0 : index
        %swap3A_533 = tpu.vector_load %arg8[%swap3A_531, %swap3A_532] {strides = array<i32>} : memref<256x64xf32, #tpu.memory_space<vmem>>, vector<16xf32>,
        tpu.vector_store %arg8[%swap3A_531, %swap3A_532], %gather3A_476 {strides = array<i32>} : memref<256x64xf32, #tpu.memory_space<vmem>>, vector<16xf32>,
        %mul3A_534 = arith.constant 16 : i32
        %mul3A_535 = arith.muli %add3A_90, %mul3A_534 : i32
        %add3A_536 = arith.constant 6 : i32
        %add3A_537 = arith.addi %mul3A_535, %add3A_536 : i32
        %add3A_538 = arith.constant 1 : i32
        %add3A_539 = arith.addi %add3A_537, %add3A_538 : i32
        %swap3A_540 = arith.index_cast %add3A_539 : i32 to index
        %swap3A_541 = arith.constant 16 : index
        %swap3A_542 = tpu.vector_load %arg8[%swap3A_540, %swap3A_541] {strides = array<i32>} : memref<256x64xf32, #tpu.memory_space<vmem>>, vector<16xf32>,
        tpu.vector_store %arg8[%swap3A_540, %swap3A_541], %gather3A_480 {strides = array<i32>} : memref<256x64xf32, #tpu.memory_space<vmem>>, vector<16xf32>,
        %mul3A_543 = arith.constant 16 : i32
        %mul3A_544 = arith.muli %add3A_90, %mul3A_543 : i32
        %add3A_545 = arith.constant 6 : i32
        %add3A_546 = arith.addi %mul3A_544, %add3A_545 : i32
        %add3A_547 = arith.constant 1 : i32
        %add3A_548 = arith.addi %add3A_546, %add3A_547 : i32
        %swap3A_549 = arith.index_cast %add3A_548 : i32 to index
        %swap3A_550 = arith.constant 32 : index
        %swap3A_551 = tpu.vector_load %arg8[%swap3A_549, %swap3A_550] {strides = array<i32>} : memref<256x64xf32, #tpu.memory_space<vmem>>, vector<16xf32>,
        tpu.vector_store %arg8[%swap3A_549, %swap3A_550], %gather3A_484 {strides = array<i32>} : memref<256x64xf32, #tpu.memory_space<vmem>>, vector<16xf32>,
        %mul3A_552 = arith.constant 16 : i32
        %mul3A_553 = arith.muli %add3A_90, %mul3A_552 : i32
        %add3A_554 = arith.constant 6 : i32
        %add3A_555 = arith.addi %mul3A_553, %add3A_554 : i32
        %add3A_556 = arith.constant 1 : i32
        %add3A_557 = arith.addi %add3A_555, %add3A_556 : i32
        %swap3A_558 = arith.index_cast %add3A_557 : i32 to index
        %swap3A_559 = arith.constant 48 : index
        %swap3A_560 = tpu.vector_load %arg8[%swap3A_558, %swap3A_559] {strides = array<i32>} : memref<256x64xf32, #tpu.memory_space<vmem>>, vector<16xf32>,
        tpu.vector_store %arg8[%swap3A_558, %swap3A_559], %gather3A_488 {strides = array<i32>} : memref<256x64xf32, #tpu.memory_space<vmem>>, vector<16xf32>,
        %slice3A_561 = vector.extract_strided_slice %get3A_93 {offsets = [8], sizes = [1], strides = [1]} : vector<16xi32> to vector<1xi32>
        %squeeze3A_562 = vector.extract %slice3A_561[0] : i32 from vector<1xi32>
        %broadcast_in_dim3A_563 = vector.broadcast %squeeze3A_562 : i32 to vector<16xi32>
        %mul3A_564 = arith.constant 64 : i32
        %mul3A_565 = vector.broadcast %mul3A_564 : i32 to vector<16xi32>
        %mul3A_566 = arith.muli %broadcast_in_dim3A_563, %mul3A_565 : vector<16xi32>
        %add3A_567 = arith.addi %mul3A_566, %iota3A : vector<16xi32>
        %add3A_568 = arith.constant 0 : i32
        %add3A_569 = vector.broadcast %add3A_568 : i32 to vector<16xi32>
        %add3A_570 = arith.addi %add3A_567, %add3A_569 : vector<16xi32>
        %gather3A_571 = tpu.vector_load_idx %arg5[%add3A_570] : memref<4224xf32, #tpu.memory_space<vmem>>[vector<16xi32>], vector<16xf32>,
        %add3A_572 = arith.constant 16 : i32
        %add3A_573 = vector.broadcast %add3A_572 : i32 to vector<16xi32>
        %add3A_574 = arith.addi %add3A_567, %add3A_573 : vector<16xi32>
        %gather3A_575 = tpu.vector_load_idx %arg5[%add3A_574] : memref<4224xf32, #tpu.memory_space<vmem>>[vector<16xi32>], vector<16xf32>,
        %add3A_576 = arith.constant 32 : i32
        %add3A_577 = vector.broadcast %add3A_576 : i32 to vector<16xi32>
        %add3A_578 = arith.addi %add3A_567, %add3A_577 : vector<16xi32>
        %gather3A_579 = tpu.vector_load_idx %arg5[%add3A_578] : memref<4224xf32, #tpu.memory_space<vmem>>[vector<16xi32>], vector<16xf32>,
        %add3A_580 = arith.constant 48 : i32
        %add3A_581 = vector.broadcast %add3A_580 : i32 to vector<16xi32>
        %add3A_582 = arith.addi %add3A_567, %add3A_581 : vector<16xi32>
        %gather3A_583 = tpu.vector_load_idx %arg5[%add3A_582] : memref<4224xf32, #tpu.memory_space<vmem>>[vector<16xi32>], vector<16xf32>,
        %slice3A_584 = vector.extract_strided_slice %get3A_93 {offsets = [9], sizes = [1], strides = [1]} : vector<16xi32> to vector<1xi32>
        %squeeze3A_585 = vector.extract %slice3A_584[0] : i32 from vector<1xi32>
        %broadcast_in_dim3A_586 = vector.broadcast %squeeze3A_585 : i32 to vector<16xi32>
        %mul3A_587 = arith.constant 64 : i32
        %mul3A_588 = vector.broadcast %mul3A_587 : i32 to vector<16xi32>
        %mul3A_589 = arith.muli %broadcast_in_dim3A_586, %mul3A_588 : vector<16xi32>
        %add3A_590 = arith.addi %mul3A_589, %iota3A : vector<16xi32>
        %add3A_591 = arith.constant 0 : i32
        %add3A_592 = vector.broadcast %add3A_591 : i32 to vector<16xi32>
        %add3A_593 = arith.addi %add3A_590, %add3A_592 : vector<16xi32>
        %gather3A_594 = tpu.vector_load_idx %arg5[%add3A_593] : memref<4224xf32, #tpu.memory_space<vmem>>[vector<16xi32>], vector<16xf32>,
        %add3A_595 = arith.constant 16 : i32
        %add3A_596 = vector.broadcast %add3A_595 : i32 to vector<16xi32>
        %add3A_597 = arith.addi %add3A_590, %add3A_596 : vector<16xi32>
        %gather3A_598 = tpu.vector_load_idx %arg5[%add3A_597] : memref<4224xf32, #tpu.memory_space<vmem>>[vector<16xi32>], vector<16xf32>,
        %add3A_599 = arith.constant 32 : i32
        %add3A_600 = vector.broadcast %add3A_599 : i32 to vector<16xi32>
        %add3A_601 = arith.addi %add3A_590, %add3A_600 : vector<16xi32>
        %gather3A_602 = tpu.vector_load_idx %arg5[%add3A_601] : memref<4224xf32, #tpu.memory_space<vmem>>[vector<16xi32>], vector<16xf32>,
        %add3A_603 = arith.constant 48 : i32
        %add3A_604 = vector.broadcast %add3A_603 : i32 to vector<16xi32>
        %add3A_605 = arith.addi %add3A_590, %add3A_604 : vector<16xi32>
        %gather3A_606 = tpu.vector_load_idx %arg5[%add3A_605] : memref<4224xf32, #tpu.memory_space<vmem>>[vector<16xi32>], vector<16xf32>,
        %mul3A_607 = arith.constant 16 : i32
        %mul3A_608 = arith.muli %add3A_90, %mul3A_607 : i32
        %add3A_609 = arith.constant 8 : i32
        %add3A_610 = arith.addi %mul3A_608, %add3A_609 : i32
        %add3A_611 = arith.constant 0 : i32
        %add3A_612 = arith.addi %add3A_610, %add3A_611 : i32
        %swap3A_613 = arith.index_cast %add3A_612 : i32 to index
        %swap3A_614 = arith.constant 0 : index
        %swap3A_615 = tpu.vector_load %arg8[%swap3A_613, %swap3A_614] {strides = array<i32>} : memref<256x64xf32, #tpu.memory_space<vmem>>, vector<16xf32>,
        tpu.vector_store %arg8[%swap3A_613, %swap3A_614], %gather3A_571 {strides = array<i32>} : memref<256x64xf32, #tpu.memory_space<vmem>>, vector<16xf32>,
        %mul3A_616 = arith.constant 16 : i32
        %mul3A_617 = arith.muli %add3A_90, %mul3A_616 : i32
        %add3A_618 = arith.constant 8 : i32
        %add3A_619 = arith.addi %mul3A_617, %add3A_618 : i32
        %add3A_620 = arith.constant 0 : i32
        %add3A_621 = arith.addi %add3A_619, %add3A_620 : i32
        %swap3A_622 = arith.index_cast %add3A_621 : i32 to index
        %swap3A_623 = arith.constant 16 : index
        %swap3A_624 = tpu.vector_load %arg8[%swap3A_622, %swap3A_623] {strides = array<i32>} : memref<256x64xf32, #tpu.memory_space<vmem>>, vector<16xf32>,
        tpu.vector_store %arg8[%swap3A_622, %swap3A_623], %gather3A_575 {strides = array<i32>} : memref<256x64xf32, #tpu.memory_space<vmem>>, vector<16xf32>,
        %mul3A_625 = arith.constant 16 : i32
        %mul3A_626 = arith.muli %add3A_90, %mul3A_625 : i32
        %add3A_627 = arith.constant 8 : i32
        %add3A_628 = arith.addi %mul3A_626, %add3A_627 : i32
        %add3A_629 = arith.constant 0 : i32
        %add3A_630 = arith.addi %add3A_628, %add3A_629 : i32
        %swap3A_631 = arith.index_cast %add3A_630 : i32 to index
        %swap3A_632 = arith.constant 32 : index
        %swap3A_633 = tpu.vector_load %arg8[%swap3A_631, %swap3A_632] {strides = array<i32>} : memref<256x64xf32, #tpu.memory_space<vmem>>, vector<16xf32>,
        tpu.vector_store %arg8[%swap3A_631, %swap3A_632], %gather3A_579 {strides = array<i32>} : memref<256x64xf32, #tpu.memory_space<vmem>>, vector<16xf32>,
        %mul3A_634 = arith.constant 16 : i32
        %mul3A_635 = arith.muli %add3A_90, %mul3A_634 : i32
        %add3A_636 = arith.constant 8 : i32
        %add3A_637 = arith.addi %mul3A_635, %add3A_636 : i32
        %add3A_638 = arith.constant 0 : i32
        %add3A_639 = arith.addi %add3A_637, %add3A_638 : i32
        %swap3A_640 = arith.index_cast %add3A_639 : i32 to index
        %swap3A_641 = arith.constant 48 : index
        %swap3A_642 = tpu.vector_load %arg8[%swap3A_640, %swap3A_641] {strides = array<i32>} : memref<256x64xf32, #tpu.memory_space<vmem>>, vector<16xf32>,
        tpu.vector_store %arg8[%swap3A_640, %swap3A_641], %gather3A_583 {strides = array<i32>} : memref<256x64xf32, #tpu.memory_space<vmem>>, vector<16xf32>,
        %mul3A_643 = arith.constant 16 : i32
        %mul3A_644 = arith.muli %add3A_90, %mul3A_643 : i32
        %add3A_645 = arith.constant 8 : i32
        %add3A_646 = arith.addi %mul3A_644, %add3A_645 : i32
        %add3A_647 = arith.constant 1 : i32
        %add3A_648 = arith.addi %add3A_646, %add3A_647 : i32
        %swap3A_649 = arith.index_cast %add3A_648 : i32 to index
        %swap3A_650 = arith.constant 0 : index
        %swap3A_651 = tpu.vector_load %arg8[%swap3A_649, %swap3A_650] {strides = array<i32>} : memref<256x64xf32, #tpu.memory_space<vmem>>, vector<16xf32>,
        tpu.vector_store %arg8[%swap3A_649, %swap3A_650], %gather3A_594 {strides = array<i32>} : memref<256x64xf32, #tpu.memory_space<vmem>>, vector<16xf32>,
        %mul3A_652 = arith.constant 16 : i32
        %mul3A_653 = arith.muli %add3A_90, %mul3A_652 : i32
        %add3A_654 = arith.constant 8 : i32
        %add3A_655 = arith.addi %mul3A_653, %add3A_654 : i32
        %add3A_656 = arith.constant 1 : i32
        %add3A_657 = arith.addi %add3A_655, %add3A_656 : i32
        %swap3A_658 = arith.index_cast %add3A_657 : i32 to index
        %swap3A_659 = arith.constant 16 : index
        %swap3A_660 = tpu.vector_load %arg8[%swap3A_658, %swap3A_659] {strides = array<i32>} : memref<256x64xf32, #tpu.memory_space<vmem>>, vector<16xf32>,
        tpu.vector_store %arg8[%swap3A_658, %swap3A_659], %gather3A_598 {strides = array<i32>} : memref<256x64xf32, #tpu.memory_space<vmem>>, vector<16xf32>,
        %mul3A_661 = arith.constant 16 : i32
        %mul3A_662 = arith.muli %add3A_90, %mul3A_661 : i32
        %add3A_663 = arith.constant 8 : i32
        %add3A_664 = arith.addi %mul3A_662, %add3A_663 : i32
        %add3A_665 = arith.constant 1 : i32
        %add3A_666 = arith.addi %add3A_664, %add3A_665 : i32
        %swap3A_667 = arith.index_cast %add3A_666 : i32 to index
        %swap3A_668 = arith.constant 32 : index
        %swap3A_669 = tpu.vector_load %arg8[%swap3A_667, %swap3A_668] {strides = array<i32>} : memref<256x64xf32, #tpu.memory_space<vmem>>, vector<16xf32>,
        tpu.vector_store %arg8[%swap3A_667, %swap3A_668], %gather3A_602 {strides = array<i32>} : memref<256x64xf32, #tpu.memory_space<vmem>>, vector<16xf32>,
        %mul3A_670 = arith.constant 16 : i32
        %mul3A_671 = arith.muli %add3A_90, %mul3A_670 : i32
        %add3A_672 = arith.constant 8 : i32
        %add3A_673 = arith.addi %mul3A_671, %add3A_672 : i32
        %add3A_674 = arith.constant 1 : i32
        %add3A_675 = arith.addi %add3A_673, %add3A_674 : i32
        %swap3A_676 = arith.index_cast %add3A_675 : i32 to index
        %swap3A_677 = arith.constant 48 : index
        %swap3A_678 = tpu.vector_load %arg8[%swap3A_676, %swap3A_677] {strides = array<i32>} : memref<256x64xf32, #tpu.memory_space<vmem>>, vector<16xf32>,
        tpu.vector_store %arg8[%swap3A_676, %swap3A_677], %gather3A_606 {strides = array<i32>} : memref<256x64xf32, #tpu.memory_space<vmem>>, vector<16xf32>,
        %slice3A_679 = vector.extract_strided_slice %get3A_93 {offsets = [10], sizes = [1], strides = [1]} : vector<16xi32> to vector<1xi32>
        %squeeze3A_680 = vector.extract %slice3A_679[0] : i32 from vector<1xi32>
        %broadcast_in_dim3A_681 = vector.broadcast %squeeze3A_680 : i32 to vector<16xi32>
        %mul3A_682 = arith.constant 64 : i32
        %mul3A_683 = vector.broadcast %mul3A_682 : i32 to vector<16xi32>
        %mul3A_684 = arith.muli %broadcast_in_dim3A_681, %mul3A_683 : vector<16xi32>
        %add3A_685 = arith.addi %mul3A_684, %iota3A : vector<16xi32>
        %add3A_686 = arith.constant 0 : i32
        %add3A_687 = vector.broadcast %add3A_686 : i32 to vector<16xi32>
        %add3A_688 = arith.addi %add3A_685, %add3A_687 : vector<16xi32>
        %gather3A_689 = tpu.vector_load_idx %arg5[%add3A_688] : memref<4224xf32, #tpu.memory_space<vmem>>[vector<16xi32>], vector<16xf32>,
        %add3A_690 = arith.constant 16 : i32
        %add3A_691 = vector.broadcast %add3A_690 : i32 to vector<16xi32>
        %add3A_692 = arith.addi %add3A_685, %add3A_691 : vector<16xi32>
        %gather3A_693 = tpu.vector_load_idx %arg5[%add3A_692] : memref<4224xf32, #tpu.memory_space<vmem>>[vector<16xi32>], vector<16xf32>,
        %add3A_694 = arith.constant 32 : i32
        %add3A_695 = vector.broadcast %add3A_694 : i32 to vector<16xi32>
        %add3A_696 = arith.addi %add3A_685, %add3A_695 : vector<16xi32>
        %gather3A_697 = tpu.vector_load_idx %arg5[%add3A_696] : memref<4224xf32, #tpu.memory_space<vmem>>[vector<16xi32>], vector<16xf32>,
        %add3A_698 = arith.constant 48 : i32
        %add3A_699 = vector.broadcast %add3A_698 : i32 to vector<16xi32>
        %add3A_700 = arith.addi %add3A_685, %add3A_699 : vector<16xi32>
        %gather3A_701 = tpu.vector_load_idx %arg5[%add3A_700] : memref<4224xf32, #tpu.memory_space<vmem>>[vector<16xi32>], vector<16xf32>,
        %slice3A_702 = vector.extract_strided_slice %get3A_93 {offsets = [11], sizes = [1], strides = [1]} : vector<16xi32> to vector<1xi32>
        %squeeze3A_703 = vector.extract %slice3A_702[0] : i32 from vector<1xi32>
        %broadcast_in_dim3A_704 = vector.broadcast %squeeze3A_703 : i32 to vector<16xi32>
        %mul3A_705 = arith.constant 64 : i32
        %mul3A_706 = vector.broadcast %mul3A_705 : i32 to vector<16xi32>
        %mul3A_707 = arith.muli %broadcast_in_dim3A_704, %mul3A_706 : vector<16xi32>
        %add3A_708 = arith.addi %mul3A_707, %iota3A : vector<16xi32>
        %add3A_709 = arith.constant 0 : i32
        %add3A_710 = vector.broadcast %add3A_709 : i32 to vector<16xi32>
        %add3A_711 = arith.addi %add3A_708, %add3A_710 : vector<16xi32>
        %gather3A_712 = tpu.vector_load_idx %arg5[%add3A_711] : memref<4224xf32, #tpu.memory_space<vmem>>[vector<16xi32>], vector<16xf32>,
        %add3A_713 = arith.constant 16 : i32
        %add3A_714 = vector.broadcast %add3A_713 : i32 to vector<16xi32>
        %add3A_715 = arith.addi %add3A_708, %add3A_714 : vector<16xi32>
        %gather3A_716 = tpu.vector_load_idx %arg5[%add3A_715] : memref<4224xf32, #tpu.memory_space<vmem>>[vector<16xi32>], vector<16xf32>,
        %add3A_717 = arith.constant 32 : i32
        %add3A_718 = vector.broadcast %add3A_717 : i32 to vector<16xi32>
        %add3A_719 = arith.addi %add3A_708, %add3A_718 : vector<16xi32>
        %gather3A_720 = tpu.vector_load_idx %arg5[%add3A_719] : memref<4224xf32, #tpu.memory_space<vmem>>[vector<16xi32>], vector<16xf32>,
        %add3A_721 = arith.constant 48 : i32
        %add3A_722 = vector.broadcast %add3A_721 : i32 to vector<16xi32>
        %add3A_723 = arith.addi %add3A_708, %add3A_722 : vector<16xi32>
        %gather3A_724 = tpu.vector_load_idx %arg5[%add3A_723] : memref<4224xf32, #tpu.memory_space<vmem>>[vector<16xi32>], vector<16xf32>,
        %mul3A_725 = arith.constant 16 : i32
        %mul3A_726 = arith.muli %add3A_90, %mul3A_725 : i32
        %add3A_727 = arith.constant 10 : i32
        %add3A_728 = arith.addi %mul3A_726, %add3A_727 : i32
        %add3A_729 = arith.constant 0 : i32
        %add3A_730 = arith.addi %add3A_728, %add3A_729 : i32
        %swap3A_731 = arith.index_cast %add3A_730 : i32 to index
        %swap3A_732 = arith.constant 0 : index
        %swap3A_733 = tpu.vector_load %arg8[%swap3A_731, %swap3A_732] {strides = array<i32>} : memref<256x64xf32, #tpu.memory_space<vmem>>, vector<16xf32>,
        tpu.vector_store %arg8[%swap3A_731, %swap3A_732], %gather3A_689 {strides = array<i32>} : memref<256x64xf32, #tpu.memory_space<vmem>>, vector<16xf32>,
        %mul3A_734 = arith.constant 16 : i32
        %mul3A_735 = arith.muli %add3A_90, %mul3A_734 : i32
        %add3A_736 = arith.constant 10 : i32
        %add3A_737 = arith.addi %mul3A_735, %add3A_736 : i32
        %add3A_738 = arith.constant 0 : i32
        %add3A_739 = arith.addi %add3A_737, %add3A_738 : i32
        %swap3A_740 = arith.index_cast %add3A_739 : i32 to index
        %swap3A_741 = arith.constant 16 : index
        %swap3A_742 = tpu.vector_load %arg8[%swap3A_740, %swap3A_741] {strides = array<i32>} : memref<256x64xf32, #tpu.memory_space<vmem>>, vector<16xf32>,
        tpu.vector_store %arg8[%swap3A_740, %swap3A_741], %gather3A_693 {strides = array<i32>} : memref<256x64xf32, #tpu.memory_space<vmem>>, vector<16xf32>,
        %mul3A_743 = arith.constant 16 : i32
        %mul3A_744 = arith.muli %add3A_90, %mul3A_743 : i32
        %add3A_745 = arith.constant 10 : i32
        %add3A_746 = arith.addi %mul3A_744, %add3A_745 : i32
        %add3A_747 = arith.constant 0 : i32
        %add3A_748 = arith.addi %add3A_746, %add3A_747 : i32
        %swap3A_749 = arith.index_cast %add3A_748 : i32 to index
        %swap3A_750 = arith.constant 32 : index
        %swap3A_751 = tpu.vector_load %arg8[%swap3A_749, %swap3A_750] {strides = array<i32>} : memref<256x64xf32, #tpu.memory_space<vmem>>, vector<16xf32>,
        tpu.vector_store %arg8[%swap3A_749, %swap3A_750], %gather3A_697 {strides = array<i32>} : memref<256x64xf32, #tpu.memory_space<vmem>>, vector<16xf32>,
        %mul3A_752 = arith.constant 16 : i32
        %mul3A_753 = arith.muli %add3A_90, %mul3A_752 : i32
        %add3A_754 = arith.constant 10 : i32
        %add3A_755 = arith.addi %mul3A_753, %add3A_754 : i32
        %add3A_756 = arith.constant 0 : i32
        %add3A_757 = arith.addi %add3A_755, %add3A_756 : i32
        %swap3A_758 = arith.index_cast %add3A_757 : i32 to index
        %swap3A_759 = arith.constant 48 : index
        %swap3A_760 = tpu.vector_load %arg8[%swap3A_758, %swap3A_759] {strides = array<i32>} : memref<256x64xf32, #tpu.memory_space<vmem>>, vector<16xf32>,
        tpu.vector_store %arg8[%swap3A_758, %swap3A_759], %gather3A_701 {strides = array<i32>} : memref<256x64xf32, #tpu.memory_space<vmem>>, vector<16xf32>,
        %mul3A_761 = arith.constant 16 : i32
        %mul3A_762 = arith.muli %add3A_90, %mul3A_761 : i32
        %add3A_763 = arith.constant 10 : i32
        %add3A_764 = arith.addi %mul3A_762, %add3A_763 : i32
        %add3A_765 = arith.constant 1 : i32
        %add3A_766 = arith.addi %add3A_764, %add3A_765 : i32
        %swap3A_767 = arith.index_cast %add3A_766 : i32 to index
        %swap3A_768 = arith.constant 0 : index
        %swap3A_769 = tpu.vector_load %arg8[%swap3A_767, %swap3A_768] {strides = array<i32>} : memref<256x64xf32, #tpu.memory_space<vmem>>, vector<16xf32>,
        tpu.vector_store %arg8[%swap3A_767, %swap3A_768], %gather3A_712 {strides = array<i32>} : memref<256x64xf32, #tpu.memory_space<vmem>>, vector<16xf32>,
        %mul3A_770 = arith.constant 16 : i32
        %mul3A_771 = arith.muli %add3A_90, %mul3A_770 : i32
        %add3A_772 = arith.constant 10 : i32
        %add3A_773 = arith.addi %mul3A_771, %add3A_772 : i32
        %add3A_774 = arith.constant 1 : i32
        %add3A_775 = arith.addi %add3A_773, %add3A_774 : i32
        %swap3A_776 = arith.index_cast %add3A_775 : i32 to index
        %swap3A_777 = arith.constant 16 : index
        %swap3A_778 = tpu.vector_load %arg8[%swap3A_776, %swap3A_777] {strides = array<i32>} : memref<256x64xf32, #tpu.memory_space<vmem>>, vector<16xf32>,
        tpu.vector_store %arg8[%swap3A_776, %swap3A_777], %gather3A_716 {strides = array<i32>} : memref<256x64xf32, #tpu.memory_space<vmem>>, vector<16xf32>,
        %mul3A_779 = arith.constant 16 : i32
        %mul3A_780 = arith.muli %add3A_90, %mul3A_779 : i32
        %add3A_781 = arith.constant 10 : i32
        %add3A_782 = arith.addi %mul3A_780, %add3A_781 : i32
        %add3A_783 = arith.constant 1 : i32
        %add3A_784 = arith.addi %add3A_782, %add3A_783 : i32
        %swap3A_785 = arith.index_cast %add3A_784 : i32 to index
        %swap3A_786 = arith.constant 32 : index
        %swap3A_787 = tpu.vector_load %arg8[%swap3A_785, %swap3A_786] {strides = array<i32>} : memref<256x64xf32, #tpu.memory_space<vmem>>, vector<16xf32>,
        tpu.vector_store %arg8[%swap3A_785, %swap3A_786], %gather3A_720 {strides = array<i32>} : memref<256x64xf32, #tpu.memory_space<vmem>>, vector<16xf32>,
        %mul3A_788 = arith.constant 16 : i32
        %mul3A_789 = arith.muli %add3A_90, %mul3A_788 : i32
        %add3A_790 = arith.constant 10 : i32
        %add3A_791 = arith.addi %mul3A_789, %add3A_790 : i32
        %add3A_792 = arith.constant 1 : i32
        %add3A_793 = arith.addi %add3A_791, %add3A_792 : i32
        %swap3A_794 = arith.index_cast %add3A_793 : i32 to index
        %swap3A_795 = arith.constant 48 : index
        %swap3A_796 = tpu.vector_load %arg8[%swap3A_794, %swap3A_795] {strides = array<i32>} : memref<256x64xf32, #tpu.memory_space<vmem>>, vector<16xf32>,
        tpu.vector_store %arg8[%swap3A_794, %swap3A_795], %gather3A_724 {strides = array<i32>} : memref<256x64xf32, #tpu.memory_space<vmem>>, vector<16xf32>,
        %slice3A_797 = vector.extract_strided_slice %get3A_93 {offsets = [12], sizes = [1], strides = [1]} : vector<16xi32> to vector<1xi32>
        %squeeze3A_798 = vector.extract %slice3A_797[0] : i32 from vector<1xi32>
        %broadcast_in_dim3A_799 = vector.broadcast %squeeze3A_798 : i32 to vector<16xi32>
        %mul3A_800 = arith.constant 64 : i32
        %mul3A_801 = vector.broadcast %mul3A_800 : i32 to vector<16xi32>
        %mul3A_802 = arith.muli %broadcast_in_dim3A_799, %mul3A_801 : vector<16xi32>
        %add3A_803 = arith.addi %mul3A_802, %iota3A : vector<16xi32>
        %add3A_804 = arith.constant 0 : i32
        %add3A_805 = vector.broadcast %add3A_804 : i32 to vector<16xi32>
        %add3A_806 = arith.addi %add3A_803, %add3A_805 : vector<16xi32>
        %gather3A_807 = tpu.vector_load_idx %arg5[%add3A_806] : memref<4224xf32, #tpu.memory_space<vmem>>[vector<16xi32>], vector<16xf32>,
        %add3A_808 = arith.constant 16 : i32
        %add3A_809 = vector.broadcast %add3A_808 : i32 to vector<16xi32>
        %add3A_810 = arith.addi %add3A_803, %add3A_809 : vector<16xi32>
        %gather3A_811 = tpu.vector_load_idx %arg5[%add3A_810] : memref<4224xf32, #tpu.memory_space<vmem>>[vector<16xi32>], vector<16xf32>,
        %add3A_812 = arith.constant 32 : i32
        %add3A_813 = vector.broadcast %add3A_812 : i32 to vector<16xi32>
        %add3A_814 = arith.addi %add3A_803, %add3A_813 : vector<16xi32>
        %gather3A_815 = tpu.vector_load_idx %arg5[%add3A_814] : memref<4224xf32, #tpu.memory_space<vmem>>[vector<16xi32>], vector<16xf32>,
        %add3A_816 = arith.constant 48 : i32
        %add3A_817 = vector.broadcast %add3A_816 : i32 to vector<16xi32>
        %add3A_818 = arith.addi %add3A_803, %add3A_817 : vector<16xi32>
        %gather3A_819 = tpu.vector_load_idx %arg5[%add3A_818] : memref<4224xf32, #tpu.memory_space<vmem>>[vector<16xi32>], vector<16xf32>,
        %slice3A_820 = vector.extract_strided_slice %get3A_93 {offsets = [13], sizes = [1], strides = [1]} : vector<16xi32> to vector<1xi32>
        %squeeze3A_821 = vector.extract %slice3A_820[0] : i32 from vector<1xi32>
        %broadcast_in_dim3A_822 = vector.broadcast %squeeze3A_821 : i32 to vector<16xi32>
        %mul3A_823 = arith.constant 64 : i32
        %mul3A_824 = vector.broadcast %mul3A_823 : i32 to vector<16xi32>
        %mul3A_825 = arith.muli %broadcast_in_dim3A_822, %mul3A_824 : vector<16xi32>
        %add3A_826 = arith.addi %mul3A_825, %iota3A : vector<16xi32>
        %add3A_827 = arith.constant 0 : i32
        %add3A_828 = vector.broadcast %add3A_827 : i32 to vector<16xi32>
        %add3A_829 = arith.addi %add3A_826, %add3A_828 : vector<16xi32>
        %gather3A_830 = tpu.vector_load_idx %arg5[%add3A_829] : memref<4224xf32, #tpu.memory_space<vmem>>[vector<16xi32>], vector<16xf32>,
        %add3A_831 = arith.constant 16 : i32
        %add3A_832 = vector.broadcast %add3A_831 : i32 to vector<16xi32>
        %add3A_833 = arith.addi %add3A_826, %add3A_832 : vector<16xi32>
        %gather3A_834 = tpu.vector_load_idx %arg5[%add3A_833] : memref<4224xf32, #tpu.memory_space<vmem>>[vector<16xi32>], vector<16xf32>,
        %add3A_835 = arith.constant 32 : i32
        %add3A_836 = vector.broadcast %add3A_835 : i32 to vector<16xi32>
        %add3A_837 = arith.addi %add3A_826, %add3A_836 : vector<16xi32>
        %gather3A_838 = tpu.vector_load_idx %arg5[%add3A_837] : memref<4224xf32, #tpu.memory_space<vmem>>[vector<16xi32>], vector<16xf32>,
        %add3A_839 = arith.constant 48 : i32
        %add3A_840 = vector.broadcast %add3A_839 : i32 to vector<16xi32>
        %add3A_841 = arith.addi %add3A_826, %add3A_840 : vector<16xi32>
        %gather3A_842 = tpu.vector_load_idx %arg5[%add3A_841] : memref<4224xf32, #tpu.memory_space<vmem>>[vector<16xi32>], vector<16xf32>,
        %mul3A_843 = arith.constant 16 : i32
        %mul3A_844 = arith.muli %add3A_90, %mul3A_843 : i32
        %add3A_845 = arith.constant 12 : i32
        %add3A_846 = arith.addi %mul3A_844, %add3A_845 : i32
        %add3A_847 = arith.constant 0 : i32
        %add3A_848 = arith.addi %add3A_846, %add3A_847 : i32
        %swap3A_849 = arith.index_cast %add3A_848 : i32 to index
        %swap3A_850 = arith.constant 0 : index
        %swap3A_851 = tpu.vector_load %arg8[%swap3A_849, %swap3A_850] {strides = array<i32>} : memref<256x64xf32, #tpu.memory_space<vmem>>, vector<16xf32>,
        tpu.vector_store %arg8[%swap3A_849, %swap3A_850], %gather3A_807 {strides = array<i32>} : memref<256x64xf32, #tpu.memory_space<vmem>>, vector<16xf32>,
        %mul3A_852 = arith.constant 16 : i32
        %mul3A_853 = arith.muli %add3A_90, %mul3A_852 : i32
        %add3A_854 = arith.constant 12 : i32
        %add3A_855 = arith.addi %mul3A_853, %add3A_854 : i32
        %add3A_856 = arith.constant 0 : i32
        %add3A_857 = arith.addi %add3A_855, %add3A_856 : i32
        %swap3A_858 = arith.index_cast %add3A_857 : i32 to index
        %swap3A_859 = arith.constant 16 : index
        %swap3A_860 = tpu.vector_load %arg8[%swap3A_858, %swap3A_859] {strides = array<i32>} : memref<256x64xf32, #tpu.memory_space<vmem>>, vector<16xf32>,
        tpu.vector_store %arg8[%swap3A_858, %swap3A_859], %gather3A_811 {strides = array<i32>} : memref<256x64xf32, #tpu.memory_space<vmem>>, vector<16xf32>,
        %mul3A_861 = arith.constant 16 : i32
        %mul3A_862 = arith.muli %add3A_90, %mul3A_861 : i32
        %add3A_863 = arith.constant 12 : i32
        %add3A_864 = arith.addi %mul3A_862, %add3A_863 : i32
        %add3A_865 = arith.constant 0 : i32
        %add3A_866 = arith.addi %add3A_864, %add3A_865 : i32
        %swap3A_867 = arith.index_cast %add3A_866 : i32 to index
        %swap3A_868 = arith.constant 32 : index
        %swap3A_869 = tpu.vector_load %arg8[%swap3A_867, %swap3A_868] {strides = array<i32>} : memref<256x64xf32, #tpu.memory_space<vmem>>, vector<16xf32>,
        tpu.vector_store %arg8[%swap3A_867, %swap3A_868], %gather3A_815 {strides = array<i32>} : memref<256x64xf32, #tpu.memory_space<vmem>>, vector<16xf32>,
        %mul3A_870 = arith.constant 16 : i32
        %mul3A_871 = arith.muli %add3A_90, %mul3A_870 : i32
        %add3A_872 = arith.constant 12 : i32
        %add3A_873 = arith.addi %mul3A_871, %add3A_872 : i32
        %add3A_874 = arith.constant 0 : i32
        %add3A_875 = arith.addi %add3A_873, %add3A_874 : i32
        %swap3A_876 = arith.index_cast %add3A_875 : i32 to index
        %swap3A_877 = arith.constant 48 : index
        %swap3A_878 = tpu.vector_load %arg8[%swap3A_876, %swap3A_877] {strides = array<i32>} : memref<256x64xf32, #tpu.memory_space<vmem>>, vector<16xf32>,
        tpu.vector_store %arg8[%swap3A_876, %swap3A_877], %gather3A_819 {strides = array<i32>} : memref<256x64xf32, #tpu.memory_space<vmem>>, vector<16xf32>,
        %mul3A_879 = arith.constant 16 : i32
        %mul3A_880 = arith.muli %add3A_90, %mul3A_879 : i32
        %add3A_881 = arith.constant 12 : i32
        %add3A_882 = arith.addi %mul3A_880, %add3A_881 : i32
        %add3A_883 = arith.constant 1 : i32
        %add3A_884 = arith.addi %add3A_882, %add3A_883 : i32
        %swap3A_885 = arith.index_cast %add3A_884 : i32 to index
        %swap3A_886 = arith.constant 0 : index
        %swap3A_887 = tpu.vector_load %arg8[%swap3A_885, %swap3A_886] {strides = array<i32>} : memref<256x64xf32, #tpu.memory_space<vmem>>, vector<16xf32>,
        tpu.vector_store %arg8[%swap3A_885, %swap3A_886], %gather3A_830 {strides = array<i32>} : memref<256x64xf32, #tpu.memory_space<vmem>>, vector<16xf32>,
        %mul3A_888 = arith.constant 16 : i32
        %mul3A_889 = arith.muli %add3A_90, %mul3A_888 : i32
        %add3A_890 = arith.constant 12 : i32
        %add3A_891 = arith.addi %mul3A_889, %add3A_890 : i32
        %add3A_892 = arith.constant 1 : i32
        %add3A_893 = arith.addi %add3A_891, %add3A_892 : i32
        %swap3A_894 = arith.index_cast %add3A_893 : i32 to index
        %swap3A_895 = arith.constant 16 : index
        %swap3A_896 = tpu.vector_load %arg8[%swap3A_894, %swap3A_895] {strides = array<i32>} : memref<256x64xf32, #tpu.memory_space<vmem>>, vector<16xf32>,
        tpu.vector_store %arg8[%swap3A_894, %swap3A_895], %gather3A_834 {strides = array<i32>} : memref<256x64xf32, #tpu.memory_space<vmem>>, vector<16xf32>,
        %mul3A_897 = arith.constant 16 : i32
        %mul3A_898 = arith.muli %add3A_90, %mul3A_897 : i32
        %add3A_899 = arith.constant 12 : i32
        %add3A_900 = arith.addi %mul3A_898, %add3A_899 : i32
        %add3A_901 = arith.constant 1 : i32
        %add3A_902 = arith.addi %add3A_900, %add3A_901 : i32
        %swap3A_903 = arith.index_cast %add3A_902 : i32 to index
        %swap3A_904 = arith.constant 32 : index
        %swap3A_905 = tpu.vector_load %arg8[%swap3A_903, %swap3A_904] {strides = array<i32>} : memref<256x64xf32, #tpu.memory_space<vmem>>, vector<16xf32>,
        tpu.vector_store %arg8[%swap3A_903, %swap3A_904], %gather3A_838 {strides = array<i32>} : memref<256x64xf32, #tpu.memory_space<vmem>>, vector<16xf32>,
        %mul3A_906 = arith.constant 16 : i32
        %mul3A_907 = arith.muli %add3A_90, %mul3A_906 : i32
        %add3A_908 = arith.constant 12 : i32
        %add3A_909 = arith.addi %mul3A_907, %add3A_908 : i32
        %add3A_910 = arith.constant 1 : i32
        %add3A_911 = arith.addi %add3A_909, %add3A_910 : i32
        %swap3A_912 = arith.index_cast %add3A_911 : i32 to index
        %swap3A_913 = arith.constant 48 : index
        %swap3A_914 = tpu.vector_load %arg8[%swap3A_912, %swap3A_913] {strides = array<i32>} : memref<256x64xf32, #tpu.memory_space<vmem>>, vector<16xf32>,
        tpu.vector_store %arg8[%swap3A_912, %swap3A_913], %gather3A_842 {strides = array<i32>} : memref<256x64xf32, #tpu.memory_space<vmem>>, vector<16xf32>,
        %slice3A_915 = vector.extract_strided_slice %get3A_93 {offsets = [14], sizes = [1], strides = [1]} : vector<16xi32> to vector<1xi32>
        %squeeze3A_916 = vector.extract %slice3A_915[0] : i32 from vector<1xi32>
        %broadcast_in_dim3A_917 = vector.broadcast %squeeze3A_916 : i32 to vector<16xi32>
        %mul3A_918 = arith.constant 64 : i32
        %mul3A_919 = vector.broadcast %mul3A_918 : i32 to vector<16xi32>
        %mul3A_920 = arith.muli %broadcast_in_dim3A_917, %mul3A_919 : vector<16xi32>
        %add3A_921 = arith.addi %mul3A_920, %iota3A : vector<16xi32>
        %add3A_922 = arith.constant 0 : i32
        %add3A_923 = vector.broadcast %add3A_922 : i32 to vector<16xi32>
        %add3A_924 = arith.addi %add3A_921, %add3A_923 : vector<16xi32>
        %gather3A_925 = tpu.vector_load_idx %arg5[%add3A_924] : memref<4224xf32, #tpu.memory_space<vmem>>[vector<16xi32>], vector<16xf32>,
        %add3A_926 = arith.constant 16 : i32
        %add3A_927 = vector.broadcast %add3A_926 : i32 to vector<16xi32>
        %add3A_928 = arith.addi %add3A_921, %add3A_927 : vector<16xi32>
        %gather3A_929 = tpu.vector_load_idx %arg5[%add3A_928] : memref<4224xf32, #tpu.memory_space<vmem>>[vector<16xi32>], vector<16xf32>,
        %add3A_930 = arith.constant 32 : i32
        %add3A_931 = vector.broadcast %add3A_930 : i32 to vector<16xi32>
        %add3A_932 = arith.addi %add3A_921, %add3A_931 : vector<16xi32>
        %gather3A_933 = tpu.vector_load_idx %arg5[%add3A_932] : memref<4224xf32, #tpu.memory_space<vmem>>[vector<16xi32>], vector<16xf32>,
        %add3A_934 = arith.constant 48 : i32
        %add3A_935 = vector.broadcast %add3A_934 : i32 to vector<16xi32>
        %add3A_936 = arith.addi %add3A_921, %add3A_935 : vector<16xi32>
        %gather3A_937 = tpu.vector_load_idx %arg5[%add3A_936] : memref<4224xf32, #tpu.memory_space<vmem>>[vector<16xi32>], vector<16xf32>,
        %slice3A_938 = vector.extract_strided_slice %get3A_93 {offsets = [15], sizes = [1], strides = [1]} : vector<16xi32> to vector<1xi32>
        %squeeze3A_939 = vector.extract %slice3A_938[0] : i32 from vector<1xi32>
        %broadcast_in_dim3A_940 = vector.broadcast %squeeze3A_939 : i32 to vector<16xi32>
        %mul3A_941 = arith.constant 64 : i32
        %mul3A_942 = vector.broadcast %mul3A_941 : i32 to vector<16xi32>
        %mul3A_943 = arith.muli %broadcast_in_dim3A_940, %mul3A_942 : vector<16xi32>
        %add3A_944 = arith.addi %mul3A_943, %iota3A : vector<16xi32>
        %add3A_945 = arith.constant 0 : i32
        %add3A_946 = vector.broadcast %add3A_945 : i32 to vector<16xi32>
        %add3A_947 = arith.addi %add3A_944, %add3A_946 : vector<16xi32>
        %gather3A_948 = tpu.vector_load_idx %arg5[%add3A_947] : memref<4224xf32, #tpu.memory_space<vmem>>[vector<16xi32>], vector<16xf32>,
        %add3A_949 = arith.constant 16 : i32
        %add3A_950 = vector.broadcast %add3A_949 : i32 to vector<16xi32>
        %add3A_951 = arith.addi %add3A_944, %add3A_950 : vector<16xi32>
        %gather3A_952 = tpu.vector_load_idx %arg5[%add3A_951] : memref<4224xf32, #tpu.memory_space<vmem>>[vector<16xi32>], vector<16xf32>,
        %add3A_953 = arith.constant 32 : i32
        %add3A_954 = vector.broadcast %add3A_953 : i32 to vector<16xi32>
        %add3A_955 = arith.addi %add3A_944, %add3A_954 : vector<16xi32>
        %gather3A_956 = tpu.vector_load_idx %arg5[%add3A_955] : memref<4224xf32, #tpu.memory_space<vmem>>[vector<16xi32>], vector<16xf32>,
        %add3A_957 = arith.constant 48 : i32
        %add3A_958 = vector.broadcast %add3A_957 : i32 to vector<16xi32>
        %add3A_959 = arith.addi %add3A_944, %add3A_958 : vector<16xi32>
        %gather3A_960 = tpu.vector_load_idx %arg5[%add3A_959] : memref<4224xf32, #tpu.memory_space<vmem>>[vector<16xi32>], vector<16xf32>,
        %mul3A_961 = arith.constant 16 : i32
        %mul3A_962 = arith.muli %add3A_90, %mul3A_961 : i32
        %add3A_963 = arith.constant 14 : i32
        %add3A_964 = arith.addi %mul3A_962, %add3A_963 : i32
        %add3A_965 = arith.constant 0 : i32
        %add3A_966 = arith.addi %add3A_964, %add3A_965 : i32
        %swap3A_967 = arith.index_cast %add3A_966 : i32 to index
        %swap3A_968 = arith.constant 0 : index
        %swap3A_969 = tpu.vector_load %arg8[%swap3A_967, %swap3A_968] {strides = array<i32>} : memref<256x64xf32, #tpu.memory_space<vmem>>, vector<16xf32>,
        tpu.vector_store %arg8[%swap3A_967, %swap3A_968], %gather3A_925 {strides = array<i32>} : memref<256x64xf32, #tpu.memory_space<vmem>>, vector<16xf32>,
        %mul3A_970 = arith.constant 16 : i32
        %mul3A_971 = arith.muli %add3A_90, %mul3A_970 : i32
        %add3A_972 = arith.constant 14 : i32
        %add3A_973 = arith.addi %mul3A_971, %add3A_972 : i32
        %add3A_974 = arith.constant 0 : i32
        %add3A_975 = arith.addi %add3A_973, %add3A_974 : i32
        %swap3A_976 = arith.index_cast %add3A_975 : i32 to index
        %swap3A_977 = arith.constant 16 : index
        %swap3A_978 = tpu.vector_load %arg8[%swap3A_976, %swap3A_977] {strides = array<i32>} : memref<256x64xf32, #tpu.memory_space<vmem>>, vector<16xf32>,
        tpu.vector_store %arg8[%swap3A_976, %swap3A_977], %gather3A_929 {strides = array<i32>} : memref<256x64xf32, #tpu.memory_space<vmem>>, vector<16xf32>,
        %mul3A_979 = arith.constant 16 : i32
        %mul3A_980 = arith.muli %add3A_90, %mul3A_979 : i32
        %add3A_981 = arith.constant 14 : i32
        %add3A_982 = arith.addi %mul3A_980, %add3A_981 : i32
        %add3A_983 = arith.constant 0 : i32
        %add3A_984 = arith.addi %add3A_982, %add3A_983 : i32
        %swap3A_985 = arith.index_cast %add3A_984 : i32 to index
        %swap3A_986 = arith.constant 32 : index
        %swap3A_987 = tpu.vector_load %arg8[%swap3A_985, %swap3A_986] {strides = array<i32>} : memref<256x64xf32, #tpu.memory_space<vmem>>, vector<16xf32>,
        tpu.vector_store %arg8[%swap3A_985, %swap3A_986], %gather3A_933 {strides = array<i32>} : memref<256x64xf32, #tpu.memory_space<vmem>>, vector<16xf32>,
        %mul3A_988 = arith.constant 16 : i32
        %mul3A_989 = arith.muli %add3A_90, %mul3A_988 : i32
        %add3A_990 = arith.constant 14 : i32
        %add3A_991 = arith.addi %mul3A_989, %add3A_990 : i32
        %add3A_992 = arith.constant 0 : i32
        %add3A_993 = arith.addi %add3A_991, %add3A_992 : i32
        %swap3A_994 = arith.index_cast %add3A_993 : i32 to index
        %swap3A_995 = arith.constant 48 : index
        %swap3A_996 = tpu.vector_load %arg8[%swap3A_994, %swap3A_995] {strides = array<i32>} : memref<256x64xf32, #tpu.memory_space<vmem>>, vector<16xf32>,
        tpu.vector_store %arg8[%swap3A_994, %swap3A_995], %gather3A_937 {strides = array<i32>} : memref<256x64xf32, #tpu.memory_space<vmem>>, vector<16xf32>,
        %mul3A_997 = arith.constant 16 : i32
        %mul3A_998 = arith.muli %add3A_90, %mul3A_997 : i32
        %add3A_999 = arith.constant 14 : i32
        %add3A_1000 = arith.addi %mul3A_998, %add3A_999 : i32
        %add3A_1001 = arith.constant 1 : i32
        %add3A_1002 = arith.addi %add3A_1000, %add3A_1001 : i32
        %swap3A_1003 = arith.index_cast %add3A_1002 : i32 to index
        %swap3A_1004 = arith.constant 0 : index
        %swap3A_1005 = tpu.vector_load %arg8[%swap3A_1003, %swap3A_1004] {strides = array<i32>} : memref<256x64xf32, #tpu.memory_space<vmem>>, vector<16xf32>,
        tpu.vector_store %arg8[%swap3A_1003, %swap3A_1004], %gather3A_948 {strides = array<i32>} : memref<256x64xf32, #tpu.memory_space<vmem>>, vector<16xf32>,
        %mul3A_1006 = arith.constant 16 : i32
        %mul3A_1007 = arith.muli %add3A_90, %mul3A_1006 : i32
        %add3A_1008 = arith.constant 14 : i32
        %add3A_1009 = arith.addi %mul3A_1007, %add3A_1008 : i32
        %add3A_1010 = arith.constant 1 : i32
        %add3A_1011 = arith.addi %add3A_1009, %add3A_1010 : i32
        %swap3A_1012 = arith.index_cast %add3A_1011 : i32 to index
        %swap3A_1013 = arith.constant 16 : index
        %swap3A_1014 = tpu.vector_load %arg8[%swap3A_1012, %swap3A_1013] {strides = array<i32>} : memref<256x64xf32, #tpu.memory_space<vmem>>, vector<16xf32>,
        tpu.vector_store %arg8[%swap3A_1012, %swap3A_1013], %gather3A_952 {strides = array<i32>} : memref<256x64xf32, #tpu.memory_space<vmem>>, vector<16xf32>,
        %mul3A_1015 = arith.constant 16 : i32
        %mul3A_1016 = arith.muli %add3A_90, %mul3A_1015 : i32
        %add3A_1017 = arith.constant 14 : i32
        %add3A_1018 = arith.addi %mul3A_1016, %add3A_1017 : i32
        %add3A_1019 = arith.constant 1 : i32
        %add3A_1020 = arith.addi %add3A_1018, %add3A_1019 : i32
        %swap3A_1021 = arith.index_cast %add3A_1020 : i32 to index
        %swap3A_1022 = arith.constant 32 : index
        %swap3A_1023 = tpu.vector_load %arg8[%swap3A_1021, %swap3A_1022] {strides = array<i32>} : memref<256x64xf32, #tpu.memory_space<vmem>>, vector<16xf32>,
        tpu.vector_store %arg8[%swap3A_1021, %swap3A_1022], %gather3A_956 {strides = array<i32>} : memref<256x64xf32, #tpu.memory_space<vmem>>, vector<16xf32>,
        %mul3A_1024 = arith.constant 16 : i32
        %mul3A_1025 = arith.muli %add3A_90, %mul3A_1024 : i32
        %add3A_1026 = arith.constant 14 : i32
        %add3A_1027 = arith.addi %mul3A_1025, %add3A_1026 : i32
        %add3A_1028 = arith.constant 1 : i32
        %add3A_1029 = arith.addi %add3A_1027, %add3A_1028 : i32
        %swap3A_1030 = arith.index_cast %add3A_1029 : i32 to index
        %swap3A_1031 = arith.constant 48 : index
        %swap3A_1032 = tpu.vector_load %arg8[%swap3A_1030, %swap3A_1031] {strides = array<i32>} : memref<256x64xf32, #tpu.memory_space<vmem>>, vector<16xf32>,
        tpu.vector_store %arg8[%swap3A_1030, %swap3A_1031], %gather3A_960 {strides = array<i32>} : memref<256x64xf32, #tpu.memory_space<vmem>>, vector<16xf32>,
      }
      %scan3A_41 = arith.constant 16 : i32
      %mul3A_42 = arith.constant 256 : i32
      %mul3A_43 = arith.muli %add3A_29, %mul3A_42 : i32
      %add3A_44 = arith.addi %mul3A_2, %mul3A_43 : i32
      %dma_start3A_45 = arith.constant 0 : i32
      %dma_start3A_46 = tpu.memref_slice %arg4[%add3A_44, %dma_start3A_45] : memref<3276800x64xf32, #tpu.memory_space<hbm>> -> memref<256x64xf32, #tpu.memory_space<hbm>>
      %dma_start3A_47 = arith.constant 0 : i32
      %dma_start3A_48 = tpu.memref_slice %arg4[%add3A_44, %dma_start3A_47] : memref<3276800x64xf32, #tpu.memory_space<hbm>> -> memref<256x64xf32, #tpu.memory_space<hbm>>
      tpu.enqueue_dma source(%arg8 : memref<256x64xf32, #tpu.memory_space<vmem>>) target(%dma_start3A_48 : memref<256x64xf32, #tpu.memory_space<hbm>>) target_semaphore(%arg13 : memref<!tpu.dma_semaphore, #tpu.memory_space<semaphore_mem>>)
      %add3A_49 = arith.constant 2 : i32
      %add3A_50 = arith.addi %add3A_29, %add3A_49 : i32
      %lt3A = arith.constant 400 : i32
      %lt3A_51 = arith.cmpi slt, %add3A_50, %lt3A : i32
      %convert_element_type3A_52 = arith.extui %lt3A_51 : i1 to i32
      %cond3A_53 = arith.constant 0 : i32
      %cond3A_54 = arith.cmpi ne, %convert_element_type3A_52, %cond3A_53 : i32
      scf.if %cond3A_54 {
        %add3A_86 = arith.constant 2 : i32
        %add3A_87 = arith.addi %add3A_29, %add3A_86 : i32
        %mul3A_88 = arith.constant 256 : i32
        %mul3A_89 = arith.muli %add3A_87, %mul3A_88 : i32
        %add3A_90 = arith.addi %mul3A_2, %mul3A_89 : i32
        %dma_start3A_91 = tpu.memref_slice %arg3[%add3A_90] : memref<3276800xi32, #tpu.memory_space<hbm>> -> memref<256xi32, #tpu.memory_space<hbm>>
        %dma_start3A_92 = tpu.memref_slice %arg3[%add3A_90] : memref<3276800xi32, #tpu.memory_space<hbm>> -> memref<256xi32, #tpu.memory_space<hbm>>
        tpu.enqueue_dma source(%dma_start3A_92 : memref<256xi32, #tpu.memory_space<hbm>>) target(%arg6 : memref<256xi32, #tpu.memory_space<vmem>>) target_semaphore(%arg11 : memref<!tpu.dma_semaphore, #tpu.memory_space<semaphore_mem>>)
      } else {
      }
      %add3A_55 = arith.constant 1 : i32
      %add3A_56 = arith.addi %add3A_29, %add3A_55 : i32
      %mul3A_57 = arith.constant 256 : i32
      %mul3A_58 = arith.muli %add3A_56, %mul3A_57 : i32
      %add3A_59 = arith.addi %mul3A_2, %mul3A_58 : i32
      %dma_wait3A_60 = tpu.memref_slice %arg3[%add3A_59] : memref<3276800xi32, #tpu.memory_space<hbm>> -> memref<256xi32, #tpu.memory_space<hbm>>
      %dma_wait3A_61 = tpu.memref_slice %arg3[%add3A_59] : memref<3276800xi32, #tpu.memory_space<hbm>> -> memref<256xi32, #tpu.memory_space<hbm>>
      tpu.wait_dma2 semaphore(%arg12 : memref<!tpu.dma_semaphore, #tpu.memory_space<semaphore_mem>>) src(%dma_wait3A_61 : memref<256xi32, #tpu.memory_space<hbm>>) dst(%arg7 : memref<256xi32, #tpu.memory_space<vmem>>)
      %ge3A_62 = arith.constant 2 : i32
      %ge3A_63 = arith.cmpi sge, %add3A_56, %ge3A_62 : i32
      %convert_element_type3A_64 = arith.extui %ge3A_63 : i1 to i32
      %cond3A_65 = arith.constant 0 : i32
      %cond3A_66 = arith.cmpi ne, %convert_element_type3A_64, %cond3A_65 : i32
      scf.if %cond3A_66 {
        %sub3A = arith.constant 2 : i32
        %sub3A_86 = arith.subi %add3A_56, %sub3A : i32
        %mul3A_87 = arith.constant 256 : i32
        %mul3A_88 = arith.muli %sub3A_86, %mul3A_87 : i32
        %add3A_89 = arith.addi %mul3A_2, %mul3A_88 : i32
        %dma_wait3A_90 = arith.constant 0 : i32
        %dma_wait3A_91 = tpu.memref_slice %arg4[%add3A_89, %dma_wait3A_90] : memref<3276800x64xf32, #tpu.memory_space<hbm>> -> memref<256x64xf32, #tpu.memory_space<hbm>>
        %dma_wait3A_92 = arith.constant 0 : i32
        %dma_wait3A_93 = tpu.memref_slice %arg4[%add3A_89, %dma_wait3A_92] : memref<3276800x64xf32, #tpu.memory_space<hbm>> -> memref<256x64xf32, #tpu.memory_space<hbm>>
        tpu.wait_dma2 semaphore(%arg14 : memref<!tpu.dma_semaphore, #tpu.memory_space<semaphore_mem>>) src(%arg9 : memref<256x64xf32, #tpu.memory_space<vmem>>) dst(%dma_wait3A_93 : memref<256x64xf32, #tpu.memory_space<hbm>>)
      } else {
      }
      %scan3A_67 = arith.constant 0 : i32
      %scan3A_68 = arith.constant 16 : i32
      %scan3A_69 = arith.addi %scan3A_67, %scan3A_68 : i32
      %scan3A_70 = arith.constant 1 : i32
      scf.for %scan3A_86 = %scan3A_67 to %scan3A_69 step %scan3A_70  : i32 {
        %mul3A_87 = arith.constant 1 : i32
        %mul3A_88 = arith.muli %scan3A_86, %mul3A_87 : i32
        %add3A_89 = arith.constant 0 : i32
        %add3A_90 = arith.addi %add3A_89, %mul3A_88 : i32
        %mul3A_91 = arith.constant 16 : i32
        %mul3A_92 = arith.muli %add3A_90, %mul3A_91 : i32
        %get3A = arith.index_cast %mul3A_92 : i32 to index
        %get3A_93 = tpu.vector_load %arg7[%get3A] {strides = array<i32>} : memref<256xi32, #tpu.memory_space<vmem>>, vector<16xi32>,
        %slice3A = vector.extract_strided_slice %get3A_93 {offsets = [0], sizes = [1], strides = [1]} : vector<16xi32> to vector<1xi32>
        %squeeze3A = vector.extract %slice3A[0] : i32 from vector<1xi32>
        %broadcast_in_dim3A = vector.broadcast %squeeze3A : i32 to vector<16xi32>
        %mul3A_94 = arith.constant 64 : i32
        %mul3A_95 = vector.broadcast %mul3A_94 : i32 to vector<16xi32>
        %mul3A_96 = arith.muli %broadcast_in_dim3A, %mul3A_95 : vector<16xi32>
        %add3A_97 = arith.addi %mul3A_96, %iota3A : vector<16xi32>
        %add3A_98 = arith.constant 0 : i32
        %add3A_99 = vector.broadcast %add3A_98 : i32 to vector<16xi32>
        %add3A_100 = arith.addi %add3A_97, %add3A_99 : vector<16xi32>
        %gather3A = tpu.vector_load_idx %arg5[%add3A_100] : memref<4224xf32, #tpu.memory_space<vmem>>[vector<16xi32>], vector<16xf32>,
        %add3A_101 = arith.constant 16 : i32
        %add3A_102 = vector.broadcast %add3A_101 : i32 to vector<16xi32>
        %add3A_103 = arith.addi %add3A_97, %add3A_102 : vector<16xi32>
        %gather3A_104 = tpu.vector_load_idx %arg5[%add3A_103] : memref<4224xf32, #tpu.memory_space<vmem>>[vector<16xi32>], vector<16xf32>,
        %add3A_105 = arith.constant 32 : i32
        %add3A_106 = vector.broadcast %add3A_105 : i32 to vector<16xi32>
        %add3A_107 = arith.addi %add3A_97, %add3A_106 : vector<16xi32>
        %gather3A_108 = tpu.vector_load_idx %arg5[%add3A_107] : memref<4224xf32, #tpu.memory_space<vmem>>[vector<16xi32>], vector<16xf32>,
        %add3A_109 = arith.constant 48 : i32
        %add3A_110 = vector.broadcast %add3A_109 : i32 to vector<16xi32>
        %add3A_111 = arith.addi %add3A_97, %add3A_110 : vector<16xi32>
        %gather3A_112 = tpu.vector_load_idx %arg5[%add3A_111] : memref<4224xf32, #tpu.memory_space<vmem>>[vector<16xi32>], vector<16xf32>,
        %slice3A_113 = vector.extract_strided_slice %get3A_93 {offsets = [1], sizes = [1], strides = [1]} : vector<16xi32> to vector<1xi32>
        %squeeze3A_114 = vector.extract %slice3A_113[0] : i32 from vector<1xi32>
        %broadcast_in_dim3A_115 = vector.broadcast %squeeze3A_114 : i32 to vector<16xi32>
        %mul3A_116 = arith.constant 64 : i32
        %mul3A_117 = vector.broadcast %mul3A_116 : i32 to vector<16xi32>
        %mul3A_118 = arith.muli %broadcast_in_dim3A_115, %mul3A_117 : vector<16xi32>
        %add3A_119 = arith.addi %mul3A_118, %iota3A : vector<16xi32>
        %add3A_120 = arith.constant 0 : i32
        %add3A_121 = vector.broadcast %add3A_120 : i32 to vector<16xi32>
        %add3A_122 = arith.addi %add3A_119, %add3A_121 : vector<16xi32>
        %gather3A_123 = tpu.vector_load_idx %arg5[%add3A_122] : memref<4224xf32, #tpu.memory_space<vmem>>[vector<16xi32>], vector<16xf32>,
        %add3A_124 = arith.constant 16 : i32
        %add3A_125 = vector.broadcast %add3A_124 : i32 to vector<16xi32>
        %add3A_126 = arith.addi %add3A_119, %add3A_125 : vector<16xi32>
        %gather3A_127 = tpu.vector_load_idx %arg5[%add3A_126] : memref<4224xf32, #tpu.memory_space<vmem>>[vector<16xi32>], vector<16xf32>,
        %add3A_128 = arith.constant 32 : i32
        %add3A_129 = vector.broadcast %add3A_128 : i32 to vector<16xi32>
        %add3A_130 = arith.addi %add3A_119, %add3A_129 : vector<16xi32>
        %gather3A_131 = tpu.vector_load_idx %arg5[%add3A_130] : memref<4224xf32, #tpu.memory_space<vmem>>[vector<16xi32>], vector<16xf32>,
        %add3A_132 = arith.constant 48 : i32
        %add3A_133 = vector.broadcast %add3A_132 : i32 to vector<16xi32>
        %add3A_134 = arith.addi %add3A_119, %add3A_133 : vector<16xi32>
        %gather3A_135 = tpu.vector_load_idx %arg5[%add3A_134] : memref<4224xf32, #tpu.memory_space<vmem>>[vector<16xi32>], vector<16xf32>,
        %mul3A_136 = arith.constant 16 : i32
        %mul3A_137 = arith.muli %add3A_90, %mul3A_136 : i32
        %add3A_138 = arith.constant 0 : i32
        %add3A_139 = arith.addi %mul3A_137, %add3A_138 : i32
        %add3A_140 = arith.constant 0 : i32
        %add3A_141 = arith.addi %add3A_139, %add3A_140 : i32
        %swap3A = arith.index_cast %add3A_141 : i32 to index
        %swap3A_142 = arith.constant 0 : index
        %swap3A_143 = tpu.vector_load %arg9[%swap3A, %swap3A_142] {strides = array<i32>} : memref<256x64xf32, #tpu.memory_space<vmem>>, vector<16xf32>,
        tpu.vector_store %arg9[%swap3A, %swap3A_142], %gather3A {strides = array<i32>} : memref<256x64xf32, #tpu.memory_space<vmem>>, vector<16xf32>,
        %mul3A_144 = arith.constant 16 : i32
        %mul3A_145 = arith.muli %add3A_90, %mul3A_144 : i32
        %add3A_146 = arith.constant 0 : i32
        %add3A_147 = arith.addi %mul3A_145, %add3A_146 : i32
        %add3A_148 = arith.constant 0 : i32
        %add3A_149 = arith.addi %add3A_147, %add3A_148 : i32
        %swap3A_150 = arith.index_cast %add3A_149 : i32 to index
        %swap3A_151 = arith.constant 16 : index
        %swap3A_152 = tpu.vector_load %arg9[%swap3A_150, %swap3A_151] {strides = array<i32>} : memref<256x64xf32, #tpu.memory_space<vmem>>, vector<16xf32>,
        tpu.vector_store %arg9[%swap3A_150, %swap3A_151], %gather3A_104 {strides = array<i32>} : memref<256x64xf32, #tpu.memory_space<vmem>>, vector<16xf32>,
        %mul3A_153 = arith.constant 16 : i32
        %mul3A_154 = arith.muli %add3A_90, %mul3A_153 : i32
        %add3A_155 = arith.constant 0 : i32
        %add3A_156 = arith.addi %mul3A_154, %add3A_155 : i32
        %add3A_157 = arith.constant 0 : i32
        %add3A_158 = arith.addi %add3A_156, %add3A_157 : i32
        %swap3A_159 = arith.index_cast %add3A_158 : i32 to index
        %swap3A_160 = arith.constant 32 : index
        %swap3A_161 = tpu.vector_load %arg9[%swap3A_159, %swap3A_160] {strides = array<i32>} : memref<256x64xf32, #tpu.memory_space<vmem>>, vector<16xf32>,
        tpu.vector_store %arg9[%swap3A_159, %swap3A_160], %gather3A_108 {strides = array<i32>} : memref<256x64xf32, #tpu.memory_space<vmem>>, vector<16xf32>,
        %mul3A_162 = arith.constant 16 : i32
        %mul3A_163 = arith.muli %add3A_90, %mul3A_162 : i32
        %add3A_164 = arith.constant 0 : i32
        %add3A_165 = arith.addi %mul3A_163, %add3A_164 : i32
        %add3A_166 = arith.constant 0 : i32
        %add3A_167 = arith.addi %add3A_165, %add3A_166 : i32
        %swap3A_168 = arith.index_cast %add3A_167 : i32 to index
        %swap3A_169 = arith.constant 48 : index
        %swap3A_170 = tpu.vector_load %arg9[%swap3A_168, %swap3A_169] {strides = array<i32>} : memref<256x64xf32, #tpu.memory_space<vmem>>, vector<16xf32>,
        tpu.vector_store %arg9[%swap3A_168, %swap3A_169], %gather3A_112 {strides = array<i32>} : memref<256x64xf32, #tpu.memory_space<vmem>>, vector<16xf32>,
        %mul3A_171 = arith.constant 16 : i32
        %mul3A_172 = arith.muli %add3A_90, %mul3A_171 : i32
        %add3A_173 = arith.constant 0 : i32
        %add3A_174 = arith.addi %mul3A_172, %add3A_173 : i32
        %add3A_175 = arith.constant 1 : i32
        %add3A_176 = arith.addi %add3A_174, %add3A_175 : i32
        %swap3A_177 = arith.index_cast %add3A_176 : i32 to index
        %swap3A_178 = arith.constant 0 : index
        %swap3A_179 = tpu.vector_load %arg9[%swap3A_177, %swap3A_178] {strides = array<i32>} : memref<256x64xf32, #tpu.memory_space<vmem>>, vector<16xf32>,
        tpu.vector_store %arg9[%swap3A_177, %swap3A_178], %gather3A_123 {strides = array<i32>} : memref<256x64xf32, #tpu.memory_space<vmem>>, vector<16xf32>,
        %mul3A_180 = arith.constant 16 : i32
        %mul3A_181 = arith.muli %add3A_90, %mul3A_180 : i32
        %add3A_182 = arith.constant 0 : i32
        %add3A_183 = arith.addi %mul3A_181, %add3A_182 : i32
        %add3A_184 = arith.constant 1 : i32
        %add3A_185 = arith.addi %add3A_183, %add3A_184 : i32
        %swap3A_186 = arith.index_cast %add3A_185 : i32 to index
        %swap3A_187 = arith.constant 16 : index
        %swap3A_188 = tpu.vector_load %arg9[%swap3A_186, %swap3A_187] {strides = array<i32>} : memref<256x64xf32, #tpu.memory_space<vmem>>, vector<16xf32>,
        tpu.vector_store %arg9[%swap3A_186, %swap3A_187], %gather3A_127 {strides = array<i32>} : memref<256x64xf32, #tpu.memory_space<vmem>>, vector<16xf32>,
        %mul3A_189 = arith.constant 16 : i32
        %mul3A_190 = arith.muli %add3A_90, %mul3A_189 : i32
        %add3A_191 = arith.constant 0 : i32
        %add3A_192 = arith.addi %mul3A_190, %add3A_191 : i32
        %add3A_193 = arith.constant 1 : i32
        %add3A_194 = arith.addi %add3A_192, %add3A_193 : i32
        %swap3A_195 = arith.index_cast %add3A_194 : i32 to index
        %swap3A_196 = arith.constant 32 : index
        %swap3A_197 = tpu.vector_load %arg9[%swap3A_195, %swap3A_196] {strides = array<i32>} : memref<256x64xf32, #tpu.memory_space<vmem>>, vector<16xf32>,
        tpu.vector_store %arg9[%swap3A_195, %swap3A_196], %gather3A_131 {strides = array<i32>} : memref<256x64xf32, #tpu.memory_space<vmem>>, vector<16xf32>,
        %mul3A_198 = arith.constant 16 : i32
        %mul3A_199 = arith.muli %add3A_90, %mul3A_198 : i32
        %add3A_200 = arith.constant 0 : i32
        %add3A_201 = arith.addi %mul3A_199, %add3A_200 : i32
        %add3A_202 = arith.constant 1 : i32
        %add3A_203 = arith.addi %add3A_201, %add3A_202 : i32
        %swap3A_204 = arith.index_cast %add3A_203 : i32 to index
        %swap3A_205 = arith.constant 48 : index
        %swap3A_206 = tpu.vector_load %arg9[%swap3A_204, %swap3A_205] {strides = array<i32>} : memref<256x64xf32, #tpu.memory_space<vmem>>, vector<16xf32>,
        tpu.vector_store %arg9[%swap3A_204, %swap3A_205], %gather3A_135 {strides = array<i32>} : memref<256x64xf32, #tpu.memory_space<vmem>>, vector<16xf32>,
        %slice3A_207 = vector.extract_strided_slice %get3A_93 {offsets = [2], sizes = [1], strides = [1]} : vector<16xi32> to vector<1xi32>
        %squeeze3A_208 = vector.extract %slice3A_207[0] : i32 from vector<1xi32>
        %broadcast_in_dim3A_209 = vector.broadcast %squeeze3A_208 : i32 to vector<16xi32>
        %mul3A_210 = arith.constant 64 : i32
        %mul3A_211 = vector.broadcast %mul3A_210 : i32 to vector<16xi32>
        %mul3A_212 = arith.muli %broadcast_in_dim3A_209, %mul3A_211 : vector<16xi32>
        %add3A_213 = arith.addi %mul3A_212, %iota3A : vector<16xi32>
        %add3A_214 = arith.constant 0 : i32
        %add3A_215 = vector.broadcast %add3A_214 : i32 to vector<16xi32>
        %add3A_216 = arith.addi %add3A_213, %add3A_215 : vector<16xi32>
        %gather3A_217 = tpu.vector_load_idx %arg5[%add3A_216] : memref<4224xf32, #tpu.memory_space<vmem>>[vector<16xi32>], vector<16xf32>,
        %add3A_218 = arith.constant 16 : i32
        %add3A_219 = vector.broadcast %add3A_218 : i32 to vector<16xi32>
        %add3A_220 = arith.addi %add3A_213, %add3A_219 : vector<16xi32>
        %gather3A_221 = tpu.vector_load_idx %arg5[%add3A_220] : memref<4224xf32, #tpu.memory_space<vmem>>[vector<16xi32>], vector<16xf32>,
        %add3A_222 = arith.constant 32 : i32
        %add3A_223 = vector.broadcast %add3A_222 : i32 to vector<16xi32>
        %add3A_224 = arith.addi %add3A_213, %add3A_223 : vector<16xi32>
        %gather3A_225 = tpu.vector_load_idx %arg5[%add3A_224] : memref<4224xf32, #tpu.memory_space<vmem>>[vector<16xi32>], vector<16xf32>,
        %add3A_226 = arith.constant 48 : i32
        %add3A_227 = vector.broadcast %add3A_226 : i32 to vector<16xi32>
        %add3A_228 = arith.addi %add3A_213, %add3A_227 : vector<16xi32>
        %gather3A_229 = tpu.vector_load_idx %arg5[%add3A_228] : memref<4224xf32, #tpu.memory_space<vmem>>[vector<16xi32>], vector<16xf32>,
        %slice3A_230 = vector.extract_strided_slice %get3A_93 {offsets = [3], sizes = [1], strides = [1]} : vector<16xi32> to vector<1xi32>
        %squeeze3A_231 = vector.extract %slice3A_230[0] : i32 from vector<1xi32>
        %broadcast_in_dim3A_232 = vector.broadcast %squeeze3A_231 : i32 to vector<16xi32>
        %mul3A_233 = arith.constant 64 : i32
        %mul3A_234 = vector.broadcast %mul3A_233 : i32 to vector<16xi32>
        %mul3A_235 = arith.muli %broadcast_in_dim3A_232, %mul3A_234 : vector<16xi32>
        %add3A_236 = arith.addi %mul3A_235, %iota3A : vector<16xi32>
        %add3A_237 = arith.constant 0 : i32
        %add3A_238 = vector.broadcast %add3A_237 : i32 to vector<16xi32>
        %add3A_239 = arith.addi %add3A_236, %add3A_238 : vector<16xi32>
        %gather3A_240 = tpu.vector_load_idx %arg5[%add3A_239] : memref<4224xf32, #tpu.memory_space<vmem>>[vector<16xi32>], vector<16xf32>,
        %add3A_241 = arith.constant 16 : i32
        %add3A_242 = vector.broadcast %add3A_241 : i32 to vector<16xi32>
        %add3A_243 = arith.addi %add3A_236, %add3A_242 : vector<16xi32>
        %gather3A_244 = tpu.vector_load_idx %arg5[%add3A_243] : memref<4224xf32, #tpu.memory_space<vmem>>[vector<16xi32>], vector<16xf32>,
        %add3A_245 = arith.constant 32 : i32
        %add3A_246 = vector.broadcast %add3A_245 : i32 to vector<16xi32>
        %add3A_247 = arith.addi %add3A_236, %add3A_246 : vector<16xi32>
        %gather3A_248 = tpu.vector_load_idx %arg5[%add3A_247] : memref<4224xf32, #tpu.memory_space<vmem>>[vector<16xi32>], vector<16xf32>,
        %add3A_249 = arith.constant 48 : i32
        %add3A_250 = vector.broadcast %add3A_249 : i32 to vector<16xi32>
        %add3A_251 = arith.addi %add3A_236, %add3A_250 : vector<16xi32>
        %gather3A_252 = tpu.vector_load_idx %arg5[%add3A_251] : memref<4224xf32, #tpu.memory_space<vmem>>[vector<16xi32>], vector<16xf32>,
        %mul3A_253 = arith.constant 16 : i32
        %mul3A_254 = arith.muli %add3A_90, %mul3A_253 : i32
        %add3A_255 = arith.constant 2 : i32
        %add3A_256 = arith.addi %mul3A_254, %add3A_255 : i32
        %add3A_257 = arith.constant 0 : i32
        %add3A_258 = arith.addi %add3A_256, %add3A_257 : i32
        %swap3A_259 = arith.index_cast %add3A_258 : i32 to index
        %swap3A_260 = arith.constant 0 : index
        %swap3A_261 = tpu.vector_load %arg9[%swap3A_259, %swap3A_260] {strides = array<i32>} : memref<256x64xf32, #tpu.memory_space<vmem>>, vector<16xf32>,
        tpu.vector_store %arg9[%swap3A_259, %swap3A_260], %gather3A_217 {strides = array<i32>} : memref<256x64xf32, #tpu.memory_space<vmem>>, vector<16xf32>,
        %mul3A_262 = arith.constant 16 : i32
        %mul3A_263 = arith.muli %add3A_90, %mul3A_262 : i32
        %add3A_264 = arith.constant 2 : i32
        %add3A_265 = arith.addi %mul3A_263, %add3A_264 : i32
        %add3A_266 = arith.constant 0 : i32
        %add3A_267 = arith.addi %add3A_265, %add3A_266 : i32
        %swap3A_268 = arith.index_cast %add3A_267 : i32 to index
        %swap3A_269 = arith.constant 16 : index
        %swap3A_270 = tpu.vector_load %arg9[%swap3A_268, %swap3A_269] {strides = array<i32>} : memref<256x64xf32, #tpu.memory_space<vmem>>, vector<16xf32>,
        tpu.vector_store %arg9[%swap3A_268, %swap3A_269], %gather3A_221 {strides = array<i32>} : memref<256x64xf32, #tpu.memory_space<vmem>>, vector<16xf32>,
        %mul3A_271 = arith.constant 16 : i32
        %mul3A_272 = arith.muli %add3A_90, %mul3A_271 : i32
        %add3A_273 = arith.constant 2 : i32
        %add3A_274 = arith.addi %mul3A_272, %add3A_273 : i32
        %add3A_275 = arith.constant 0 : i32
        %add3A_276 = arith.addi %add3A_274, %add3A_275 : i32
        %swap3A_277 = arith.index_cast %add3A_276 : i32 to index
        %swap3A_278 = arith.constant 32 : index
        %swap3A_279 = tpu.vector_load %arg9[%swap3A_277, %swap3A_278] {strides = array<i32>} : memref<256x64xf32, #tpu.memory_space<vmem>>, vector<16xf32>,
        tpu.vector_store %arg9[%swap3A_277, %swap3A_278], %gather3A_225 {strides = array<i32>} : memref<256x64xf32, #tpu.memory_space<vmem>>, vector<16xf32>,
        %mul3A_280 = arith.constant 16 : i32
        %mul3A_281 = arith.muli %add3A_90, %mul3A_280 : i32
        %add3A_282 = arith.constant 2 : i32
        %add3A_283 = arith.addi %mul3A_281, %add3A_282 : i32
        %add3A_284 = arith.constant 0 : i32
        %add3A_285 = arith.addi %add3A_283, %add3A_284 : i32
        %swap3A_286 = arith.index_cast %add3A_285 : i32 to index
        %swap3A_287 = arith.constant 48 : index
        %swap3A_288 = tpu.vector_load %arg9[%swap3A_286, %swap3A_287] {strides = array<i32>} : memref<256x64xf32, #tpu.memory_space<vmem>>, vector<16xf32>,
        tpu.vector_store %arg9[%swap3A_286, %swap3A_287], %gather3A_229 {strides = array<i32>} : memref<256x64xf32, #tpu.memory_space<vmem>>, vector<16xf32>,
        %mul3A_289 = arith.constant 16 : i32
        %mul3A_290 = arith.muli %add3A_90, %mul3A_289 : i32
        %add3A_291 = arith.constant 2 : i32
        %add3A_292 = arith.addi %mul3A_290, %add3A_291 : i32
        %add3A_293 = arith.constant 1 : i32
        %add3A_294 = arith.addi %add3A_292, %add3A_293 : i32
        %swap3A_295 = arith.index_cast %add3A_294 : i32 to index
        %swap3A_296 = arith.constant 0 : index
        %swap3A_297 = tpu.vector_load %arg9[%swap3A_295, %swap3A_296] {strides = array<i32>} : memref<256x64xf32, #tpu.memory_space<vmem>>, vector<16xf32>,
        tpu.vector_store %arg9[%swap3A_295, %swap3A_296], %gather3A_240 {strides = array<i32>} : memref<256x64xf32, #tpu.memory_space<vmem>>, vector<16xf32>,
        %mul3A_298 = arith.constant 16 : i32
        %mul3A_299 = arith.muli %add3A_90, %mul3A_298 : i32
        %add3A_300 = arith.constant 2 : i32
        %add3A_301 = arith.addi %mul3A_299, %add3A_300 : i32
        %add3A_302 = arith.constant 1 : i32
        %add3A_303 = arith.addi %add3A_301, %add3A_302 : i32
        %swap3A_304 = arith.index_cast %add3A_303 : i32 to index
        %swap3A_305 = arith.constant 16 : index
        %swap3A_306 = tpu.vector_load %arg9[%swap3A_304, %swap3A_305] {strides = array<i32>} : memref<256x64xf32, #tpu.memory_space<vmem>>, vector<16xf32>,
        tpu.vector_store %arg9[%swap3A_304, %swap3A_305], %gather3A_244 {strides = array<i32>} : memref<256x64xf32, #tpu.memory_space<vmem>>, vector<16xf32>,
        %mul3A_307 = arith.constant 16 : i32
        %mul3A_308 = arith.muli %add3A_90, %mul3A_307 : i32
        %add3A_309 = arith.constant 2 : i32
        %add3A_310 = arith.addi %mul3A_308, %add3A_309 : i32
        %add3A_311 = arith.constant 1 : i32
        %add3A_312 = arith.addi %add3A_310, %add3A_311 : i32
        %swap3A_313 = arith.index_cast %add3A_312 : i32 to index
        %swap3A_314 = arith.constant 32 : index
        %swap3A_315 = tpu.vector_load %arg9[%swap3A_313, %swap3A_314] {strides = array<i32>} : memref<256x64xf32, #tpu.memory_space<vmem>>, vector<16xf32>,
        tpu.vector_store %arg9[%swap3A_313, %swap3A_314], %gather3A_248 {strides = array<i32>} : memref<256x64xf32, #tpu.memory_space<vmem>>, vector<16xf32>,
        %mul3A_316 = arith.constant 16 : i32
        %mul3A_317 = arith.muli %add3A_90, %mul3A_316 : i32
        %add3A_318 = arith.constant 2 : i32
        %add3A_319 = arith.addi %mul3A_317, %add3A_318 : i32
        %add3A_320 = arith.constant 1 : i32
        %add3A_321 = arith.addi %add3A_319, %add3A_320 : i32
        %swap3A_322 = arith.index_cast %add3A_321 : i32 to index
        %swap3A_323 = arith.constant 48 : index
        %swap3A_324 = tpu.vector_load %arg9[%swap3A_322, %swap3A_323] {strides = array<i32>} : memref<256x64xf32, #tpu.memory_space<vmem>>, vector<16xf32>,
        tpu.vector_store %arg9[%swap3A_322, %swap3A_323], %gather3A_252 {strides = array<i32>} : memref<256x64xf32, #tpu.memory_space<vmem>>, vector<16xf32>,
        %slice3A_325 = vector.extract_strided_slice %get3A_93 {offsets = [4], sizes = [1], strides = [1]} : vector<16xi32> to vector<1xi32>
        %squeeze3A_326 = vector.extract %slice3A_325[0] : i32 from vector<1xi32>
        %broadcast_in_dim3A_327 = vector.broadcast %squeeze3A_326 : i32 to vector<16xi32>
        %mul3A_328 = arith.constant 64 : i32
        %mul3A_329 = vector.broadcast %mul3A_328 : i32 to vector<16xi32>
        %mul3A_330 = arith.muli %broadcast_in_dim3A_327, %mul3A_329 : vector<16xi32>
        %add3A_331 = arith.addi %mul3A_330, %iota3A : vector<16xi32>
        %add3A_332 = arith.constant 0 : i32
        %add3A_333 = vector.broadcast %add3A_332 : i32 to vector<16xi32>
        %add3A_334 = arith.addi %add3A_331, %add3A_333 : vector<16xi32>
        %gather3A_335 = tpu.vector_load_idx %arg5[%add3A_334] : memref<4224xf32, #tpu.memory_space<vmem>>[vector<16xi32>], vector<16xf32>,
        %add3A_336 = arith.constant 16 : i32
        %add3A_337 = vector.broadcast %add3A_336 : i32 to vector<16xi32>
        %add3A_338 = arith.addi %add3A_331, %add3A_337 : vector<16xi32>
        %gather3A_339 = tpu.vector_load_idx %arg5[%add3A_338] : memref<4224xf32, #tpu.memory_space<vmem>>[vector<16xi32>], vector<16xf32>,
        %add3A_340 = arith.constant 32 : i32
        %add3A_341 = vector.broadcast %add3A_340 : i32 to vector<16xi32>
        %add3A_342 = arith.addi %add3A_331, %add3A_341 : vector<16xi32>
        %gather3A_343 = tpu.vector_load_idx %arg5[%add3A_342] : memref<4224xf32, #tpu.memory_space<vmem>>[vector<16xi32>], vector<16xf32>,
        %add3A_344 = arith.constant 48 : i32
        %add3A_345 = vector.broadcast %add3A_344 : i32 to vector<16xi32>
        %add3A_346 = arith.addi %add3A_331, %add3A_345 : vector<16xi32>
        %gather3A_347 = tpu.vector_load_idx %arg5[%add3A_346] : memref<4224xf32, #tpu.memory_space<vmem>>[vector<16xi32>], vector<16xf32>,
        %slice3A_348 = vector.extract_strided_slice %get3A_93 {offsets = [5], sizes = [1], strides = [1]} : vector<16xi32> to vector<1xi32>
        %squeeze3A_349 = vector.extract %slice3A_348[0] : i32 from vector<1xi32>
        %broadcast_in_dim3A_350 = vector.broadcast %squeeze3A_349 : i32 to vector<16xi32>
        %mul3A_351 = arith.constant 64 : i32
        %mul3A_352 = vector.broadcast %mul3A_351 : i32 to vector<16xi32>
        %mul3A_353 = arith.muli %broadcast_in_dim3A_350, %mul3A_352 : vector<16xi32>
        %add3A_354 = arith.addi %mul3A_353, %iota3A : vector<16xi32>
        %add3A_355 = arith.constant 0 : i32
        %add3A_356 = vector.broadcast %add3A_355 : i32 to vector<16xi32>
        %add3A_357 = arith.addi %add3A_354, %add3A_356 : vector<16xi32>
        %gather3A_358 = tpu.vector_load_idx %arg5[%add3A_357] : memref<4224xf32, #tpu.memory_space<vmem>>[vector<16xi32>], vector<16xf32>,
        %add3A_359 = arith.constant 16 : i32
        %add3A_360 = vector.broadcast %add3A_359 : i32 to vector<16xi32>
        %add3A_361 = arith.addi %add3A_354, %add3A_360 : vector<16xi32>
        %gather3A_362 = tpu.vector_load_idx %arg5[%add3A_361] : memref<4224xf32, #tpu.memory_space<vmem>>[vector<16xi32>], vector<16xf32>,
        %add3A_363 = arith.constant 32 : i32
        %add3A_364 = vector.broadcast %add3A_363 : i32 to vector<16xi32>
        %add3A_365 = arith.addi %add3A_354, %add3A_364 : vector<16xi32>
        %gather3A_366 = tpu.vector_load_idx %arg5[%add3A_365] : memref<4224xf32, #tpu.memory_space<vmem>>[vector<16xi32>], vector<16xf32>,
        %add3A_367 = arith.constant 48 : i32
        %add3A_368 = vector.broadcast %add3A_367 : i32 to vector<16xi32>
        %add3A_369 = arith.addi %add3A_354, %add3A_368 : vector<16xi32>
        %gather3A_370 = tpu.vector_load_idx %arg5[%add3A_369] : memref<4224xf32, #tpu.memory_space<vmem>>[vector<16xi32>], vector<16xf32>,
        %mul3A_371 = arith.constant 16 : i32
        %mul3A_372 = arith.muli %add3A_90, %mul3A_371 : i32
        %add3A_373 = arith.constant 4 : i32
        %add3A_374 = arith.addi %mul3A_372, %add3A_373 : i32
        %add3A_375 = arith.constant 0 : i32
        %add3A_376 = arith.addi %add3A_374, %add3A_375 : i32
        %swap3A_377 = arith.index_cast %add3A_376 : i32 to index
        %swap3A_378 = arith.constant 0 : index
        %swap3A_379 = tpu.vector_load %arg9[%swap3A_377, %swap3A_378] {strides = array<i32>} : memref<256x64xf32, #tpu.memory_space<vmem>>, vector<16xf32>,
        tpu.vector_store %arg9[%swap3A_377, %swap3A_378], %gather3A_335 {strides = array<i32>} : memref<256x64xf32, #tpu.memory_space<vmem>>, vector<16xf32>,
        %mul3A_380 = arith.constant 16 : i32
        %mul3A_381 = arith.muli %add3A_90, %mul3A_380 : i32
        %add3A_382 = arith.constant 4 : i32
        %add3A_383 = arith.addi %mul3A_381, %add3A_382 : i32
        %add3A_384 = arith.constant 0 : i32
        %add3A_385 = arith.addi %add3A_383, %add3A_384 : i32
        %swap3A_386 = arith.index_cast %add3A_385 : i32 to index
        %swap3A_387 = arith.constant 16 : index
        %swap3A_388 = tpu.vector_load %arg9[%swap3A_386, %swap3A_387] {strides = array<i32>} : memref<256x64xf32, #tpu.memory_space<vmem>>, vector<16xf32>,
        tpu.vector_store %arg9[%swap3A_386, %swap3A_387], %gather3A_339 {strides = array<i32>} : memref<256x64xf32, #tpu.memory_space<vmem>>, vector<16xf32>,
        %mul3A_389 = arith.constant 16 : i32
        %mul3A_390 = arith.muli %add3A_90, %mul3A_389 : i32
        %add3A_391 = arith.constant 4 : i32
        %add3A_392 = arith.addi %mul3A_390, %add3A_391 : i32
        %add3A_393 = arith.constant 0 : i32
        %add3A_394 = arith.addi %add3A_392, %add3A_393 : i32
        %swap3A_395 = arith.index_cast %add3A_394 : i32 to index
        %swap3A_396 = arith.constant 32 : index
        %swap3A_397 = tpu.vector_load %arg9[%swap3A_395, %swap3A_396] {strides = array<i32>} : memref<256x64xf32, #tpu.memory_space<vmem>>, vector<16xf32>,
        tpu.vector_store %arg9[%swap3A_395, %swap3A_396], %gather3A_343 {strides = array<i32>} : memref<256x64xf32, #tpu.memory_space<vmem>>, vector<16xf32>,
        %mul3A_398 = arith.constant 16 : i32
        %mul3A_399 = arith.muli %add3A_90, %mul3A_398 : i32
        %add3A_400 = arith.constant 4 : i32
        %add3A_401 = arith.addi %mul3A_399, %add3A_400 : i32
        %add3A_402 = arith.constant 0 : i32
        %add3A_403 = arith.addi %add3A_401, %add3A_402 : i32
        %swap3A_404 = arith.index_cast %add3A_403 : i32 to index
        %swap3A_405 = arith.constant 48 : index
        %swap3A_406 = tpu.vector_load %arg9[%swap3A_404, %swap3A_405] {strides = array<i32>} : memref<256x64xf32, #tpu.memory_space<vmem>>, vector<16xf32>,
        tpu.vector_store %arg9[%swap3A_404, %swap3A_405], %gather3A_347 {strides = array<i32>} : memref<256x64xf32, #tpu.memory_space<vmem>>, vector<16xf32>,
        %mul3A_407 = arith.constant 16 : i32
        %mul3A_408 = arith.muli %add3A_90, %mul3A_407 : i32
        %add3A_409 = arith.constant 4 : i32
        %add3A_410 = arith.addi %mul3A_408, %add3A_409 : i32
        %add3A_411 = arith.constant 1 : i32
        %add3A_412 = arith.addi %add3A_410, %add3A_411 : i32
        %swap3A_413 = arith.index_cast %add3A_412 : i32 to index
        %swap3A_414 = arith.constant 0 : index
        %swap3A_415 = tpu.vector_load %arg9[%swap3A_413, %swap3A_414] {strides = array<i32>} : memref<256x64xf32, #tpu.memory_space<vmem>>, vector<16xf32>,
        tpu.vector_store %arg9[%swap3A_413, %swap3A_414], %gather3A_358 {strides = array<i32>} : memref<256x64xf32, #tpu.memory_space<vmem>>, vector<16xf32>,
        %mul3A_416 = arith.constant 16 : i32
        %mul3A_417 = arith.muli %add3A_90, %mul3A_416 : i32
        %add3A_418 = arith.constant 4 : i32
        %add3A_419 = arith.addi %mul3A_417, %add3A_418 : i32
        %add3A_420 = arith.constant 1 : i32
        %add3A_421 = arith.addi %add3A_419, %add3A_420 : i32
        %swap3A_422 = arith.index_cast %add3A_421 : i32 to index
        %swap3A_423 = arith.constant 16 : index
        %swap3A_424 = tpu.vector_load %arg9[%swap3A_422, %swap3A_423] {strides = array<i32>} : memref<256x64xf32, #tpu.memory_space<vmem>>, vector<16xf32>,
        tpu.vector_store %arg9[%swap3A_422, %swap3A_423], %gather3A_362 {strides = array<i32>} : memref<256x64xf32, #tpu.memory_space<vmem>>, vector<16xf32>,
        %mul3A_425 = arith.constant 16 : i32
        %mul3A_426 = arith.muli %add3A_90, %mul3A_425 : i32
        %add3A_427 = arith.constant 4 : i32
        %add3A_428 = arith.addi %mul3A_426, %add3A_427 : i32
        %add3A_429 = arith.constant 1 : i32
        %add3A_430 = arith.addi %add3A_428, %add3A_429 : i32
        %swap3A_431 = arith.index_cast %add3A_430 : i32 to index
        %swap3A_432 = arith.constant 32 : index
        %swap3A_433 = tpu.vector_load %arg9[%swap3A_431, %swap3A_432] {strides = array<i32>} : memref<256x64xf32, #tpu.memory_space<vmem>>, vector<16xf32>,
        tpu.vector_store %arg9[%swap3A_431, %swap3A_432], %gather3A_366 {strides = array<i32>} : memref<256x64xf32, #tpu.memory_space<vmem>>, vector<16xf32>,
        %mul3A_434 = arith.constant 16 : i32
        %mul3A_435 = arith.muli %add3A_90, %mul3A_434 : i32
        %add3A_436 = arith.constant 4 : i32
        %add3A_437 = arith.addi %mul3A_435, %add3A_436 : i32
        %add3A_438 = arith.constant 1 : i32
        %add3A_439 = arith.addi %add3A_437, %add3A_438 : i32
        %swap3A_440 = arith.index_cast %add3A_439 : i32 to index
        %swap3A_441 = arith.constant 48 : index
        %swap3A_442 = tpu.vector_load %arg9[%swap3A_440, %swap3A_441] {strides = array<i32>} : memref<256x64xf32, #tpu.memory_space<vmem>>, vector<16xf32>,
        tpu.vector_store %arg9[%swap3A_440, %swap3A_441], %gather3A_370 {strides = array<i32>} : memref<256x64xf32, #tpu.memory_space<vmem>>, vector<16xf32>,
        %slice3A_443 = vector.extract_strided_slice %get3A_93 {offsets = [6], sizes = [1], strides = [1]} : vector<16xi32> to vector<1xi32>
        %squeeze3A_444 = vector.extract %slice3A_443[0] : i32 from vector<1xi32>
        %broadcast_in_dim3A_445 = vector.broadcast %squeeze3A_444 : i32 to vector<16xi32>
        %mul3A_446 = arith.constant 64 : i32
        %mul3A_447 = vector.broadcast %mul3A_446 : i32 to vector<16xi32>
        %mul3A_448 = arith.muli %broadcast_in_dim3A_445, %mul3A_447 : vector<16xi32>
        %add3A_449 = arith.addi %mul3A_448, %iota3A : vector<16xi32>
        %add3A_450 = arith.constant 0 : i32
        %add3A_451 = vector.broadcast %add3A_450 : i32 to vector<16xi32>
        %add3A_452 = arith.addi %add3A_449, %add3A_451 : vector<16xi32>
        %gather3A_453 = tpu.vector_load_idx %arg5[%add3A_452] : memref<4224xf32, #tpu.memory_space<vmem>>[vector<16xi32>], vector<16xf32>,
        %add3A_454 = arith.constant 16 : i32
        %add3A_455 = vector.broadcast %add3A_454 : i32 to vector<16xi32>
        %add3A_456 = arith.addi %add3A_449, %add3A_455 : vector<16xi32>
        %gather3A_457 = tpu.vector_load_idx %arg5[%add3A_456] : memref<4224xf32, #tpu.memory_space<vmem>>[vector<16xi32>], vector<16xf32>,
        %add3A_458 = arith.constant 32 : i32
        %add3A_459 = vector.broadcast %add3A_458 : i32 to vector<16xi32>
        %add3A_460 = arith.addi %add3A_449, %add3A_459 : vector<16xi32>
        %gather3A_461 = tpu.vector_load_idx %arg5[%add3A_460] : memref<4224xf32, #tpu.memory_space<vmem>>[vector<16xi32>], vector<16xf32>,
        %add3A_462 = arith.constant 48 : i32
        %add3A_463 = vector.broadcast %add3A_462 : i32 to vector<16xi32>
        %add3A_464 = arith.addi %add3A_449, %add3A_463 : vector<16xi32>
        %gather3A_465 = tpu.vector_load_idx %arg5[%add3A_464] : memref<4224xf32, #tpu.memory_space<vmem>>[vector<16xi32>], vector<16xf32>,
        %slice3A_466 = vector.extract_strided_slice %get3A_93 {offsets = [7], sizes = [1], strides = [1]} : vector<16xi32> to vector<1xi32>
        %squeeze3A_467 = vector.extract %slice3A_466[0] : i32 from vector<1xi32>
        %broadcast_in_dim3A_468 = vector.broadcast %squeeze3A_467 : i32 to vector<16xi32>
        %mul3A_469 = arith.constant 64 : i32
        %mul3A_470 = vector.broadcast %mul3A_469 : i32 to vector<16xi32>
        %mul3A_471 = arith.muli %broadcast_in_dim3A_468, %mul3A_470 : vector<16xi32>
        %add3A_472 = arith.addi %mul3A_471, %iota3A : vector<16xi32>
        %add3A_473 = arith.constant 0 : i32
        %add3A_474 = vector.broadcast %add3A_473 : i32 to vector<16xi32>
        %add3A_475 = arith.addi %add3A_472, %add3A_474 : vector<16xi32>
        %gather3A_476 = tpu.vector_load_idx %arg5[%add3A_475] : memref<4224xf32, #tpu.memory_space<vmem>>[vector<16xi32>], vector<16xf32>,
        %add3A_477 = arith.constant 16 : i32
        %add3A_478 = vector.broadcast %add3A_477 : i32 to vector<16xi32>
        %add3A_479 = arith.addi %add3A_472, %add3A_478 : vector<16xi32>
        %gather3A_480 = tpu.vector_load_idx %arg5[%add3A_479] : memref<4224xf32, #tpu.memory_space<vmem>>[vector<16xi32>], vector<16xf32>,
        %add3A_481 = arith.constant 32 : i32
        %add3A_482 = vector.broadcast %add3A_481 : i32 to vector<16xi32>
        %add3A_483 = arith.addi %add3A_472, %add3A_482 : vector<16xi32>
        %gather3A_484 = tpu.vector_load_idx %arg5[%add3A_483] : memref<4224xf32, #tpu.memory_space<vmem>>[vector<16xi32>], vector<16xf32>,
        %add3A_485 = arith.constant 48 : i32
        %add3A_486 = vector.broadcast %add3A_485 : i32 to vector<16xi32>
        %add3A_487 = arith.addi %add3A_472, %add3A_486 : vector<16xi32>
        %gather3A_488 = tpu.vector_load_idx %arg5[%add3A_487] : memref<4224xf32, #tpu.memory_space<vmem>>[vector<16xi32>], vector<16xf32>,
        %mul3A_489 = arith.constant 16 : i32
        %mul3A_490 = arith.muli %add3A_90, %mul3A_489 : i32
        %add3A_491 = arith.constant 6 : i32
        %add3A_492 = arith.addi %mul3A_490, %add3A_491 : i32
        %add3A_493 = arith.constant 0 : i32
        %add3A_494 = arith.addi %add3A_492, %add3A_493 : i32
        %swap3A_495 = arith.index_cast %add3A_494 : i32 to index
        %swap3A_496 = arith.constant 0 : index
        %swap3A_497 = tpu.vector_load %arg9[%swap3A_495, %swap3A_496] {strides = array<i32>} : memref<256x64xf32, #tpu.memory_space<vmem>>, vector<16xf32>,
        tpu.vector_store %arg9[%swap3A_495, %swap3A_496], %gather3A_453 {strides = array<i32>} : memref<256x64xf32, #tpu.memory_space<vmem>>, vector<16xf32>,
        %mul3A_498 = arith.constant 16 : i32
        %mul3A_499 = arith.muli %add3A_90, %mul3A_498 : i32
        %add3A_500 = arith.constant 6 : i32
        %add3A_501 = arith.addi %mul3A_499, %add3A_500 : i32
        %add3A_502 = arith.constant 0 : i32
        %add3A_503 = arith.addi %add3A_501, %add3A_502 : i32
        %swap3A_504 = arith.index_cast %add3A_503 : i32 to index
        %swap3A_505 = arith.constant 16 : index
        %swap3A_506 = tpu.vector_load %arg9[%swap3A_504, %swap3A_505] {strides = array<i32>} : memref<256x64xf32, #tpu.memory_space<vmem>>, vector<16xf32>,
        tpu.vector_store %arg9[%swap3A_504, %swap3A_505], %gather3A_457 {strides = array<i32>} : memref<256x64xf32, #tpu.memory_space<vmem>>, vector<16xf32>,
        %mul3A_507 = arith.constant 16 : i32
        %mul3A_508 = arith.muli %add3A_90, %mul3A_507 : i32
        %add3A_509 = arith.constant 6 : i32
        %add3A_510 = arith.addi %mul3A_508, %add3A_509 : i32
        %add3A_511 = arith.constant 0 : i32
        %add3A_512 = arith.addi %add3A_510, %add3A_511 : i32
        %swap3A_513 = arith.index_cast %add3A_512 : i32 to index
        %swap3A_514 = arith.constant 32 : index
        %swap3A_515 = tpu.vector_load %arg9[%swap3A_513, %swap3A_514] {strides = array<i32>} : memref<256x64xf32, #tpu.memory_space<vmem>>, vector<16xf32>,
        tpu.vector_store %arg9[%swap3A_513, %swap3A_514], %gather3A_461 {strides = array<i32>} : memref<256x64xf32, #tpu.memory_space<vmem>>, vector<16xf32>,
        %mul3A_516 = arith.constant 16 : i32
        %mul3A_517 = arith.muli %add3A_90, %mul3A_516 : i32
        %add3A_518 = arith.constant 6 : i32
        %add3A_519 = arith.addi %mul3A_517, %add3A_518 : i32
        %add3A_520 = arith.constant 0 : i32
        %add3A_521 = arith.addi %add3A_519, %add3A_520 : i32
        %swap3A_522 = arith.index_cast %add3A_521 : i32 to index
        %swap3A_523 = arith.constant 48 : index
        %swap3A_524 = tpu.vector_load %arg9[%swap3A_522, %swap3A_523] {strides = array<i32>} : memref<256x64xf32, #tpu.memory_space<vmem>>, vector<16xf32>,
        tpu.vector_store %arg9[%swap3A_522, %swap3A_523], %gather3A_465 {strides = array<i32>} : memref<256x64xf32, #tpu.memory_space<vmem>>, vector<16xf32>,
        %mul3A_525 = arith.constant 16 : i32
        %mul3A_526 = arith.muli %add3A_90, %mul3A_525 : i32
        %add3A_527 = arith.constant 6 : i32
        %add3A_528 = arith.addi %mul3A_526, %add3A_527 : i32
        %add3A_529 = arith.constant 1 : i32
        %add3A_530 = arith.addi %add3A_528, %add3A_529 : i32
        %swap3A_531 = arith.index_cast %add3A_530 : i32 to index
        %swap3A_532 = arith.constant 0 : index
        %swap3A_533 = tpu.vector_load %arg9[%swap3A_531, %swap3A_532] {strides = array<i32>} : memref<256x64xf32, #tpu.memory_space<vmem>>, vector<16xf32>,
        tpu.vector_store %arg9[%swap3A_531, %swap3A_532], %gather3A_476 {strides = array<i32>} : memref<256x64xf32, #tpu.memory_space<vmem>>, vector<16xf32>,
        %mul3A_534 = arith.constant 16 : i32
        %mul3A_535 = arith.muli %add3A_90, %mul3A_534 : i32
        %add3A_536 = arith.constant 6 : i32
        %add3A_537 = arith.addi %mul3A_535, %add3A_536 : i32
        %add3A_538 = arith.constant 1 : i32
        %add3A_539 = arith.addi %add3A_537, %add3A_538 : i32
        %swap3A_540 = arith.index_cast %add3A_539 : i32 to index
        %swap3A_541 = arith.constant 16 : index
        %swap3A_542 = tpu.vector_load %arg9[%swap3A_540, %swap3A_541] {strides = array<i32>} : memref<256x64xf32, #tpu.memory_space<vmem>>, vector<16xf32>,
        tpu.vector_store %arg9[%swap3A_540, %swap3A_541], %gather3A_480 {strides = array<i32>} : memref<256x64xf32, #tpu.memory_space<vmem>>, vector<16xf32>,
        %mul3A_543 = arith.constant 16 : i32
        %mul3A_544 = arith.muli %add3A_90, %mul3A_543 : i32
        %add3A_545 = arith.constant 6 : i32
        %add3A_546 = arith.addi %mul3A_544, %add3A_545 : i32
        %add3A_547 = arith.constant 1 : i32
        %add3A_548 = arith.addi %add3A_546, %add3A_547 : i32
        %swap3A_549 = arith.index_cast %add3A_548 : i32 to index
        %swap3A_550 = arith.constant 32 : index
        %swap3A_551 = tpu.vector_load %arg9[%swap3A_549, %swap3A_550] {strides = array<i32>} : memref<256x64xf32, #tpu.memory_space<vmem>>, vector<16xf32>,
        tpu.vector_store %arg9[%swap3A_549, %swap3A_550], %gather3A_484 {strides = array<i32>} : memref<256x64xf32, #tpu.memory_space<vmem>>, vector<16xf32>,
        %mul3A_552 = arith.constant 16 : i32
        %mul3A_553 = arith.muli %add3A_90, %mul3A_552 : i32
        %add3A_554 = arith.constant 6 : i32
        %add3A_555 = arith.addi %mul3A_553, %add3A_554 : i32
        %add3A_556 = arith.constant 1 : i32
        %add3A_557 = arith.addi %add3A_555, %add3A_556 : i32
        %swap3A_558 = arith.index_cast %add3A_557 : i32 to index
        %swap3A_559 = arith.constant 48 : index
        %swap3A_560 = tpu.vector_load %arg9[%swap3A_558, %swap3A_559] {strides = array<i32>} : memref<256x64xf32, #tpu.memory_space<vmem>>, vector<16xf32>,
        tpu.vector_store %arg9[%swap3A_558, %swap3A_559], %gather3A_488 {strides = array<i32>} : memref<256x64xf32, #tpu.memory_space<vmem>>, vector<16xf32>,
        %slice3A_561 = vector.extract_strided_slice %get3A_93 {offsets = [8], sizes = [1], strides = [1]} : vector<16xi32> to vector<1xi32>
        %squeeze3A_562 = vector.extract %slice3A_561[0] : i32 from vector<1xi32>
        %broadcast_in_dim3A_563 = vector.broadcast %squeeze3A_562 : i32 to vector<16xi32>
        %mul3A_564 = arith.constant 64 : i32
        %mul3A_565 = vector.broadcast %mul3A_564 : i32 to vector<16xi32>
        %mul3A_566 = arith.muli %broadcast_in_dim3A_563, %mul3A_565 : vector<16xi32>
        %add3A_567 = arith.addi %mul3A_566, %iota3A : vector<16xi32>
        %add3A_568 = arith.constant 0 : i32
        %add3A_569 = vector.broadcast %add3A_568 : i32 to vector<16xi32>
        %add3A_570 = arith.addi %add3A_567, %add3A_569 : vector<16xi32>
        %gather3A_571 = tpu.vector_load_idx %arg5[%add3A_570] : memref<4224xf32, #tpu.memory_space<vmem>>[vector<16xi32>], vector<16xf32>,
        %add3A_572 = arith.constant 16 : i32
        %add3A_573 = vector.broadcast %add3A_572 : i32 to vector<16xi32>
        %add3A_574 = arith.addi %add3A_567, %add3A_573 : vector<16xi32>
        %gather3A_575 = tpu.vector_load_idx %arg5[%add3A_574] : memref<4224xf32, #tpu.memory_space<vmem>>[vector<16xi32>], vector<16xf32>,
        %add3A_576 = arith.constant 32 : i32
        %add3A_577 = vector.broadcast %add3A_576 : i32 to vector<16xi32>
        %add3A_578 = arith.addi %add3A_567, %add3A_577 : vector<16xi32>
        %gather3A_579 = tpu.vector_load_idx %arg5[%add3A_578] : memref<4224xf32, #tpu.memory_space<vmem>>[vector<16xi32>], vector<16xf32>,
        %add3A_580 = arith.constant 48 : i32
        %add3A_581 = vector.broadcast %add3A_580 : i32 to vector<16xi32>
        %add3A_582 = arith.addi %add3A_567, %add3A_581 : vector<16xi32>
        %gather3A_583 = tpu.vector_load_idx %arg5[%add3A_582] : memref<4224xf32, #tpu.memory_space<vmem>>[vector<16xi32>], vector<16xf32>,
        %slice3A_584 = vector.extract_strided_slice %get3A_93 {offsets = [9], sizes = [1], strides = [1]} : vector<16xi32> to vector<1xi32>
        %squeeze3A_585 = vector.extract %slice3A_584[0] : i32 from vector<1xi32>
        %broadcast_in_dim3A_586 = vector.broadcast %squeeze3A_585 : i32 to vector<16xi32>
        %mul3A_587 = arith.constant 64 : i32
        %mul3A_588 = vector.broadcast %mul3A_587 : i32 to vector<16xi32>
        %mul3A_589 = arith.muli %broadcast_in_dim3A_586, %mul3A_588 : vector<16xi32>
        %add3A_590 = arith.addi %mul3A_589, %iota3A : vector<16xi32>
        %add3A_591 = arith.constant 0 : i32
        %add3A_592 = vector.broadcast %add3A_591 : i32 to vector<16xi32>
        %add3A_593 = arith.addi %add3A_590, %add3A_592 : vector<16xi32>
        %gather3A_594 = tpu.vector_load_idx %arg5[%add3A_593] : memref<4224xf32, #tpu.memory_space<vmem>>[vector<16xi32>], vector<16xf32>,
        %add3A_595 = arith.constant 16 : i32
        %add3A_596 = vector.broadcast %add3A_595 : i32 to vector<16xi32>
        %add3A_597 = arith.addi %add3A_590, %add3A_596 : vector<16xi32>
        %gather3A_598 = tpu.vector_load_idx %arg5[%add3A_597] : memref<4224xf32, #tpu.memory_space<vmem>>[vector<16xi32>], vector<16xf32>,
        %add3A_599 = arith.constant 32 : i32
        %add3A_600 = vector.broadcast %add3A_599 : i32 to vector<16xi32>
        %add3A_601 = arith.addi %add3A_590, %add3A_600 : vector<16xi32>
        %gather3A_602 = tpu.vector_load_idx %arg5[%add3A_601] : memref<4224xf32, #tpu.memory_space<vmem>>[vector<16xi32>], vector<16xf32>,
        %add3A_603 = arith.constant 48 : i32
        %add3A_604 = vector.broadcast %add3A_603 : i32 to vector<16xi32>
        %add3A_605 = arith.addi %add3A_590, %add3A_604 : vector<16xi32>
        %gather3A_606 = tpu.vector_load_idx %arg5[%add3A_605] : memref<4224xf32, #tpu.memory_space<vmem>>[vector<16xi32>], vector<16xf32>,
        %mul3A_607 = arith.constant 16 : i32
        %mul3A_608 = arith.muli %add3A_90, %mul3A_607 : i32
        %add3A_609 = arith.constant 8 : i32
        %add3A_610 = arith.addi %mul3A_608, %add3A_609 : i32
        %add3A_611 = arith.constant 0 : i32
        %add3A_612 = arith.addi %add3A_610, %add3A_611 : i32
        %swap3A_613 = arith.index_cast %add3A_612 : i32 to index
        %swap3A_614 = arith.constant 0 : index
        %swap3A_615 = tpu.vector_load %arg9[%swap3A_613, %swap3A_614] {strides = array<i32>} : memref<256x64xf32, #tpu.memory_space<vmem>>, vector<16xf32>,
        tpu.vector_store %arg9[%swap3A_613, %swap3A_614], %gather3A_571 {strides = array<i32>} : memref<256x64xf32, #tpu.memory_space<vmem>>, vector<16xf32>,
        %mul3A_616 = arith.constant 16 : i32
        %mul3A_617 = arith.muli %add3A_90, %mul3A_616 : i32
        %add3A_618 = arith.constant 8 : i32
        %add3A_619 = arith.addi %mul3A_617, %add3A_618 : i32
        %add3A_620 = arith.constant 0 : i32
        %add3A_621 = arith.addi %add3A_619, %add3A_620 : i32
        %swap3A_622 = arith.index_cast %add3A_621 : i32 to index
        %swap3A_623 = arith.constant 16 : index
        %swap3A_624 = tpu.vector_load %arg9[%swap3A_622, %swap3A_623] {strides = array<i32>} : memref<256x64xf32, #tpu.memory_space<vmem>>, vector<16xf32>,
        tpu.vector_store %arg9[%swap3A_622, %swap3A_623], %gather3A_575 {strides = array<i32>} : memref<256x64xf32, #tpu.memory_space<vmem>>, vector<16xf32>,
        %mul3A_625 = arith.constant 16 : i32
        %mul3A_626 = arith.muli %add3A_90, %mul3A_625 : i32
        %add3A_627 = arith.constant 8 : i32
        %add3A_628 = arith.addi %mul3A_626, %add3A_627 : i32
        %add3A_629 = arith.constant 0 : i32
        %add3A_630 = arith.addi %add3A_628, %add3A_629 : i32
        %swap3A_631 = arith.index_cast %add3A_630 : i32 to index
        %swap3A_632 = arith.constant 32 : index
        %swap3A_633 = tpu.vector_load %arg9[%swap3A_631, %swap3A_632] {strides = array<i32>} : memref<256x64xf32, #tpu.memory_space<vmem>>, vector<16xf32>,
        tpu.vector_store %arg9[%swap3A_631, %swap3A_632], %gather3A_579 {strides = array<i32>} : memref<256x64xf32, #tpu.memory_space<vmem>>, vector<16xf32>,
        %mul3A_634 = arith.constant 16 : i32
        %mul3A_635 = arith.muli %add3A_90, %mul3A_634 : i32
        %add3A_636 = arith.constant 8 : i32
        %add3A_637 = arith.addi %mul3A_635, %add3A_636 : i32
        %add3A_638 = arith.constant 0 : i32
        %add3A_639 = arith.addi %add3A_637, %add3A_638 : i32
        %swap3A_640 = arith.index_cast %add3A_639 : i32 to index
        %swap3A_641 = arith.constant 48 : index
        %swap3A_642 = tpu.vector_load %arg9[%swap3A_640, %swap3A_641] {strides = array<i32>} : memref<256x64xf32, #tpu.memory_space<vmem>>, vector<16xf32>,
        tpu.vector_store %arg9[%swap3A_640, %swap3A_641], %gather3A_583 {strides = array<i32>} : memref<256x64xf32, #tpu.memory_space<vmem>>, vector<16xf32>,
        %mul3A_643 = arith.constant 16 : i32
        %mul3A_644 = arith.muli %add3A_90, %mul3A_643 : i32
        %add3A_645 = arith.constant 8 : i32
        %add3A_646 = arith.addi %mul3A_644, %add3A_645 : i32
        %add3A_647 = arith.constant 1 : i32
        %add3A_648 = arith.addi %add3A_646, %add3A_647 : i32
        %swap3A_649 = arith.index_cast %add3A_648 : i32 to index
        %swap3A_650 = arith.constant 0 : index
        %swap3A_651 = tpu.vector_load %arg9[%swap3A_649, %swap3A_650] {strides = array<i32>} : memref<256x64xf32, #tpu.memory_space<vmem>>, vector<16xf32>,
        tpu.vector_store %arg9[%swap3A_649, %swap3A_650], %gather3A_594 {strides = array<i32>} : memref<256x64xf32, #tpu.memory_space<vmem>>, vector<16xf32>,
        %mul3A_652 = arith.constant 16 : i32
        %mul3A_653 = arith.muli %add3A_90, %mul3A_652 : i32
        %add3A_654 = arith.constant 8 : i32
        %add3A_655 = arith.addi %mul3A_653, %add3A_654 : i32
        %add3A_656 = arith.constant 1 : i32
        %add3A_657 = arith.addi %add3A_655, %add3A_656 : i32
        %swap3A_658 = arith.index_cast %add3A_657 : i32 to index
        %swap3A_659 = arith.constant 16 : index
        %swap3A_660 = tpu.vector_load %arg9[%swap3A_658, %swap3A_659] {strides = array<i32>} : memref<256x64xf32, #tpu.memory_space<vmem>>, vector<16xf32>,
        tpu.vector_store %arg9[%swap3A_658, %swap3A_659], %gather3A_598 {strides = array<i32>} : memref<256x64xf32, #tpu.memory_space<vmem>>, vector<16xf32>,
        %mul3A_661 = arith.constant 16 : i32
        %mul3A_662 = arith.muli %add3A_90, %mul3A_661 : i32
        %add3A_663 = arith.constant 8 : i32
        %add3A_664 = arith.addi %mul3A_662, %add3A_663 : i32
        %add3A_665 = arith.constant 1 : i32
        %add3A_666 = arith.addi %add3A_664, %add3A_665 : i32
        %swap3A_667 = arith.index_cast %add3A_666 : i32 to index
        %swap3A_668 = arith.constant 32 : index
        %swap3A_669 = tpu.vector_load %arg9[%swap3A_667, %swap3A_668] {strides = array<i32>} : memref<256x64xf32, #tpu.memory_space<vmem>>, vector<16xf32>,
        tpu.vector_store %arg9[%swap3A_667, %swap3A_668], %gather3A_602 {strides = array<i32>} : memref<256x64xf32, #tpu.memory_space<vmem>>, vector<16xf32>,
        %mul3A_670 = arith.constant 16 : i32
        %mul3A_671 = arith.muli %add3A_90, %mul3A_670 : i32
        %add3A_672 = arith.constant 8 : i32
        %add3A_673 = arith.addi %mul3A_671, %add3A_672 : i32
        %add3A_674 = arith.constant 1 : i32
        %add3A_675 = arith.addi %add3A_673, %add3A_674 : i32
        %swap3A_676 = arith.index_cast %add3A_675 : i32 to index
        %swap3A_677 = arith.constant 48 : index
        %swap3A_678 = tpu.vector_load %arg9[%swap3A_676, %swap3A_677] {strides = array<i32>} : memref<256x64xf32, #tpu.memory_space<vmem>>, vector<16xf32>,
        tpu.vector_store %arg9[%swap3A_676, %swap3A_677], %gather3A_606 {strides = array<i32>} : memref<256x64xf32, #tpu.memory_space<vmem>>, vector<16xf32>,
        %slice3A_679 = vector.extract_strided_slice %get3A_93 {offsets = [10], sizes = [1], strides = [1]} : vector<16xi32> to vector<1xi32>
        %squeeze3A_680 = vector.extract %slice3A_679[0] : i32 from vector<1xi32>
        %broadcast_in_dim3A_681 = vector.broadcast %squeeze3A_680 : i32 to vector<16xi32>
        %mul3A_682 = arith.constant 64 : i32
        %mul3A_683 = vector.broadcast %mul3A_682 : i32 to vector<16xi32>
        %mul3A_684 = arith.muli %broadcast_in_dim3A_681, %mul3A_683 : vector<16xi32>
        %add3A_685 = arith.addi %mul3A_684, %iota3A : vector<16xi32>
        %add3A_686 = arith.constant 0 : i32
        %add3A_687 = vector.broadcast %add3A_686 : i32 to vector<16xi32>
        %add3A_688 = arith.addi %add3A_685, %add3A_687 : vector<16xi32>
        %gather3A_689 = tpu.vector_load_idx %arg5[%add3A_688] : memref<4224xf32, #tpu.memory_space<vmem>>[vector<16xi32>], vector<16xf32>,
        %add3A_690 = arith.constant 16 : i32
        %add3A_691 = vector.broadcast %add3A_690 : i32 to vector<16xi32>
        %add3A_692 = arith.addi %add3A_685, %add3A_691 : vector<16xi32>
        %gather3A_693 = tpu.vector_load_idx %arg5[%add3A_692] : memref<4224xf32, #tpu.memory_space<vmem>>[vector<16xi32>], vector<16xf32>,
        %add3A_694 = arith.constant 32 : i32
        %add3A_695 = vector.broadcast %add3A_694 : i32 to vector<16xi32>
        %add3A_696 = arith.addi %add3A_685, %add3A_695 : vector<16xi32>
        %gather3A_697 = tpu.vector_load_idx %arg5[%add3A_696] : memref<4224xf32, #tpu.memory_space<vmem>>[vector<16xi32>], vector<16xf32>,
        %add3A_698 = arith.constant 48 : i32
        %add3A_699 = vector.broadcast %add3A_698 : i32 to vector<16xi32>
        %add3A_700 = arith.addi %add3A_685, %add3A_699 : vector<16xi32>
        %gather3A_701 = tpu.vector_load_idx %arg5[%add3A_700] : memref<4224xf32, #tpu.memory_space<vmem>>[vector<16xi32>], vector<16xf32>,
        %slice3A_702 = vector.extract_strided_slice %get3A_93 {offsets = [11], sizes = [1], strides = [1]} : vector<16xi32> to vector<1xi32>
        %squeeze3A_703 = vector.extract %slice3A_702[0] : i32 from vector<1xi32>
        %broadcast_in_dim3A_704 = vector.broadcast %squeeze3A_703 : i32 to vector<16xi32>
        %mul3A_705 = arith.constant 64 : i32
        %mul3A_706 = vector.broadcast %mul3A_705 : i32 to vector<16xi32>
        %mul3A_707 = arith.muli %broadcast_in_dim3A_704, %mul3A_706 : vector<16xi32>
        %add3A_708 = arith.addi %mul3A_707, %iota3A : vector<16xi32>
        %add3A_709 = arith.constant 0 : i32
        %add3A_710 = vector.broadcast %add3A_709 : i32 to vector<16xi32>
        %add3A_711 = arith.addi %add3A_708, %add3A_710 : vector<16xi32>
        %gather3A_712 = tpu.vector_load_idx %arg5[%add3A_711] : memref<4224xf32, #tpu.memory_space<vmem>>[vector<16xi32>], vector<16xf32>,
        %add3A_713 = arith.constant 16 : i32
        %add3A_714 = vector.broadcast %add3A_713 : i32 to vector<16xi32>
        %add3A_715 = arith.addi %add3A_708, %add3A_714 : vector<16xi32>
        %gather3A_716 = tpu.vector_load_idx %arg5[%add3A_715] : memref<4224xf32, #tpu.memory_space<vmem>>[vector<16xi32>], vector<16xf32>,
        %add3A_717 = arith.constant 32 : i32
        %add3A_718 = vector.broadcast %add3A_717 : i32 to vector<16xi32>
        %add3A_719 = arith.addi %add3A_708, %add3A_718 : vector<16xi32>
        %gather3A_720 = tpu.vector_load_idx %arg5[%add3A_719] : memref<4224xf32, #tpu.memory_space<vmem>>[vector<16xi32>], vector<16xf32>,
        %add3A_721 = arith.constant 48 : i32
        %add3A_722 = vector.broadcast %add3A_721 : i32 to vector<16xi32>
        %add3A_723 = arith.addi %add3A_708, %add3A_722 : vector<16xi32>
        %gather3A_724 = tpu.vector_load_idx %arg5[%add3A_723] : memref<4224xf32, #tpu.memory_space<vmem>>[vector<16xi32>], vector<16xf32>,
        %mul3A_725 = arith.constant 16 : i32
        %mul3A_726 = arith.muli %add3A_90, %mul3A_725 : i32
        %add3A_727 = arith.constant 10 : i32
        %add3A_728 = arith.addi %mul3A_726, %add3A_727 : i32
        %add3A_729 = arith.constant 0 : i32
        %add3A_730 = arith.addi %add3A_728, %add3A_729 : i32
        %swap3A_731 = arith.index_cast %add3A_730 : i32 to index
        %swap3A_732 = arith.constant 0 : index
        %swap3A_733 = tpu.vector_load %arg9[%swap3A_731, %swap3A_732] {strides = array<i32>} : memref<256x64xf32, #tpu.memory_space<vmem>>, vector<16xf32>,
        tpu.vector_store %arg9[%swap3A_731, %swap3A_732], %gather3A_689 {strides = array<i32>} : memref<256x64xf32, #tpu.memory_space<vmem>>, vector<16xf32>,
        %mul3A_734 = arith.constant 16 : i32
        %mul3A_735 = arith.muli %add3A_90, %mul3A_734 : i32
        %add3A_736 = arith.constant 10 : i32
        %add3A_737 = arith.addi %mul3A_735, %add3A_736 : i32
        %add3A_738 = arith.constant 0 : i32
        %add3A_739 = arith.addi %add3A_737, %add3A_738 : i32
        %swap3A_740 = arith.index_cast %add3A_739 : i32 to index
        %swap3A_741 = arith.constant 16 : index
        %swap3A_742 = tpu.vector_load %arg9[%swap3A_740, %swap3A_741] {strides = array<i32>} : memref<256x64xf32, #tpu.memory_space<vmem>>, vector<16xf32>,
        tpu.vector_store %arg9[%swap3A_740, %swap3A_741], %gather3A_693 {strides = array<i32>} : memref<256x64xf32, #tpu.memory_space<vmem>>, vector<16xf32>,
        %mul3A_743 = arith.constant 16 : i32
        %mul3A_744 = arith.muli %add3A_90, %mul3A_743 : i32
        %add3A_745 = arith.constant 10 : i32
        %add3A_746 = arith.addi %mul3A_744, %add3A_745 : i32
        %add3A_747 = arith.constant 0 : i32
        %add3A_748 = arith.addi %add3A_746, %add3A_747 : i32
        %swap3A_749 = arith.index_cast %add3A_748 : i32 to index
        %swap3A_750 = arith.constant 32 : index
        %swap3A_751 = tpu.vector_load %arg9[%swap3A_749, %swap3A_750] {strides = array<i32>} : memref<256x64xf32, #tpu.memory_space<vmem>>, vector<16xf32>,
        tpu.vector_store %arg9[%swap3A_749, %swap3A_750], %gather3A_697 {strides = array<i32>} : memref<256x64xf32, #tpu.memory_space<vmem>>, vector<16xf32>,
        %mul3A_752 = arith.constant 16 : i32
        %mul3A_753 = arith.muli %add3A_90, %mul3A_752 : i32
        %add3A_754 = arith.constant 10 : i32
        %add3A_755 = arith.addi %mul3A_753, %add3A_754 : i32
        %add3A_756 = arith.constant 0 : i32
        %add3A_757 = arith.addi %add3A_755, %add3A_756 : i32
        %swap3A_758 = arith.index_cast %add3A_757 : i32 to index
        %swap3A_759 = arith.constant 48 : index
        %swap3A_760 = tpu.vector_load %arg9[%swap3A_758, %swap3A_759] {strides = array<i32>} : memref<256x64xf32, #tpu.memory_space<vmem>>, vector<16xf32>,
        tpu.vector_store %arg9[%swap3A_758, %swap3A_759], %gather3A_701 {strides = array<i32>} : memref<256x64xf32, #tpu.memory_space<vmem>>, vector<16xf32>,
        %mul3A_761 = arith.constant 16 : i32
        %mul3A_762 = arith.muli %add3A_90, %mul3A_761 : i32
        %add3A_763 = arith.constant 10 : i32
        %add3A_764 = arith.addi %mul3A_762, %add3A_763 : i32
        %add3A_765 = arith.constant 1 : i32
        %add3A_766 = arith.addi %add3A_764, %add3A_765 : i32
        %swap3A_767 = arith.index_cast %add3A_766 : i32 to index
        %swap3A_768 = arith.constant 0 : index
        %swap3A_769 = tpu.vector_load %arg9[%swap3A_767, %swap3A_768] {strides = array<i32>} : memref<256x64xf32, #tpu.memory_space<vmem>>, vector<16xf32>,
        tpu.vector_store %arg9[%swap3A_767, %swap3A_768], %gather3A_712 {strides = array<i32>} : memref<256x64xf32, #tpu.memory_space<vmem>>, vector<16xf32>,
        %mul3A_770 = arith.constant 16 : i32
        %mul3A_771 = arith.muli %add3A_90, %mul3A_770 : i32
        %add3A_772 = arith.constant 10 : i32
        %add3A_773 = arith.addi %mul3A_771, %add3A_772 : i32
        %add3A_774 = arith.constant 1 : i32
        %add3A_775 = arith.addi %add3A_773, %add3A_774 : i32
        %swap3A_776 = arith.index_cast %add3A_775 : i32 to index
        %swap3A_777 = arith.constant 16 : index
        %swap3A_778 = tpu.vector_load %arg9[%swap3A_776, %swap3A_777] {strides = array<i32>} : memref<256x64xf32, #tpu.memory_space<vmem>>, vector<16xf32>,
        tpu.vector_store %arg9[%swap3A_776, %swap3A_777], %gather3A_716 {strides = array<i32>} : memref<256x64xf32, #tpu.memory_space<vmem>>, vector<16xf32>,
        %mul3A_779 = arith.constant 16 : i32
        %mul3A_780 = arith.muli %add3A_90, %mul3A_779 : i32
        %add3A_781 = arith.constant 10 : i32
        %add3A_782 = arith.addi %mul3A_780, %add3A_781 : i32
        %add3A_783 = arith.constant 1 : i32
        %add3A_784 = arith.addi %add3A_782, %add3A_783 : i32
        %swap3A_785 = arith.index_cast %add3A_784 : i32 to index
        %swap3A_786 = arith.constant 32 : index
        %swap3A_787 = tpu.vector_load %arg9[%swap3A_785, %swap3A_786] {strides = array<i32>} : memref<256x64xf32, #tpu.memory_space<vmem>>, vector<16xf32>,
        tpu.vector_store %arg9[%swap3A_785, %swap3A_786], %gather3A_720 {strides = array<i32>} : memref<256x64xf32, #tpu.memory_space<vmem>>, vector<16xf32>,
        %mul3A_788 = arith.constant 16 : i32
        %mul3A_789 = arith.muli %add3A_90, %mul3A_788 : i32
        %add3A_790 = arith.constant 10 : i32
        %add3A_791 = arith.addi %mul3A_789, %add3A_790 : i32
        %add3A_792 = arith.constant 1 : i32
        %add3A_793 = arith.addi %add3A_791, %add3A_792 : i32
        %swap3A_794 = arith.index_cast %add3A_793 : i32 to index
        %swap3A_795 = arith.constant 48 : index
        %swap3A_796 = tpu.vector_load %arg9[%swap3A_794, %swap3A_795] {strides = array<i32>} : memref<256x64xf32, #tpu.memory_space<vmem>>, vector<16xf32>,
        tpu.vector_store %arg9[%swap3A_794, %swap3A_795], %gather3A_724 {strides = array<i32>} : memref<256x64xf32, #tpu.memory_space<vmem>>, vector<16xf32>,
        %slice3A_797 = vector.extract_strided_slice %get3A_93 {offsets = [12], sizes = [1], strides = [1]} : vector<16xi32> to vector<1xi32>
        %squeeze3A_798 = vector.extract %slice3A_797[0] : i32 from vector<1xi32>
        %broadcast_in_dim3A_799 = vector.broadcast %squeeze3A_798 : i32 to vector<16xi32>
        %mul3A_800 = arith.constant 64 : i32
        %mul3A_801 = vector.broadcast %mul3A_800 : i32 to vector<16xi32>
        %mul3A_802 = arith.muli %broadcast_in_dim3A_799, %mul3A_801 : vector<16xi32>
        %add3A_803 = arith.addi %mul3A_802, %iota3A : vector<16xi32>
        %add3A_804 = arith.constant 0 : i32
        %add3A_805 = vector.broadcast %add3A_804 : i32 to vector<16xi32>
        %add3A_806 = arith.addi %add3A_803, %add3A_805 : vector<16xi32>
        %gather3A_807 = tpu.vector_load_idx %arg5[%add3A_806] : memref<4224xf32, #tpu.memory_space<vmem>>[vector<16xi32>], vector<16xf32>,
        %add3A_808 = arith.constant 16 : i32
        %add3A_809 = vector.broadcast %add3A_808 : i32 to vector<16xi32>
        %add3A_810 = arith.addi %add3A_803, %add3A_809 : vector<16xi32>
        %gather3A_811 = tpu.vector_load_idx %arg5[%add3A_810] : memref<4224xf32, #tpu.memory_space<vmem>>[vector<16xi32>], vector<16xf32>,
        %add3A_812 = arith.constant 32 : i32
        %add3A_813 = vector.broadcast %add3A_812 : i32 to vector<16xi32>
        %add3A_814 = arith.addi %add3A_803, %add3A_813 : vector<16xi32>
        %gather3A_815 = tpu.vector_load_idx %arg5[%add3A_814] : memref<4224xf32, #tpu.memory_space<vmem>>[vector<16xi32>], vector<16xf32>,
        %add3A_816 = arith.constant 48 : i32
        %add3A_817 = vector.broadcast %add3A_816 : i32 to vector<16xi32>
        %add3A_818 = arith.addi %add3A_803, %add3A_817 : vector<16xi32>
        %gather3A_819 = tpu.vector_load_idx %arg5[%add3A_818] : memref<4224xf32, #tpu.memory_space<vmem>>[vector<16xi32>], vector<16xf32>,
        %slice3A_820 = vector.extract_strided_slice %get3A_93 {offsets = [13], sizes = [1], strides = [1]} : vector<16xi32> to vector<1xi32>
        %squeeze3A_821 = vector.extract %slice3A_820[0] : i32 from vector<1xi32>
        %broadcast_in_dim3A_822 = vector.broadcast %squeeze3A_821 : i32 to vector<16xi32>
        %mul3A_823 = arith.constant 64 : i32
        %mul3A_824 = vector.broadcast %mul3A_823 : i32 to vector<16xi32>
        %mul3A_825 = arith.muli %broadcast_in_dim3A_822, %mul3A_824 : vector<16xi32>
        %add3A_826 = arith.addi %mul3A_825, %iota3A : vector<16xi32>
        %add3A_827 = arith.constant 0 : i32
        %add3A_828 = vector.broadcast %add3A_827 : i32 to vector<16xi32>
        %add3A_829 = arith.addi %add3A_826, %add3A_828 : vector<16xi32>
        %gather3A_830 = tpu.vector_load_idx %arg5[%add3A_829] : memref<4224xf32, #tpu.memory_space<vmem>>[vector<16xi32>], vector<16xf32>,
        %add3A_831 = arith.constant 16 : i32
        %add3A_832 = vector.broadcast %add3A_831 : i32 to vector<16xi32>
        %add3A_833 = arith.addi %add3A_826, %add3A_832 : vector<16xi32>
        %gather3A_834 = tpu.vector_load_idx %arg5[%add3A_833] : memref<4224xf32, #tpu.memory_space<vmem>>[vector<16xi32>], vector<16xf32>,
        %add3A_835 = arith.constant 32 : i32
        %add3A_836 = vector.broadcast %add3A_835 : i32 to vector<16xi32>
        %add3A_837 = arith.addi %add3A_826, %add3A_836 : vector<16xi32>
        %gather3A_838 = tpu.vector_load_idx %arg5[%add3A_837] : memref<4224xf32, #tpu.memory_space<vmem>>[vector<16xi32>], vector<16xf32>,
        %add3A_839 = arith.constant 48 : i32
        %add3A_840 = vector.broadcast %add3A_839 : i32 to vector<16xi32>
        %add3A_841 = arith.addi %add3A_826, %add3A_840 : vector<16xi32>
        %gather3A_842 = tpu.vector_load_idx %arg5[%add3A_841] : memref<4224xf32, #tpu.memory_space<vmem>>[vector<16xi32>], vector<16xf32>,
        %mul3A_843 = arith.constant 16 : i32
        %mul3A_844 = arith.muli %add3A_90, %mul3A_843 : i32
        %add3A_845 = arith.constant 12 : i32
        %add3A_846 = arith.addi %mul3A_844, %add3A_845 : i32
        %add3A_847 = arith.constant 0 : i32
        %add3A_848 = arith.addi %add3A_846, %add3A_847 : i32
        %swap3A_849 = arith.index_cast %add3A_848 : i32 to index
        %swap3A_850 = arith.constant 0 : index
        %swap3A_851 = tpu.vector_load %arg9[%swap3A_849, %swap3A_850] {strides = array<i32>} : memref<256x64xf32, #tpu.memory_space<vmem>>, vector<16xf32>,
        tpu.vector_store %arg9[%swap3A_849, %swap3A_850], %gather3A_807 {strides = array<i32>} : memref<256x64xf32, #tpu.memory_space<vmem>>, vector<16xf32>,
        %mul3A_852 = arith.constant 16 : i32
        %mul3A_853 = arith.muli %add3A_90, %mul3A_852 : i32
        %add3A_854 = arith.constant 12 : i32
        %add3A_855 = arith.addi %mul3A_853, %add3A_854 : i32
        %add3A_856 = arith.constant 0 : i32
        %add3A_857 = arith.addi %add3A_855, %add3A_856 : i32
        %swap3A_858 = arith.index_cast %add3A_857 : i32 to index
        %swap3A_859 = arith.constant 16 : index
        %swap3A_860 = tpu.vector_load %arg9[%swap3A_858, %swap3A_859] {strides = array<i32>} : memref<256x64xf32, #tpu.memory_space<vmem>>, vector<16xf32>,
        tpu.vector_store %arg9[%swap3A_858, %swap3A_859], %gather3A_811 {strides = array<i32>} : memref<256x64xf32, #tpu.memory_space<vmem>>, vector<16xf32>,
        %mul3A_861 = arith.constant 16 : i32
        %mul3A_862 = arith.muli %add3A_90, %mul3A_861 : i32
        %add3A_863 = arith.constant 12 : i32
        %add3A_864 = arith.addi %mul3A_862, %add3A_863 : i32
        %add3A_865 = arith.constant 0 : i32
        %add3A_866 = arith.addi %add3A_864, %add3A_865 : i32
        %swap3A_867 = arith.index_cast %add3A_866 : i32 to index
        %swap3A_868 = arith.constant 32 : index
        %swap3A_869 = tpu.vector_load %arg9[%swap3A_867, %swap3A_868] {strides = array<i32>} : memref<256x64xf32, #tpu.memory_space<vmem>>, vector<16xf32>,
        tpu.vector_store %arg9[%swap3A_867, %swap3A_868], %gather3A_815 {strides = array<i32>} : memref<256x64xf32, #tpu.memory_space<vmem>>, vector<16xf32>,
        %mul3A_870 = arith.constant 16 : i32
        %mul3A_871 = arith.muli %add3A_90, %mul3A_870 : i32
        %add3A_872 = arith.constant 12 : i32
        %add3A_873 = arith.addi %mul3A_871, %add3A_872 : i32
        %add3A_874 = arith.constant 0 : i32
        %add3A_875 = arith.addi %add3A_873, %add3A_874 : i32
        %swap3A_876 = arith.index_cast %add3A_875 : i32 to index
        %swap3A_877 = arith.constant 48 : index
        %swap3A_878 = tpu.vector_load %arg9[%swap3A_876, %swap3A_877] {strides = array<i32>} : memref<256x64xf32, #tpu.memory_space<vmem>>, vector<16xf32>,
        tpu.vector_store %arg9[%swap3A_876, %swap3A_877], %gather3A_819 {strides = array<i32>} : memref<256x64xf32, #tpu.memory_space<vmem>>, vector<16xf32>,
        %mul3A_879 = arith.constant 16 : i32
        %mul3A_880 = arith.muli %add3A_90, %mul3A_879 : i32
        %add3A_881 = arith.constant 12 : i32
        %add3A_882 = arith.addi %mul3A_880, %add3A_881 : i32
        %add3A_883 = arith.constant 1 : i32
        %add3A_884 = arith.addi %add3A_882, %add3A_883 : i32
        %swap3A_885 = arith.index_cast %add3A_884 : i32 to index
        %swap3A_886 = arith.constant 0 : index
        %swap3A_887 = tpu.vector_load %arg9[%swap3A_885, %swap3A_886] {strides = array<i32>} : memref<256x64xf32, #tpu.memory_space<vmem>>, vector<16xf32>,
        tpu.vector_store %arg9[%swap3A_885, %swap3A_886], %gather3A_830 {strides = array<i32>} : memref<256x64xf32, #tpu.memory_space<vmem>>, vector<16xf32>,
        %mul3A_888 = arith.constant 16 : i32
        %mul3A_889 = arith.muli %add3A_90, %mul3A_888 : i32
        %add3A_890 = arith.constant 12 : i32
        %add3A_891 = arith.addi %mul3A_889, %add3A_890 : i32
        %add3A_892 = arith.constant 1 : i32
        %add3A_893 = arith.addi %add3A_891, %add3A_892 : i32
        %swap3A_894 = arith.index_cast %add3A_893 : i32 to index
        %swap3A_895 = arith.constant 16 : index
        %swap3A_896 = tpu.vector_load %arg9[%swap3A_894, %swap3A_895] {strides = array<i32>} : memref<256x64xf32, #tpu.memory_space<vmem>>, vector<16xf32>,
        tpu.vector_store %arg9[%swap3A_894, %swap3A_895], %gather3A_834 {strides = array<i32>} : memref<256x64xf32, #tpu.memory_space<vmem>>, vector<16xf32>,
        %mul3A_897 = arith.constant 16 : i32
        %mul3A_898 = arith.muli %add3A_90, %mul3A_897 : i32
        %add3A_899 = arith.constant 12 : i32
        %add3A_900 = arith.addi %mul3A_898, %add3A_899 : i32
        %add3A_901 = arith.constant 1 : i32
        %add3A_902 = arith.addi %add3A_900, %add3A_901 : i32
        %swap3A_903 = arith.index_cast %add3A_902 : i32 to index
        %swap3A_904 = arith.constant 32 : index
        %swap3A_905 = tpu.vector_load %arg9[%swap3A_903, %swap3A_904] {strides = array<i32>} : memref<256x64xf32, #tpu.memory_space<vmem>>, vector<16xf32>,
        tpu.vector_store %arg9[%swap3A_903, %swap3A_904], %gather3A_838 {strides = array<i32>} : memref<256x64xf32, #tpu.memory_space<vmem>>, vector<16xf32>,
        %mul3A_906 = arith.constant 16 : i32
        %mul3A_907 = arith.muli %add3A_90, %mul3A_906 : i32
        %add3A_908 = arith.constant 12 : i32
        %add3A_909 = arith.addi %mul3A_907, %add3A_908 : i32
        %add3A_910 = arith.constant 1 : i32
        %add3A_911 = arith.addi %add3A_909, %add3A_910 : i32
        %swap3A_912 = arith.index_cast %add3A_911 : i32 to index
        %swap3A_913 = arith.constant 48 : index
        %swap3A_914 = tpu.vector_load %arg9[%swap3A_912, %swap3A_913] {strides = array<i32>} : memref<256x64xf32, #tpu.memory_space<vmem>>, vector<16xf32>,
        tpu.vector_store %arg9[%swap3A_912, %swap3A_913], %gather3A_842 {strides = array<i32>} : memref<256x64xf32, #tpu.memory_space<vmem>>, vector<16xf32>,
        %slice3A_915 = vector.extract_strided_slice %get3A_93 {offsets = [14], sizes = [1], strides = [1]} : vector<16xi32> to vector<1xi32>
        %squeeze3A_916 = vector.extract %slice3A_915[0] : i32 from vector<1xi32>
        %broadcast_in_dim3A_917 = vector.broadcast %squeeze3A_916 : i32 to vector<16xi32>
        %mul3A_918 = arith.constant 64 : i32
        %mul3A_919 = vector.broadcast %mul3A_918 : i32 to vector<16xi32>
        %mul3A_920 = arith.muli %broadcast_in_dim3A_917, %mul3A_919 : vector<16xi32>
        %add3A_921 = arith.addi %mul3A_920, %iota3A : vector<16xi32>
        %add3A_922 = arith.constant 0 : i32
        %add3A_923 = vector.broadcast %add3A_922 : i32 to vector<16xi32>
        %add3A_924 = arith.addi %add3A_921, %add3A_923 : vector<16xi32>
        %gather3A_925 = tpu.vector_load_idx %arg5[%add3A_924] : memref<4224xf32, #tpu.memory_space<vmem>>[vector<16xi32>], vector<16xf32>,
        %add3A_926 = arith.constant 16 : i32
        %add3A_927 = vector.broadcast %add3A_926 : i32 to vector<16xi32>
        %add3A_928 = arith.addi %add3A_921, %add3A_927 : vector<16xi32>
        %gather3A_929 = tpu.vector_load_idx %arg5[%add3A_928] : memref<4224xf32, #tpu.memory_space<vmem>>[vector<16xi32>], vector<16xf32>,
        %add3A_930 = arith.constant 32 : i32
        %add3A_931 = vector.broadcast %add3A_930 : i32 to vector<16xi32>
        %add3A_932 = arith.addi %add3A_921, %add3A_931 : vector<16xi32>
        %gather3A_933 = tpu.vector_load_idx %arg5[%add3A_932] : memref<4224xf32, #tpu.memory_space<vmem>>[vector<16xi32>], vector<16xf32>,
        %add3A_934 = arith.constant 48 : i32
        %add3A_935 = vector.broadcast %add3A_934 : i32 to vector<16xi32>
        %add3A_936 = arith.addi %add3A_921, %add3A_935 : vector<16xi32>
        %gather3A_937 = tpu.vector_load_idx %arg5[%add3A_936] : memref<4224xf32, #tpu.memory_space<vmem>>[vector<16xi32>], vector<16xf32>,
        %slice3A_938 = vector.extract_strided_slice %get3A_93 {offsets = [15], sizes = [1], strides = [1]} : vector<16xi32> to vector<1xi32>
        %squeeze3A_939 = vector.extract %slice3A_938[0] : i32 from vector<1xi32>
        %broadcast_in_dim3A_940 = vector.broadcast %squeeze3A_939 : i32 to vector<16xi32>
        %mul3A_941 = arith.constant 64 : i32
        %mul3A_942 = vector.broadcast %mul3A_941 : i32 to vector<16xi32>
        %mul3A_943 = arith.muli %broadcast_in_dim3A_940, %mul3A_942 : vector<16xi32>
        %add3A_944 = arith.addi %mul3A_943, %iota3A : vector<16xi32>
        %add3A_945 = arith.constant 0 : i32
        %add3A_946 = vector.broadcast %add3A_945 : i32 to vector<16xi32>
        %add3A_947 = arith.addi %add3A_944, %add3A_946 : vector<16xi32>
        %gather3A_948 = tpu.vector_load_idx %arg5[%add3A_947] : memref<4224xf32, #tpu.memory_space<vmem>>[vector<16xi32>], vector<16xf32>,
        %add3A_949 = arith.constant 16 : i32
        %add3A_950 = vector.broadcast %add3A_949 : i32 to vector<16xi32>
        %add3A_951 = arith.addi %add3A_944, %add3A_950 : vector<16xi32>
        %gather3A_952 = tpu.vector_load_idx %arg5[%add3A_951] : memref<4224xf32, #tpu.memory_space<vmem>>[vector<16xi32>], vector<16xf32>,
        %add3A_953 = arith.constant 32 : i32
        %add3A_954 = vector.broadcast %add3A_953 : i32 to vector<16xi32>
        %add3A_955 = arith.addi %add3A_944, %add3A_954 : vector<16xi32>
        %gather3A_956 = tpu.vector_load_idx %arg5[%add3A_955] : memref<4224xf32, #tpu.memory_space<vmem>>[vector<16xi32>], vector<16xf32>,
        %add3A_957 = arith.constant 48 : i32
        %add3A_958 = vector.broadcast %add3A_957 : i32 to vector<16xi32>
        %add3A_959 = arith.addi %add3A_944, %add3A_958 : vector<16xi32>
        %gather3A_960 = tpu.vector_load_idx %arg5[%add3A_959] : memref<4224xf32, #tpu.memory_space<vmem>>[vector<16xi32>], vector<16xf32>,
        %mul3A_961 = arith.constant 16 : i32
        %mul3A_962 = arith.muli %add3A_90, %mul3A_961 : i32
        %add3A_963 = arith.constant 14 : i32
        %add3A_964 = arith.addi %mul3A_962, %add3A_963 : i32
        %add3A_965 = arith.constant 0 : i32
        %add3A_966 = arith.addi %add3A_964, %add3A_965 : i32
        %swap3A_967 = arith.index_cast %add3A_966 : i32 to index
        %swap3A_968 = arith.constant 0 : index
        %swap3A_969 = tpu.vector_load %arg9[%swap3A_967, %swap3A_968] {strides = array<i32>} : memref<256x64xf32, #tpu.memory_space<vmem>>, vector<16xf32>,
        tpu.vector_store %arg9[%swap3A_967, %swap3A_968], %gather3A_925 {strides = array<i32>} : memref<256x64xf32, #tpu.memory_space<vmem>>, vector<16xf32>,
        %mul3A_970 = arith.constant 16 : i32
        %mul3A_971 = arith.muli %add3A_90, %mul3A_970 : i32
        %add3A_972 = arith.constant 14 : i32
        %add3A_973 = arith.addi %mul3A_971, %add3A_972 : i32
        %add3A_974 = arith.constant 0 : i32
        %add3A_975 = arith.addi %add3A_973, %add3A_974 : i32
        %swap3A_976 = arith.index_cast %add3A_975 : i32 to index
        %swap3A_977 = arith.constant 16 : index
        %swap3A_978 = tpu.vector_load %arg9[%swap3A_976, %swap3A_977] {strides = array<i32>} : memref<256x64xf32, #tpu.memory_space<vmem>>, vector<16xf32>,
        tpu.vector_store %arg9[%swap3A_976, %swap3A_977], %gather3A_929 {strides = array<i32>} : memref<256x64xf32, #tpu.memory_space<vmem>>, vector<16xf32>,
        %mul3A_979 = arith.constant 16 : i32
        %mul3A_980 = arith.muli %add3A_90, %mul3A_979 : i32
        %add3A_981 = arith.constant 14 : i32
        %add3A_982 = arith.addi %mul3A_980, %add3A_981 : i32
        %add3A_983 = arith.constant 0 : i32
        %add3A_984 = arith.addi %add3A_982, %add3A_983 : i32
        %swap3A_985 = arith.index_cast %add3A_984 : i32 to index
        %swap3A_986 = arith.constant 32 : index
        %swap3A_987 = tpu.vector_load %arg9[%swap3A_985, %swap3A_986] {strides = array<i32>} : memref<256x64xf32, #tpu.memory_space<vmem>>, vector<16xf32>,
        tpu.vector_store %arg9[%swap3A_985, %swap3A_986], %gather3A_933 {strides = array<i32>} : memref<256x64xf32, #tpu.memory_space<vmem>>, vector<16xf32>,
        %mul3A_988 = arith.constant 16 : i32
        %mul3A_989 = arith.muli %add3A_90, %mul3A_988 : i32
        %add3A_990 = arith.constant 14 : i32
        %add3A_991 = arith.addi %mul3A_989, %add3A_990 : i32
        %add3A_992 = arith.constant 0 : i32
        %add3A_993 = arith.addi %add3A_991, %add3A_992 : i32
        %swap3A_994 = arith.index_cast %add3A_993 : i32 to index
        %swap3A_995 = arith.constant 48 : index
        %swap3A_996 = tpu.vector_load %arg9[%swap3A_994, %swap3A_995] {strides = array<i32>} : memref<256x64xf32, #tpu.memory_space<vmem>>, vector<16xf32>,
        tpu.vector_store %arg9[%swap3A_994, %swap3A_995], %gather3A_937 {strides = array<i32>} : memref<256x64xf32, #tpu.memory_space<vmem>>, vector<16xf32>,
        %mul3A_997 = arith.constant 16 : i32
        %mul3A_998 = arith.muli %add3A_90, %mul3A_997 : i32
        %add3A_999 = arith.constant 14 : i32
        %add3A_1000 = arith.addi %mul3A_998, %add3A_999 : i32
        %add3A_1001 = arith.constant 1 : i32
        %add3A_1002 = arith.addi %add3A_1000, %add3A_1001 : i32
        %swap3A_1003 = arith.index_cast %add3A_1002 : i32 to index
        %swap3A_1004 = arith.constant 0 : index
        %swap3A_1005 = tpu.vector_load %arg9[%swap3A_1003, %swap3A_1004] {strides = array<i32>} : memref<256x64xf32, #tpu.memory_space<vmem>>, vector<16xf32>,
        tpu.vector_store %arg9[%swap3A_1003, %swap3A_1004], %gather3A_948 {strides = array<i32>} : memref<256x64xf32, #tpu.memory_space<vmem>>, vector<16xf32>,
        %mul3A_1006 = arith.constant 16 : i32
        %mul3A_1007 = arith.muli %add3A_90, %mul3A_1006 : i32
        %add3A_1008 = arith.constant 14 : i32
        %add3A_1009 = arith.addi %mul3A_1007, %add3A_1008 : i32
        %add3A_1010 = arith.constant 1 : i32
        %add3A_1011 = arith.addi %add3A_1009, %add3A_1010 : i32
        %swap3A_1012 = arith.index_cast %add3A_1011 : i32 to index
        %swap3A_1013 = arith.constant 16 : index
        %swap3A_1014 = tpu.vector_load %arg9[%swap3A_1012, %swap3A_1013] {strides = array<i32>} : memref<256x64xf32, #tpu.memory_space<vmem>>, vector<16xf32>,
        tpu.vector_store %arg9[%swap3A_1012, %swap3A_1013], %gather3A_952 {strides = array<i32>} : memref<256x64xf32, #tpu.memory_space<vmem>>, vector<16xf32>,
        %mul3A_1015 = arith.constant 16 : i32
        %mul3A_1016 = arith.muli %add3A_90, %mul3A_1015 : i32
        %add3A_1017 = arith.constant 14 : i32
        %add3A_1018 = arith.addi %mul3A_1016, %add3A_1017 : i32
        %add3A_1019 = arith.constant 1 : i32
        %add3A_1020 = arith.addi %add3A_1018, %add3A_1019 : i32
        %swap3A_1021 = arith.index_cast %add3A_1020 : i32 to index
        %swap3A_1022 = arith.constant 32 : index
        %swap3A_1023 = tpu.vector_load %arg9[%swap3A_1021, %swap3A_1022] {strides = array<i32>} : memref<256x64xf32, #tpu.memory_space<vmem>>, vector<16xf32>,
        tpu.vector_store %arg9[%swap3A_1021, %swap3A_1022], %gather3A_956 {strides = array<i32>} : memref<256x64xf32, #tpu.memory_space<vmem>>, vector<16xf32>,
        %mul3A_1024 = arith.constant 16 : i32
        %mul3A_1025 = arith.muli %add3A_90, %mul3A_1024 : i32
        %add3A_1026 = arith.constant 14 : i32
        %add3A_1027 = arith.addi %mul3A_1025, %add3A_1026 : i32
        %add3A_1028 = arith.constant 1 : i32
        %add3A_1029 = arith.addi %add3A_1027, %add3A_1028 : i32
        %swap3A_1030 = arith.index_cast %add3A_1029 : i32 to index
        %swap3A_1031 = arith.constant 48 : index
        %swap3A_1032 = tpu.vector_load %arg9[%swap3A_1030, %swap3A_1031] {strides = array<i32>} : memref<256x64xf32, #tpu.memory_space<vmem>>, vector<16xf32>,
        tpu.vector_store %arg9[%swap3A_1030, %swap3A_1031], %gather3A_960 {strides = array<i32>} : memref<256x64xf32, #tpu.memory_space<vmem>>, vector<16xf32>,
      }
      %scan3A_71 = arith.constant 16 : i32
      %mul3A_72 = arith.constant 256 : i32
      %mul3A_73 = arith.muli %add3A_56, %mul3A_72 : i32
      %add3A_74 = arith.addi %mul3A_2, %mul3A_73 : i32
      %dma_start3A_75 = arith.constant 0 : i32
      %dma_start3A_76 = tpu.memref_slice %arg4[%add3A_74, %dma_start3A_75] : memref<3276800x64xf32, #tpu.memory_space<hbm>> -> memref<256x64xf32, #tpu.memory_space<hbm>>
      %dma_start3A_77 = arith.constant 0 : i32
      %dma_start3A_78 = tpu.memref_slice %arg4[%add3A_74, %dma_start3A_77] : memref<3276800x64xf32, #tpu.memory_space<hbm>> -> memref<256x64xf32, #tpu.memory_space<hbm>>
      tpu.enqueue_dma source(%arg9 : memref<256x64xf32, #tpu.memory_space<vmem>>) target(%dma_start3A_78 : memref<256x64xf32, #tpu.memory_space<hbm>>) target_semaphore(%arg14 : memref<!tpu.dma_semaphore, #tpu.memory_space<semaphore_mem>>)
      %add3A_79 = arith.constant 2 : i32
      %add3A_80 = arith.addi %add3A_56, %add3A_79 : i32
      %lt3A_81 = arith.constant 400 : i32
      %lt3A_82 = arith.cmpi slt, %add3A_80, %lt3A_81 : i32
      %convert_element_type3A_83 = arith.extui %lt3A_82 : i1 to i32
      %cond3A_84 = arith.constant 0 : i32
      %cond3A_85 = arith.cmpi ne, %convert_element_type3A_83, %cond3A_84 : i32
      scf.if %cond3A_85 {
        %add3A_86 = arith.constant 2 : i32
        %add3A_87 = arith.addi %add3A_56, %add3A_86 : i32
        %mul3A_88 = arith.constant 256 : i32
        %mul3A_89 = arith.muli %add3A_87, %mul3A_88 : i32
        %add3A_90 = arith.addi %mul3A_2, %mul3A_89 : i32
        %dma_start3A_91 = tpu.memref_slice %arg3[%add3A_90] : memref<3276800xi32, #tpu.memory_space<hbm>> -> memref<256xi32, #tpu.memory_space<hbm>>
        %dma_start3A_92 = tpu.memref_slice %arg3[%add3A_90] : memref<3276800xi32, #tpu.memory_space<hbm>> -> memref<256xi32, #tpu.memory_space<hbm>>
        tpu.enqueue_dma source(%dma_start3A_92 : memref<256xi32, #tpu.memory_space<hbm>>) target(%arg7 : memref<256xi32, #tpu.memory_space<vmem>>) target_semaphore(%arg12 : memref<!tpu.dma_semaphore, #tpu.memory_space<semaphore_mem>>)
      } else {
      }
    }
    %scan3A_13 = arith.constant 200 : i32
    %add3A_14 = arith.constant 101888 : i32
    %add3A_15 = arith.addi %mul3A_2, %add3A_14 : i32
    %dma_wait3A = arith.constant 0 : i32
    %dma_wait3A_16 = tpu.memref_slice %arg4[%add3A_15, %dma_wait3A] : memref<3276800x64xf32, #tpu.memory_space<hbm>> -> memref<256x64xf32, #tpu.memory_space<hbm>>
    %dma_wait3A_17 = arith.constant 0 : i32
    %dma_wait3A_18 = tpu.memref_slice %arg4[%add3A_15, %dma_wait3A_17] : memref<3276800x64xf32, #tpu.memory_space<hbm>> -> memref<256x64xf32, #tpu.memory_space<hbm>>
    tpu.wait_dma2 semaphore(%arg13 : memref<!tpu.dma_semaphore, #tpu.memory_space<semaphore_mem>>) src(%arg8 : memref<256x64xf32, #tpu.memory_space<vmem>>) dst(%dma_wait3A_18 : memref<256x64xf32, #tpu.memory_space<hbm>>)
    %add3A_19 = arith.constant 102144 : i32
    %add3A_20 = arith.addi %mul3A_2, %add3A_19 : i32
    %dma_wait3A_21 = arith.constant 0 : i32
    %dma_wait3A_22 = tpu.memref_slice %arg4[%add3A_20, %dma_wait3A_21] : memref<3276800x64xf32, #tpu.memory_space<hbm>> -> memref<256x64xf32, #tpu.memory_space<hbm>>
    %dma_wait3A_23 = arith.constant 0 : i32
    %dma_wait3A_24 = tpu.memref_slice %arg4[%add3A_20, %dma_wait3A_23] : memref<3276800x64xf32, #tpu.memory_space<hbm>> -> memref<256x64xf32, #tpu.memory_space<hbm>>
    tpu.wait_dma2 semaphore(%arg14 : memref<!tpu.dma_semaphore, #tpu.memory_space<semaphore_mem>>) src(%arg9 : memref<256x64xf32, #tpu.memory_space<vmem>>) dst(%dma_wait3A_24 : memref<256x64xf32, #tpu.memory_space<hbm>>)
    return
  }
}

module attributes {stable_mosaic.version = 14 : i64} {
  func.func @_mask_body(%arg0: i32, %arg1: memref<8192x16xi32, #tpu.memory_space<vmem>>, %arg2: memref<8192x16xi32, #tpu.memory_space<vmem>>) attributes {dimension_semantics = [#tpu.dimension_semantics<arbitrary>], iteration_bounds = array<i64: 25>, scalar_prefetch = 0 : i64, scratch_operands = 0 : i64, tpu.core_type = #tpu.core_type<tc>, window_params = [{transform_indices = @transform_0, window_bounds = array<i64: 8192, 16>}, {transform_indices = @transform_1, window_bounds = array<i64: 8192, 16>}]} {
    %get3A = arith.constant 0 : index
    %get3A_0 = arith.constant 0 : index
    %get3A_1 = vector.load %arg1[%get3A, %get3A_0] : memref<8192x16xi32, #tpu.memory_space<vmem>>, vector<8192x16xi32>
    %swap3A = arith.constant 0 : index
    %swap3A_2 = arith.constant 0 : index
    %swap3A_3 = vector.load %arg2[%swap3A, %swap3A_2] : memref<8192x16xi32, #tpu.memory_space<vmem>>, vector<8192x16xi32>
    tpu.vector_store %arg2[%swap3A, %swap3A_2], %get3A_1 {strides = array<i32>} : memref<8192x16xi32, #tpu.memory_space<vmem>>, vector<8192x16xi32>,
    return
  }
  func.func @transform_0(%arg0: i32) -> (i32, i32) {
    %c0_i32 = arith.constant 0 : i32
    %c0_i32_0 = arith.constant 0 : i32
    return %arg0, %c0_i32 : i32, i32
  }
  func.func @transform_1(%arg0: i32) -> (i32, i32) {
    %c0_i32 = arith.constant 0 : i32
    %c0_i32_0 = arith.constant 0 : i32
    return %arg0, %c0_i32 : i32, i32
  }
}

</mosaic_0001>

<sc_bundles>
// kernel: kernel.4.cloned.1.call-start
scs
__scs_entry_jumppad:
0x0: {  	(pc) =	sbr.rel $0x88, $3  }
0x1: {  	(tag) =	ssettag $0x0;
	lr =	simm.s32 $0x1  }
0x2: {  	[smem:$0x3F9E] =	sst lr;
	_ =	strace $0xD0000000  }
0x3: {  	_ = 	snop  }
0x4: {  	_ = 	snop  }
0x5: {  	_ = 	snop  }
0x6: {  	_ = 	snop  }
0x7: {  	_ = 	snop  }
__scs_overlays_trampoline_lowered:
0x8: {  	[smem:$0x3FAD] =	sst s0  }
0x9: {  	[smem:$0x3FAE] =	sst s1  }
0xa: {  	[smem:$0x3FAF] =	sst s2  }
0xb: {  	[smem:$0x3FB0] =	sst s3  }
0xc: {  	[smem:$0x3FB1] =	sst s4  }
0xd: {  	[smem:$0x3FB2] =	sst s5  }
0xe: {  	[smem:$0x3FB3] =	sst s6  }
0xf: {  	[smem:$0x3FB4] =	sst s7  }
0x10: {  	[smem:$0x3FB5] =	sst s8  }
0x11: {  	[smem:$0x3FB6] =	sst s9;
	s0 =	simm.s32 @!p0 $0x0  }
0x12: {  	s1 =	sld [smem:$0x3F9C];
	s0 =	simm.s32 @p0 $0x1  }
0x13: {  	[smem:$0x3FB7] =	sst s0;
	s0 =	simm.s32 @!p1 $0x0  }
0x14: {  	s2 =	sld [smem:$0x3F9B];
	s0 =	simm.s32 @p1 $0x1  }
0x15: {  	[smem:$0x3FB8] =	sst s0;
	s0 =	simm.s32 @!p2 $0x0  }
0x16: {  	s3 =	sld [smem:$0x3FDB];
	s0 =	simm.s32 @p2 $0x1  }
0x17: {  	s4 =	simm.s32 $0x1BF5;
	[smem:$0x3FBA] =	sst s0  }
0x18: {  	s0 =	sld [smem:$0x3F9D];
	_ =	swait.ge [sflag:s4], $0x0  }
0x19: {  	s7 =	sld [smem:$0x3F9E]  }
0x1a: {  	s8 =	sadd.s32 $0xFFFFE003, lr  }
0x1b: {  	s9 =	sadd.s32 $0xFFFFFEF7, lr;
	s5 =	simm.s32 $0xFFFFFFFF;
	p2 =	slt.u32 s8, $0xFFFFF086  }
0x1c: {  	p1 =	slt.u32 s9, $0xF7A;
	s5 =	simm.s32 @!p2 $0x0  }
0x1d: {  	s5 =	simm.s32 @p1 $0x1;
	p0 =	seq.s32 s7, s2  }
0x1e: {  	s7 =	smul.u32 @!p0 $0xF7A, s2;
	p2 =	seq.s32 @!p0 s5, $0x0  }
0x1f: {  	s9 =	smul.u32 $0xF7A, s1;
	s8 =	simm.s32 @!p0 $0x1BF5;
	p2 =	por !p2, p0  }
0x20: {  	[sflag:s8] =	ssyncset.s32 @!p0 $0xFFFFF086;
	s6 =	sadd.s32 @!p0 s3, s7;
	s7 =	simm.s32 @!p0 $0x108  }
0x21: {  	s3 =	sadd.s32 s3, s9;
	s6 =	sadd.s32 @!p0 $0x88, s6;
	s7 =	simm.s32 @p2 $0x1082  }
0x22: {  	[simem:s7], [sflag:s8] =	dma.local @!p0 [hbm:s6], $0xF7A  }
0x23: {  	s9 =	sor.u32 $0xD0000000, s2;
	s6 =	simm.s32 $0x108;
	_ =	swait.ge @!p0 [sflag:s8], $0x0  }
0x24: {  	s3 =	sadd.s32 $0x88, s3;
	s6 =	simm.s32 @!p1 $0x1082;
	[sflag:s4] =	ssyncset.s32 $0xFFFFF086  }
0x25: {  	[simem:s6], [sflag:s4] =	dma.local [hbm:s3], $0xF7A  }
0x26: {  	[smem:$0x3F9E] =	sst s1;
	(tag) =	ssettag s2;
	_ =	strace s9  }
0x27: {  	s1 =	sld [smem:$0x3FAE]  }
0x28: {  	s2 =	sld [smem:$0x3FAF]  }
0x29: {  	s4 =	sld [smem:$0x3FB1]  }
0x2a: {  	p0 =	seq.s32 s5, $0x0;
	s5 =	sld [smem:$0x3FB2]  }
0x2b: {  	s6 =	sld [smem:$0x3FB3]  }
0x2c: {  	s7 =	sld [smem:$0x3FB4]  }
0x2d: {  	s3 =	simm.s32 $0x108;
	s8 =	sld [smem:$0x3FB5]  }
0x2e: {  	s3 =	simm.s32 @!p0 $0x1082;
	s9 =	sld [smem:$0x3FB6]  }
0x2f: {  	lr =	sadd.s32 s0, s3;
	s0 =	sld [smem:$0x3FAD]  }
0x30: {  	s3 =	sld [smem:$0x3FB0]  }
0x31: {  	[smem:$0x3FB9] =	sst s10  }
0x32: {  	s10 =	sld [smem:$0x3FB7];
	_ =	sdelay $0x3  }
0x33: {  	p0 =	seq.s32 s10, $0x1;
	s10 =	sld [smem:$0x3FB9];
	_ =	sdelay $0x3  }
0x34: {  	[smem:$0x3FB9] =	sst s10  }
0x35: {  	s10 =	sld [smem:$0x3FB8];
	_ =	sdelay $0x3  }
0x36: {  	p1 =	seq.s32 s10, $0x1;
	s10 =	sld [smem:$0x3FB9];
	_ =	sdelay $0x3  }
0x37: {  	[smem:$0x3FB9] =	sst s10  }
0x38: {  	s10 =	sld [smem:$0x3FBA]  }
0x39: {  	_ = 	snop;
	(pc) =	sbr.ind lr, $3  }
0x3a: {  	_ = 	snop  }
0x3b: {  	_ = 	snop  }
0x3c: {  	p2 =	seq.s32 s10, $0x1;
	s10 =	sld [smem:$0x3FB9]  }
0x3d: {  	_ =	shalt  }
0x3e: {  	_ =	shalt  }
0x3f: {  	_ =	shalt  }
0x40: {  	_ =	shalt  }
0x41: {  	_ =	shalt  }
0x42: {  	_ =	shalt  }
0x43: {  	_ =	shalt  }
0x44: {  	_ =	shalt  }
0x45: {  	_ =	shalt  }
0x46: {  	_ =	shalt  }
0x47: {  	_ =	shalt  }
0x48: {  	_ =	shalt  }
0x49: {  	_ =	shalt  }
0x4a: {  	_ =	shalt  }
0x4b: {  	_ =	shalt  }
0x4c: {  	_ =	shalt  }
0x4d: {  	_ =	shalt  }
0x4e: {  	_ =	shalt  }
0x4f: {  	_ =	shalt  }
0x50: {  	_ =	shalt  }
0x51: {  	_ =	shalt  }
0x52: {  	_ =	shalt  }
0x53: {  	_ =	shalt  }
0x54: {  	_ =	shalt  }
0x55: {  	_ =	shalt  }
0x56: {  	_ =	shalt  }
0x57: {  	_ =	shalt  }
0x58: {  	_ =	shalt  }
0x59: {  	_ =	shalt  }
0x5a: {  	_ =	shalt  }
0x5b: {  	_ =	shalt  }
0x5c: {  	_ =	shalt  }
0x5d: {  	_ =	shalt  }
0x5e: {  	_ =	shalt  }
0x5f: {  	_ =	shalt  }
0x60: {  	_ =	shalt  }
0x61: {  	_ =	shalt  }
0x62: {  	_ =	shalt  }
0x63: {  	_ =	shalt  }
0x64: {  	_ =	shalt  }
0x65: {  	_ =	shalt  }
0x66: {  	_ =	shalt  }
0x67: {  	_ =	shalt  }
0x68: {  	_ =	shalt  }
0x69: {  	_ =	shalt  }
0x6a: {  	_ =	shalt  }
0x6b: {  	_ =	shalt  }
0x6c: {  	_ =	shalt  }
0x6d: {  	_ =	shalt  }
0x6e: {  	_ =	shalt  }
0x6f: {  	_ =	shalt  }
0x70: {  	_ =	shalt  }
0x71: {  	_ =	shalt  }
0x72: {  	_ =	shalt  }
0x73: {  	_ =	shalt  }
0x74: {  	_ =	shalt  }
0x75: {  	_ =	shalt  }
0x76: {  	_ =	shalt  }
0x77: {  	_ =	shalt  }
0x78: {  	_ =	shalt  }
0x79: {  	_ =	shalt  }
0x7a: {  	_ =	shalt  }
0x7b: {  	_ =	shalt  }
0x7c: {  	_ =	shalt  }
0x7d: {  	_ =	shalt  }
0x7e: {  	_ =	shalt  }
0x7f: {  	_ =	shalt  }
0x80: {  	_ =	shalt  }
0x81: {  	_ =	shalt  }
0x82: {  	_ =	shalt  }
0x83: {  	_ =	shalt  }
0x84: {  	_ =	shalt  }
0x85: {  	_ =	shalt  }
0x86: {  	_ =	shalt  }
0x87: {  	_ =	shalt  }
.Lfunc_end0:
.L_simem_size_0:
called_computation.1_lowered:
.L_overlay_start_0:
0x88: {  	s2 =	sld [smem:$0x3FD9]  }
0x89: {  	s3 =	sld [smem:$0x3FFE];
	_ =	sdelay $0x1  }
0x8a: {  	s1 =	srdreg.scid  }
0x8b: {  	s0 =	sand.u32 $0x1, s1  }
0x8c: {  	s14 =	sshll.u32 s0, $0xA;
	s2 =	sadd.s32 s3, s2  }
0x8d: {  	s2 =	sadd.s32 s2, s14  }
0x8e: {  	[smem:$0x3FC5] =	sst s2  }
0x8f: {  	_ = 	snop  }
0x90: {  	s2 =	sld [smem:$0x3FD0];
	_ =	sdelay $0x2  }
0x91: {  	s15 =	simm.s32 $0xA;
	s4 =	simm.s32 $0x10  }
0x92: {  	[smem:s4], [sflag:s15] =	dma.local [hbm:s2], $0x1  }
0x93: {  	_ =	swait.eq [sflag:s15], $0x1  }
0x94: {  	[sflag:s15] =	ssyncset.done $0x0  }
0x95: {  	[sflag:s15] =	ssyncadd.s32 $0xFFFFFFFF  }
0x96: {  	s16 =	sld [smem:$0x11];
	(tm) =	ssettm $0x1  }
0x97: {  	s17 =	sld [smem:$0x3FFB];
	_ =	sdelay $0x3  }
0x98: {  	_ =	strace s17  }
0x99: {  	s3 =	sld [smem:$0x3FFC];
	_ =	sdelay $0x3  }
0x9a: {  	_ =	strace s3  }
0x9b: {  	s3 =	sld [smem:$0x3FFD];
	_ =	sdelay $0x3  }
0x9c: {  	_ =	strace s3  }
0x9d: {  	_ =	strace $0x8FFFFFFF  }
0x9e: {  	s18 =	sld [smem:$0x3FDB];
	_ =	sdelay $0x1  }
0x9f: {  	s19 =	simm.s32 $_scs_section_size  }
0xa0: {  	s5 =	simm.s32 $_size__tile_overlayer_lowered;
	s6 =	simm.s32 $_tile_overlayer_lowered  }
0xa1: {  	s22 =	simm.s32 $0x1BFF;
	s21 =	sshll.u32 s6, $0x1;
	s3 =	sadd.s32 s19, s18  }
0xa2: {  	s7 =	simm.s32 $0x0;
	s20 =	sshll.u32 s5, $0x1;
	s5 =	sadd.s32 s21, s3  }
0xa3: {  	[timem:s7], [sflag:s22] =	dma.local [hbm:s5], s20  }
0xa4: {  	_ =	swait.ge [sflag:s22], s20  }
0xa5: {  	s4 =	ssub.s32 $0x0, s20;
	[sflag:s22] =	ssyncset.done $0x0  }
0xa6: {  	[sflag:s22] =	ssyncadd.s32 s4;
	_ =	sdelay $0x1  }
0xa7: {  	s23 =	simm.s32 $0x1B8B  }
0xa8: {  	_ =	swait.ge [sflag:s23], $0x1  }
0xa9: {  	[sflag:s23] =	ssyncset.done $0x0  }
0xaa: {  	s25 =	simm.s32 $0x1B8E;
	s24 =	sld [smem:$0x3FFE];
	[sflag:s23] =	ssyncadd.s32 $0xFFFFFFFF  }
0xab: {  	s26 =	simm.s32 $execute0_lowered;
	[smem:$0x3FD2] =	sst s25  }
0xac: {  	s5 =	sshll.u32 s26, $0x1;
	_ =	strace $0x80000046;
	[dreg:$0x1] =	wrdreg $0xFFFFFFFF  }
0xad: {  	s28 =	simm.s32 $_size_execute0_lowered;
	s3 =	sadd.s32 s3, s5;
	[dreg:$0x0] =	wrdreg $0x0  }
0xae: {  	s5 =	sshll.u32 s28, $0x1;
	[dreg:$0x2] =	wrdreg s3  }
0xaf: {  	[dreg:$0x3] =	wrdreg s5  }
0xb0: {  	[dreg:$0x4] =	wrdreg $0xC0  }
0xb1: {  	_ =	task [dreg:s7], $0x5FFFF  }
0xb2: {  	[dreg:$0x1] =	wrdreg $0xFFFFFFFF  }
0xb3: {  	[dreg:$0x0] =	wrdreg $0x60  }
0xb4: {  	[dreg:$0x2] =	wrdreg s24  }
0xb5: {  	[dreg:$0x3] =	wrdreg s16  }
0xb6: {  	[dreg:$0x4] =	wrdreg $0x9  }
0xb7: {  	_ =	task.clear_ibuf [dreg:s7], $0x5FFFF;
	_ =	strace $0x90000046  }
0xb8: {  	s29 =	simm.s32 $0x9;
	_ =	strace $0x80000048  }
0xb9: {  	_ =	swait.ge [sflag:s29], $0x1  }
0xba: {  	[sflag:s29] =	ssyncadd.s32 $0xFFFFFFFF  }
0xbb: {  	_ =	strace $0x90000048  }
0xbc: {  	_ =	sfence  }
0xbd: {  	s30 =	sld [smem:$0x0];
	_ =	sdelay $0x2  }
0xbe: {  	s31 =	sshll.u32 s1, $0xD;
	s1 =	sshrl.u32 s1, $0x2  }
0xbf: {  	s3 =	sand.u32 $0x4000, s31;
	s1 =	sadd.s32 s1, s30  }
0xc0: {  	s0 =	sor.u32 s3, s0;
	s1 =	sshll.u32 s1, $0x11  }
0xc1: {  	s0 =	sor.u32 s1, s0  }
0xc2: {  	s0 =	sadd.s32 $0x8F2B, s0  }
0xc3: {  	[sflag:s0] =	ssyncadd.remote.s32 $0x1  }
0xc4: {  	_ =	sfence.sel $0xFFFF  }
0xc5: {  	[dreg:$0x0] =	wrdreg $0xFFFFFFFF;
	(pc) =	sbr.abs _section_cstart, $3  }
0xc6: {  	[dreg:$0x1] =	wrdreg $0xFFFFFFFF  }
0xc7: {  	_ =	task.clear_ibuf [dreg:s7], $0x2FFFF;
	_ =	strace $0x9FFFFFFF  }
0xc8: {  	(tm) =	ssettm $0x7FFFFFFF  }
0xc9: {  	_ =	shalt  }
tec
execute0_lowered:
.L_overlay_start_1:
0x0: {  	(tag) =	ssettag $0x1  }
0x1: {  	s1 =	srdreg.scid  }
0x2: {  	s0 =	stileid.u32;
	s6 =	rddreg [dreg:$0x0]  }
0x3: {  	s2 =	rddreg [dreg:$0x1];
	s3 =	simm.s32 $0x0;
	s13 =	simm.s32 $0x1  }
0x4: {  	s14 =	simm.s32 $0x1080;
	s15 =	simm.s32 $0x1180;
	s16 =	simm.s32 $0x2  }
0x5: {  	s17 =	simm.s32 $0x1280;
	s18 =	simm.s32 $0x3;
	s19 =	simm.s32 $0x9280  }
0x6: {  	s20 =	simm.s32 $0x4;
	s4 =	sand.u32 $0x1, s1;
	s31 =	sshll.u32 s0, $0x1  }
0x7: {  	s21 =	simm.s32 $0x5;
	s1 =	rddreg [dreg:$0x2];
	s8 =	sor.u32 s4, s31  }
0x8: {  	s22 =	simm.s32 $0x0;
	[smem:$0x7FF] =	sst s3;
	s11 =	smul.u32 $0x19000, s8  }
.Ltmp0:
0x9: {  	_ =	strace $0x80000047;
	s7 =	ssub.s32 $0x2, s4;
	(pc) =	sbr.rel .LBB2_1-.Ltmp0, $4  }
0xa: {  	s4 =	sadd.s32 $0xA00, s6;
	s6 =	sadd.s32 $0xE00, s6;
	s9 =	sshrl.u32 s7, $0x1  }
0xb: {  	s8 =	smul.u32 $0xC80000, s8;
	s12 =	ssub.s32 s7, s9;
	s5 =	sshrl.u32 s11, $0x3  }
0xc: {  	v0 =	vlaneseq.u32;
	s9 =	sor.u32 $0x200, s11;
	s10 =	sor.u32 $0x100, s11;
	s5 =	sadd.s32 s2, s5  }
0xd: {  	v1 =	vor.u32 $0x10, v0;
	v2 =	vor.u32 $0x20, v0;
	v3 =	vor.u32 $0x30, v0;
	s11 =	sor.u32 $0x300, s11;
	s12 =	smax.u32 s12, $0x1;
	s7 =	sadd.s32 $0x20, s5  }
.LBB2_8:
0xe: {  	s22 =	sadd.s32 $0x1, s22  }
0xf: {  	_ =	swait.ge [sflag:s20], $0x8000;
	p0 =	sne.s32 s22, s12  }
.Ltmp1:
0x10: {  	[sflag:s20] =	ssyncset.done $0x0;
	(pc) =	sbr.rel @!p0 .LBB2_9-.Ltmp1, $4  }
0x11: {  	[sflag:s20] =	ssyncadd.s32 $0xFFFF8000  }
0x12: {  	_ =	swait.ge [sflag:s21], $0x8000  }
0x13: {  	[sflag:s21] =	ssyncset.done $0x0  }
0x14: {  	[sflag:s21] =	ssyncadd.s32 $0xFFFF8000  }
.LBB2_1:
0x15: {  	[tilespmem:s3], [sflag:$0x1] =	stream.linear.gather [hbm4b:s4+s3], $0x1080, $0x38;
	[tilespmem:$0x11280] =	vst v63  }
0x16: {  	_ =	swait.ge [sflag:s13], $0x1080  }
0x17: {  	[sflag:s13] =	ssyncset.done $0x0  }
0x18: {  	[sflag:s13] =	ssyncadd.s32 $0xFFFFEF80  }
0x19: {  	[tilespmem:s14], [sflag:$0x2] =	stream.linear.gather [hbm4b:s5+s3], $0x100, $0x38;
	[tilespmem:$0x11280] =	vst v63  }
0x1a: {  	s23 =	simm.s32 $0x0  }
0x1b: {  	[tilespmem:s15], [sflag:$0x3] =	stream.linear.gather [hbm4b:s7+s3], $0x100, $0x38;
	[tilespmem:$0x11280] =	vst v63  }
.LBB2_2:
0x1c: {  	_ =	swait.ge [sflag:s16], $0x100  }
0x1d: {  	p0 =	seq.s32 s23, $0x0;
	[sflag:s16] =	ssyncset.done $0x0  }
0x1e: {  	s25 =	simm.s32 @!p0 $0x4;
	[sflag:s16] =	ssyncadd.s32 $0xFFFFFF00  }
0x1f: {  	_ =	swait.ge @!p0 [sflag:s25], $0x8000  }
0x20: {  	s24 =	sshll.u32 s23, $0x9;
	[sflag:s25] =	ssyncset.done @!p0 $0x0  }
0x21: {  	s26 =	simm.s32 $0x1680;
	[sflag:s25] =	ssyncadd.s32 @!p0 $0xFFFF8000;
	s25 =	simm.s32 $0x0  }
.LBB2_3:
0x22: {  	s28 =	sshra.s32 s25, $0x2  }
0x23: {  	v4 =	vld [tilespmem:s28+$0x1080];
	_ =	sdelay $0x4  }
0x24: {  	v4 =	vshll.u32 v4, $0x6  }
0x25: {  	v5 =	vbroadcast v4, $0x0;
	_ =	sdelay $0x1  }
0x26: {  	v6 =	vor.u32 v0, v5  }
0x27: {  	v7 =	vor.u32 v1, v5  }
0x28: {  	v9 =	vbroadcast v4, $0x1;
	v8 =	vor.u32 v2, v5  }
0x29: {  	v5 =	vor.u32 v3, v5  }
0x2a: {  	v10 =	vor.u32 v0, v9  }
0x2b: {  	v11 =	vor.u32 v1, v9;
	v6 =	vld.idx.msk [tilespmem:v6+s3+$0x0], $0xffff  }
0x2c: {  	v12 =	vor.u32 v2, v9;
	v7 =	vld.idx.msk [tilespmem:v7+s3+$0x0], $0xffff  }
0x2d: {  	v9 =	vor.u32 v3, v9;
	v8 =	vld.idx.msk [tilespmem:v8+s3+$0x0], $0xffff  }
0x2e: {  	v5 =	vld.idx.msk [tilespmem:v5+s3+$0x0], $0xffff  }
0x2f: {  	v10 =	vld.idx.msk [tilespmem:v10+s3+$0x0], $0xffff  }
0x30: {  	v11 =	vld.idx.msk [tilespmem:v11+s3+$0x0], $0xffff  }
0x31: {  	v12 =	vld.idx.msk [tilespmem:v12+s3+$0x0], $0xffff  }
0x32: {  	v9 =	vld.idx.msk [tilespmem:v9+s3+$0x0], $0xffff;
	[tilespmem:s26+$0xFFFFFC00] =	vst v6  }
0x33: {  	v16 =	vbroadcast v4, $0x2;
	[tilespmem:s26+$0xFFFFFC10] =	vst v7  }
0x34: {  	[tilespmem:s26+$0xFFFFFC20] =	vst v8  }
0x35: {  	v19 =	vbroadcast v4, $0x3;
	v17 =	vor.u32 v1, v16;
	[tilespmem:s26+$0xFFFFFC30] =	vst v5  }
0x36: {  	v18 =	vor.u32 v2, v16;
	[tilespmem:s26+$0xFFFFFC80] =	vst v10  }
0x37: {  	v20 =	vor.u32 v0, v19;
	[tilespmem:s26+$0xFFFFFC90] =	vst v11  }
0x38: {  	v21 =	vor.u32 v1, v19;
	[tilespmem:s26+$0xFFFFFCA0] =	vst v12  }
0x39: {  	v22 =	vor.u32 v2, v19;
	[tilespmem:s26+$0xFFFFFCB0] =	vst v9  }
0x3a: {  	v5 =	vor.u32 v0, v16;
	v7 =	vld.idx.msk [tilespmem:v17+s3+$0x0], $0xffff  }
0x3b: {  	v6 =	vor.u32 v3, v16;
	v8 =	vld.idx.msk [tilespmem:v18+s3+$0x0], $0xffff  }
0x3c: {  	v10 =	vor.u32 v3, v19;
	v9 =	vld.idx.msk [tilespmem:v20+s3+$0x0], $0xffff  }
0x3d: {  	v11 =	vld.idx.msk [tilespmem:v21+s3+$0x0], $0xffff  }
0x3e: {  	v12 =	vld.idx.msk [tilespmem:v22+s3+$0x0], $0xffff  }
0x3f: {  	v5 =	vld.idx.msk [tilespmem:v5+s3+$0x0], $0xffff  }
0x40: {  	v6 =	vld.idx.msk [tilespmem:v6+s3+$0x0], $0xffff  }
0x41: {  	v10 =	vld.idx.msk [tilespmem:v10+s3+$0x0], $0xffff;
	[tilespmem:s26+$0xFFFFFD10] =	vst v7  }
0x42: {  	v26 =	vbroadcast v4, $0x5;
	[tilespmem:s26+$0xFFFFFD20] =	vst v8  }
0x43: {  	[tilespmem:s26+$0xFFFFFD80] =	vst v9  }
0x44: {  	v27 =	vor.u32 v0, v26;
	[tilespmem:s26+$0xFFFFFD90] =	vst v11  }
0x45: {  	v28 =	vor.u32 v1, v26;
	[tilespmem:s26+$0xFFFFFDA0] =	vst v12  }
0x46: {  	v29 =	vor.u32 v2, v26;
	[tilespmem:s26+$0xFFFFFD00] =	vst v5;
	v5 =	vbroadcast v4, $0x4  }
0x47: {  	v9 =	vor.u32 v3, v26;
	[tilespmem:s26+$0xFFFFFD30] =	vst v6  }
0x48: {  	[tilespmem:s26+$0xFFFFFDB0] =	vst v10;
	v23 =	vor.u32 v0, v5  }
0x49: {  	v10 =	vld.idx.msk [tilespmem:v27+s3+$0x0], $0xffff;
	v24 =	vor.u32 v1, v5  }
0x4a: {  	v11 =	vld.idx.msk [tilespmem:v28+s3+$0x0], $0xffff;
	v25 =	vor.u32 v2, v5  }
0x4b: {  	v12 =	vld.idx.msk [tilespmem:v29+s3+$0x0], $0xffff;
	v5 =	vor.u32 v3, v5  }
0x4c: {  	v9 =	vld.idx.msk [tilespmem:v9+s3+$0x0], $0xffff  }
0x4d: {  	v6 =	vld.idx.msk [tilespmem:v23+s3+$0x0], $0xffff  }
0x4e: {  	v7 =	vld.idx.msk [tilespmem:v24+s3+$0x0], $0xffff  }
0x4f: {  	v8 =	vld.idx.msk [tilespmem:v25+s3+$0x0], $0xffff  }
0x50: {  	v5 =	vld.idx.msk [tilespmem:v5+s3+$0x0], $0xffff;
	[tilespmem:s26+$0xFFFFFE80] =	vst v10  }
0x51: {  	v30 =	vbroadcast v4, $0x6;
	[tilespmem:s26+$0xFFFFFE90] =	vst v11  }
0x52: {  	[tilespmem:s26+$0xFFFFFEA0] =	vst v12  }
0x53: {  	v33 =	vbroadcast v4, $0x7;
	v31 =	vor.u32 v1, v30;
	[tilespmem:s26+$0xFFFFFEB0] =	vst v9  }
0x54: {  	v32 =	vor.u32 v2, v30;
	[tilespmem:s26+$0xFFFFFE00] =	vst v6  }
0x55: {  	v34 =	vor.u32 v0, v33;
	[tilespmem:s26+$0xFFFFFE10] =	vst v7  }
0x56: {  	v35 =	vor.u32 v1, v33;
	[tilespmem:s26+$0xFFFFFE20] =	vst v8  }
0x57: {  	v36 =	vor.u32 v2, v33;
	[tilespmem:s26+$0xFFFFFE30] =	vst v5  }
0x58: {  	v10 =	vor.u32 v3, v33;
	v7 =	vld.idx.msk [tilespmem:v31+s3+$0x0], $0xffff  }
0x59: {  	v5 =	vor.u32 v0, v30;
	v8 =	vld.idx.msk [tilespmem:v32+s3+$0x0], $0xffff  }
0x5a: {  	v6 =	vor.u32 v3, v30;
	v9 =	vld.idx.msk [tilespmem:v34+s3+$0x0], $0xffff  }
0x5b: {  	v11 =	vld.idx.msk [tilespmem:v35+s3+$0x0], $0xffff  }
0x5c: {  	v12 =	vld.idx.msk [tilespmem:v36+s3+$0x0], $0xffff  }
0x5d: {  	v10 =	vld.idx.msk [tilespmem:v10+s3+$0x0], $0xffff  }
0x5e: {  	v5 =	vld.idx.msk [tilespmem:v5+s3+$0x0], $0xffff  }
0x5f: {  	v6 =	vld.idx.msk [tilespmem:v6+s3+$0x0], $0xffff;
	[tilespmem:s26+$0xFFFFFF10] =	vst v7  }
0x60: {  	v40 =	vbroadcast v4, $0x9;
	[tilespmem:s26+$0xFFFFFF20] =	vst v8  }
0x61: {  	[tilespmem:s26+$0xFFFFFF80] =	vst v9  }
0x62: {  	v41 =	vor.u32 v0, v40;
	[tilespmem:s26+$0xFFFFFF90] =	vst v11  }
0x63: {  	v42 =	vor.u32 v1, v40;
	[tilespmem:s26+$0xFFFFFFA0] =	vst v12  }
0x64: {  	v43 =	vor.u32 v2, v40;
	[tilespmem:s26+$0xFFFFFF00] =	vst v5;
	v5 =	vbroadcast v4, $0x8  }
0x65: {  	[tilespmem:s26+$0xFFFFFFB0] =	vst v10;
	v9 =	vor.u32 v3, v40  }
0x66: {  	[tilespmem:s26+$0xFFFFFF30] =	vst v6;
	v37 =	vor.u32 v0, v5  }
0x67: {  	v10 =	vld.idx.msk [tilespmem:v41+s3+$0x0], $0xffff;
	v38 =	vor.u32 v1, v5  }
0x68: {  	v11 =	vld.idx.msk [tilespmem:v42+s3+$0x0], $0xffff;
	v39 =	vor.u32 v2, v5  }
0x69: {  	v12 =	vld.idx.msk [tilespmem:v43+s3+$0x0], $0xffff;
	v5 =	vor.u32 v3, v5  }
0x6a: {  	v9 =	vld.idx.msk [tilespmem:v9+s3+$0x0], $0xffff  }
0x6b: {  	v6 =	vld.idx.msk [tilespmem:v37+s3+$0x0], $0xffff  }
0x6c: {  	v7 =	vld.idx.msk [tilespmem:v38+s3+$0x0], $0xffff  }
0x6d: {  	v8 =	vld.idx.msk [tilespmem:v39+s3+$0x0], $0xffff  }
0x6e: {  	v5 =	vld.idx.msk [tilespmem:v5+s3+$0x0], $0xffff;
	[tilespmem:s26+$0x80] =	vst v10  }
0x6f: {  	v44 =	vbroadcast v4, $0xA;
	[tilespmem:s26+$0x90] =	vst v11  }
0x70: {  	[tilespmem:s26+$0xA0] =	vst v12  }
0x71: {  	v47 =	vbroadcast v4, $0xB;
	v45 =	vor.u32 v1, v44;
	[tilespmem:s26+$0xB0] =	vst v9  }
0x72: {  	v46 =	vor.u32 v2, v44;
	[tilespmem:s26+$0x0] =	vst v6  }
0x73: {  	v48 =	vor.u32 v0, v47;
	[tilespmem:s26+$0x10] =	vst v7  }
0x74: {  	v49 =	vor.u32 v1, v47;
	[tilespmem:s26+$0x20] =	vst v8  }
0x75: {  	v50 =	vor.u32 v2, v47;
	[tilespmem:s26+$0x30] =	vst v5  }
0x76: {  	v10 =	vor.u32 v3, v47;
	v7 =	vld.idx.msk [tilespmem:v45+s3+$0x0], $0xffff  }
0x77: {  	v5 =	vor.u32 v0, v44;
	v8 =	vld.idx.msk [tilespmem:v46+s3+$0x0], $0xffff  }
0x78: {  	v6 =	vor.u32 v3, v44;
	v9 =	vld.idx.msk [tilespmem:v48+s3+$0x0], $0xffff  }
0x79: {  	v11 =	vld.idx.msk [tilespmem:v49+s3+$0x0], $0xffff  }
0x7a: {  	v12 =	vld.idx.msk [tilespmem:v50+s3+$0x0], $0xffff  }
0x7b: {  	v10 =	vld.idx.msk [tilespmem:v10+s3+$0x0], $0xffff  }
0x7c: {  	v5 =	vld.idx.msk [tilespmem:v5+s3+$0x0], $0xffff  }
0x7d: {  	v6 =	vld.idx.msk [tilespmem:v6+s3+$0x0], $0xffff;
	[tilespmem:s26+$0x110] =	vst v7  }
0x7e: {  	v54 =	vbroadcast v4, $0xD;
	[tilespmem:s26+$0x120] =	vst v8  }
0x7f: {  	[tilespmem:s26+$0x180] =	vst v9  }
0x80: {  	v55 =	vor.u32 v0, v54;
	[tilespmem:s26+$0x190] =	vst v11  }
0x81: {  	v56 =	vor.u32 v1, v54;
	[tilespmem:s26+$0x1A0] =	vst v12  }
0x82: {  	v57 =	vor.u32 v2, v54;
	[tilespmem:s26+$0x100] =	vst v5;
	v5 =	vbroadcast v4, $0xC  }
0x83: {  	[tilespmem:s26+$0x1B0] =	vst v10;
	v9 =	vor.u32 v3, v54  }
0x84: {  	[tilespmem:s26+$0x130] =	vst v6;
	v51 =	vor.u32 v0, v5  }
0x85: {  	v10 =	vld.idx.msk [tilespmem:v55+s3+$0x0], $0xffff;
	v52 =	vor.u32 v1, v5  }
0x86: {  	v11 =	vld.idx.msk [tilespmem:v56+s3+$0x0], $0xffff;
	v53 =	vor.u32 v2, v5  }
0x87: {  	v12 =	vld.idx.msk [tilespmem:v57+s3+$0x0], $0xffff;
	v5 =	vor.u32 v3, v5  }
0x88: {  	v9 =	vld.idx.msk [tilespmem:v9+s3+$0x0], $0xffff  }
0x89: {  	v6 =	vld.idx.msk [tilespmem:v51+s3+$0x0], $0xffff  }
0x8a: {  	v7 =	vld.idx.msk [tilespmem:v52+s3+$0x0], $0xffff  }
0x8b: {  	v8 =	vld.idx.msk [tilespmem:v53+s3+$0x0], $0xffff  }
0x8c: {  	v5 =	vld.idx.msk [tilespmem:v5+s3+$0x0], $0xffff;
	[tilespmem:s26+$0x280] =	vst v10  }
0x8d: {  	v58 =	vbroadcast v4, $0xE;
	[tilespmem:s26+$0x290] =	vst v11  }
0x8e: {  	[tilespmem:s26+$0x2A0] =	vst v12  }
0x8f: {  	v59 =	vor.u32 v1, v58;
	v4 =	vbroadcast v4, $0xF;
	[tilespmem:s26+$0x2B0] =	vst v9  }
0x90: {  	v60 =	vor.u32 v2, v58;
	[tilespmem:s26+$0x200] =	vst v6  }
0x91: {  	v61 =	vor.u32 v0, v4;
	[tilespmem:s26+$0x210] =	vst v7  }
0x92: {  	v62 =	vor.u32 v1, v4;
	[tilespmem:s26+$0x220] =	vst v8  }
0x93: {  	v63 =	vor.u32 v2, v4;
	[tilespmem:s26+$0x230] =	vst v5  }
0x94: {  	v4 =	vor.u32 v3, v4;
	v7 =	vld.idx.msk [tilespmem:v59+s3+$0x0], $0xffff  }
0x95: {  	v5 =	vor.u32 v0, v58;
	v8 =	vld.idx.msk [tilespmem:v60+s3+$0x0], $0xffff  }
0x96: {  	v6 =	vor.u32 v3, v58;
	v9 =	vld.idx.msk [tilespmem:v61+s3+$0x0], $0xffff  }
0x97: {  	v10 =	vld.idx.msk [tilespmem:v62+s3+$0x0], $0xffff  }
0x98: {  	v11 =	vld.idx.msk [tilespmem:v63+s3+$0x0], $0xffff  }
0x99: {  	v4 =	vld.idx.msk [tilespmem:v4+s3+$0x0], $0xffff  }
0x9a: {  	v5 =	vld.idx.msk [tilespmem:v5+s3+$0x0], $0xffff  }
0x9b: {  	v6 =	vld.idx.msk [tilespmem:v6+s3+$0x0], $0xffff;
	[tilespmem:s26+$0x310] =	vst v7  }
0x9c: {  	[tilespmem:s26+$0x320] =	vst v8  }
0x9d: {  	p1 =	sne.s32 s25, $0x3C0;
	[tilespmem:s26+$0x380] =	vst v9  }
.Ltmp2:
0x9e: {  	[tilespmem:s26+$0x390] =	vst v10;
	(pc) =	sbr.rel @p1 .LBB2_3-.Ltmp2, $4  }
0x9f: {  	[tilespmem:s26+$0x3A0] =	vst v11  }
0xa0: {  	[tilespmem:s26+$0x3B0] =	vst v4  }
0xa1: {  	[tilespmem:s26+$0x300] =	vst v5  }
0xa2: {  	s25 =	sadd.s32 $0x40, s25;
	[tilespmem:s26+$0x330] =	vst v6;
	s26 =	sadd.s32 $0x800, s26  }
0xa3: {  	s25 =	sshll.u32 s23, $0x10  }
0xa4: {  	s25 =	sadd.s32 s8, s25  }
0xa5: {  	s25 =	sshrl.u32 s25, $0x3  }
0xa6: {  	p1 =	seq.s32 s23, $0xC7;
	s25 =	sadd.s32 s6, s25  }
0xa7: {  	[hbm4b:s25+s3] =	stream.linear.scatter [tilespmem:s17], [sflag:$0x4], $0x8000, $0x38;
	[tilespmem:$0x11280] =	vst v63  }
0xa8: {  	s25 =	sadd.s32 @!p1 s24, s9  }
0xa9: {  	s25 =	sshrl.u32 @!p1 s25, $0x3  }
0xaa: {  	s26 =	simm.s32 @!p1 $0x0;
	s28 =	simm.s32 @!p1 $0x1080;
	s25 =	sadd.s32 @!p1 s2, s25  }
0xab: {  	[tilespmem:s28], [sflag:$0x2] =	stream.linear.gather @!p1 [hbm4b:s25+s26], $0x100, $0x38;
	[tilespmem:$0x11280] =	vst v63  }
0xac: {  	_ =	swait.ge [sflag:s18], $0x100  }
0xad: {  	[sflag:s18] =	ssyncset.done $0x0  }
0xae: {  	s26 =	simm.s32 @!p0 $0x5;
	[sflag:s18] =	ssyncadd.s32 $0xFFFFFF00  }
0xaf: {  	_ =	swait.ge @!p0 [sflag:s26], $0x8000  }
0xb0: {  	s25 =	sadd.s32 s24, s10;
	[sflag:s26] =	ssyncset.done @!p0 $0x0  }
0xb1: {  	s28 =	simm.s32 $0x9680;
	[sflag:s26] =	ssyncadd.s32 @!p0 $0xFFFF8000;
	s26 =	simm.s32 $0x0  }
.LBB2_5:
0xb2: {  	s29 =	sshra.s32 s26, $0x2  }
0xb3: {  	v4 =	vld [tilespmem:s29+$0x1180];
	_ =	sdelay $0x4  }
0xb4: {  	v4 =	vshll.u32 v4, $0x6  }
0xb5: {  	v5 =	vbroadcast v4, $0x0;
	_ =	sdelay $0x1  }
0xb6: {  	v6 =	vor.u32 v0, v5  }
0xb7: {  	v7 =	vor.u32 v1, v5  }
0xb8: {  	v9 =	vbroadcast v4, $0x1;
	v8 =	vor.u32 v2, v5  }
0xb9: {  	v5 =	vor.u32 v3, v5  }
0xba: {  	v10 =	vor.u32 v0, v9  }
0xbb: {  	v11 =	vor.u32 v1, v9;
	v6 =	vld.idx.msk [tilespmem:v6+s3+$0x0], $0xffff  }
0xbc: {  	v12 =	vor.u32 v2, v9;
	v7 =	vld.idx.msk [tilespmem:v7+s3+$0x0], $0xffff  }
0xbd: {  	v9 =	vor.u32 v3, v9;
	v8 =	vld.idx.msk [tilespmem:v8+s3+$0x0], $0xffff  }
0xbe: {  	v5 =	vld.idx.msk [tilespmem:v5+s3+$0x0], $0xffff  }
0xbf: {  	v10 =	vld.idx.msk [tilespmem:v10+s3+$0x0], $0xffff  }
0xc0: {  	v11 =	vld.idx.msk [tilespmem:v11+s3+$0x0], $0xffff  }
0xc1: {  	v12 =	vld.idx.msk [tilespmem:v12+s3+$0x0], $0xffff  }
0xc2: {  	v9 =	vld.idx.msk [tilespmem:v9+s3+$0x0], $0xffff;
	[tilespmem:s28+$0xFFFFFC00] =	vst v6  }
0xc3: {  	v16 =	vbroadcast v4, $0x2;
	[tilespmem:s28+$0xFFFFFC10] =	vst v7  }
0xc4: {  	[tilespmem:s28+$0xFFFFFC20] =	vst v8  }
0xc5: {  	v19 =	vbroadcast v4, $0x3;
	v17 =	vor.u32 v1, v16;
	[tilespmem:s28+$0xFFFFFC30] =	vst v5  }
0xc6: {  	v18 =	vor.u32 v2, v16;
	[tilespmem:s28+$0xFFFFFC80] =	vst v10  }
0xc7: {  	v20 =	vor.u32 v0, v19;
	[tilespmem:s28+$0xFFFFFC90] =	vst v11  }
0xc8: {  	v21 =	vor.u32 v1, v19;
	[tilespmem:s28+$0xFFFFFCA0] =	vst v12  }
0xc9: {  	v22 =	vor.u32 v2, v19;
	[tilespmem:s28+$0xFFFFFCB0] =	vst v9  }
0xca: {  	v5 =	vor.u32 v0, v16;
	v7 =	vld.idx.msk [tilespmem:v17+s3+$0x0], $0xffff  }
0xcb: {  	v6 =	vor.u32 v3, v16;
	v8 =	vld.idx.msk [tilespmem:v18+s3+$0x0], $0xffff  }
0xcc: {  	v10 =	vor.u32 v3, v19;
	v9 =	vld.idx.msk [tilespmem:v20+s3+$0x0], $0xffff  }
0xcd: {  	v11 =	vld.idx.msk [tilespmem:v21+s3+$0x0], $0xffff  }
0xce: {  	v12 =	vld.idx.msk [tilespmem:v22+s3+$0x0], $0xffff  }
0xcf: {  	v5 =	vld.idx.msk [tilespmem:v5+s3+$0x0], $0xffff  }
0xd0: {  	v6 =	vld.idx.msk [tilespmem:v6+s3+$0x0], $0xffff  }
0xd1: {  	v10 =	vld.idx.msk [tilespmem:v10+s3+$0x0], $0xffff;
	[tilespmem:s28+$0xFFFFFD10] =	vst v7  }
0xd2: {  	v26 =	vbroadcast v4, $0x5;
	[tilespmem:s28+$0xFFFFFD20] =	vst v8  }
0xd3: {  	[tilespmem:s28+$0xFFFFFD80] =	vst v9  }
0xd4: {  	v27 =	vor.u32 v0, v26;
	[tilespmem:s28+$0xFFFFFD90] =	vst v11  }
0xd5: {  	v28 =	vor.u32 v1, v26;
	[tilespmem:s28+$0xFFFFFDA0] =	vst v12  }
0xd6: {  	v29 =	vor.u32 v2, v26;
	[tilespmem:s28+$0xFFFFFD00] =	vst v5;
	v5 =	vbroadcast v4, $0x4  }
0xd7: {  	v9 =	vor.u32 v3, v26;
	[tilespmem:s28+$0xFFFFFD30] =	vst v6  }
0xd8: {  	[tilespmem:s28+$0xFFFFFDB0] =	vst v10;
	v23 =	vor.u32 v0, v5  }
0xd9: {  	v10 =	vld.idx.msk [tilespmem:v27+s3+$0x0], $0xffff;
	v24 =	vor.u32 v1, v5  }
0xda: {  	v11 =	vld.idx.msk [tilespmem:v28+s3+$0x0], $0xffff;
	v25 =	vor.u32 v2, v5  }
0xdb: {  	v12 =	vld.idx.msk [tilespmem:v29+s3+$0x0], $0xffff;
	v5 =	vor.u32 v3, v5  }
0xdc: {  	v9 =	vld.idx.msk [tilespmem:v9+s3+$0x0], $0xffff  }
0xdd: {  	v6 =	vld.idx.msk [tilespmem:v23+s3+$0x0], $0xffff  }
0xde: {  	v7 =	vld.idx.msk [tilespmem:v24+s3+$0x0], $0xffff  }
0xdf: {  	v8 =	vld.idx.msk [tilespmem:v25+s3+$0x0], $0xffff  }
0xe0: {  	v5 =	vld.idx.msk [tilespmem:v5+s3+$0x0], $0xffff;
	[tilespmem:s28+$0xFFFFFE80] =	vst v10  }
0xe1: {  	v30 =	vbroadcast v4, $0x6;
	[tilespmem:s28+$0xFFFFFE90] =	vst v11  }
0xe2: {  	[tilespmem:s28+$0xFFFFFEA0] =	vst v12  }
0xe3: {  	v33 =	vbroadcast v4, $0x7;
	v31 =	vor.u32 v1, v30;
	[tilespmem:s28+$0xFFFFFEB0] =	vst v9  }
0xe4: {  	v32 =	vor.u32 v2, v30;
	[tilespmem:s28+$0xFFFFFE00] =	vst v6  }
0xe5: {  	v34 =	vor.u32 v0, v33;
	[tilespmem:s28+$0xFFFFFE10] =	vst v7  }
0xe6: {  	v35 =	vor.u32 v1, v33;
	[tilespmem:s28+$0xFFFFFE20] =	vst v8  }
0xe7: {  	v36 =	vor.u32 v2, v33;
	[tilespmem:s28+$0xFFFFFE30] =	vst v5  }
0xe8: {  	v10 =	vor.u32 v3, v33;
	v7 =	vld.idx.msk [tilespmem:v31+s3+$0x0], $0xffff  }
0xe9: {  	v5 =	vor.u32 v0, v30;
	v8 =	vld.idx.msk [tilespmem:v32+s3+$0x0], $0xffff  }
0xea: {  	v6 =	vor.u32 v3, v30;
	v9 =	vld.idx.msk [tilespmem:v34+s3+$0x0], $0xffff  }
0xeb: {  	v11 =	vld.idx.msk [tilespmem:v35+s3+$0x0], $0xffff  }
0xec: {  	v12 =	vld.idx.msk [tilespmem:v36+s3+$0x0], $0xffff  }
0xed: {  	v10 =	vld.idx.msk [tilespmem:v10+s3+$0x0], $0xffff  }
0xee: {  	v5 =	vld.idx.msk [tilespmem:v5+s3+$0x0], $0xffff  }
0xef: {  	v6 =	vld.idx.msk [tilespmem:v6+s3+$0x0], $0xffff;
	[tilespmem:s28+$0xFFFFFF10] =	vst v7  }
0xf0: {  	v40 =	vbroadcast v4, $0x9;
	[tilespmem:s28+$0xFFFFFF20] =	vst v8  }
0xf1: {  	[tilespmem:s28+$0xFFFFFF80] =	vst v9  }
0xf2: {  	v41 =	vor.u32 v0, v40;
	[tilespmem:s28+$0xFFFFFF90] =	vst v11  }
0xf3: {  	v42 =	vor.u32 v1, v40;
	[tilespmem:s28+$0xFFFFFFA0] =	vst v12  }
0xf4: {  	v43 =	vor.u32 v2, v40;
	[tilespmem:s28+$0xFFFFFF00] =	vst v5;
	v5 =	vbroadcast v4, $0x8  }
0xf5: {  	[tilespmem:s28+$0xFFFFFFB0] =	vst v10;
	v9 =	vor.u32 v3, v40  }
0xf6: {  	[tilespmem:s28+$0xFFFFFF30] =	vst v6;
	v37 =	vor.u32 v0, v5  }
0xf7: {  	v10 =	vld.idx.msk [tilespmem:v41+s3+$0x0], $0xffff;
	v38 =	vor.u32 v1, v5  }
0xf8: {  	v11 =	vld.idx.msk [tilespmem:v42+s3+$0x0], $0xffff;
	v39 =	vor.u32 v2, v5  }
0xf9: {  	v12 =	vld.idx.msk [tilespmem:v43+s3+$0x0], $0xffff;
	v5 =	vor.u32 v3, v5  }
0xfa: {  	v9 =	vld.idx.msk [tilespmem:v9+s3+$0x0], $0xffff  }
0xfb: {  	v6 =	vld.idx.msk [tilespmem:v37+s3+$0x0], $0xffff  }
0xfc: {  	v7 =	vld.idx.msk [tilespmem:v38+s3+$0x0], $0xffff  }
0xfd: {  	v8 =	vld.idx.msk [tilespmem:v39+s3+$0x0], $0xffff  }
0xfe: {  	v5 =	vld.idx.msk [tilespmem:v5+s3+$0x0], $0xffff;
	[tilespmem:s28+$0x80] =	vst v10  }
0xff: {  	v44 =	vbroadcast v4, $0xA;
	[tilespmem:s28+$0x90] =	vst v11  }
0x100: {  	[tilespmem:s28+$0xA0] =	vst v12  }
0x101: {  	v47 =	vbroadcast v4, $0xB;
	v45 =	vor.u32 v1, v44;
	[tilespmem:s28+$0xB0] =	vst v9  }
0x102: {  	v46 =	vor.u32 v2, v44;
	[tilespmem:s28+$0x0] =	vst v6  }
0x103: {  	v48 =	vor.u32 v0, v47;
	[tilespmem:s28+$0x10] =	vst v7  }
0x104: {  	v49 =	vor.u32 v1, v47;
	[tilespmem:s28+$0x20] =	vst v8  }
0x105: {  	v50 =	vor.u32 v2, v47;
	[tilespmem:s28+$0x30] =	vst v5  }
0x106: {  	v10 =	vor.u32 v3, v47;
	v7 =	vld.idx.msk [tilespmem:v45+s3+$0x0], $0xffff  }
0x107: {  	v5 =	vor.u32 v0, v44;
	v8 =	vld.idx.msk [tilespmem:v46+s3+$0x0], $0xffff  }
0x108: {  	v6 =	vor.u32 v3, v44;
	v9 =	vld.idx.msk [tilespmem:v48+s3+$0x0], $0xffff  }
0x109: {  	v11 =	vld.idx.msk [tilespmem:v49+s3+$0x0], $0xffff  }
0x10a: {  	v12 =	vld.idx.msk [tilespmem:v50+s3+$0x0], $0xffff  }
0x10b: {  	v10 =	vld.idx.msk [tilespmem:v10+s3+$0x0], $0xffff  }
0x10c: {  	v5 =	vld.idx.msk [tilespmem:v5+s3+$0x0], $0xffff  }
0x10d: {  	v6 =	vld.idx.msk [tilespmem:v6+s3+$0x0], $0xffff;
	[tilespmem:s28+$0x110] =	vst v7  }
0x10e: {  	v54 =	vbroadcast v4, $0xD;
	[tilespmem:s28+$0x120] =	vst v8  }
0x10f: {  	[tilespmem:s28+$0x180] =	vst v9  }
0x110: {  	v55 =	vor.u32 v0, v54;
	[tilespmem:s28+$0x190] =	vst v11  }
0x111: {  	v56 =	vor.u32 v1, v54;
	[tilespmem:s28+$0x1A0] =	vst v12  }
0x112: {  	v57 =	vor.u32 v2, v54;
	[tilespmem:s28+$0x100] =	vst v5;
	v5 =	vbroadcast v4, $0xC  }
0x113: {  	[tilespmem:s28+$0x1B0] =	vst v10;
	v9 =	vor.u32 v3, v54  }
0x114: {  	[tilespmem:s28+$0x130] =	vst v6;
	v51 =	vor.u32 v0, v5  }
0x115: {  	v10 =	vld.idx.msk [tilespmem:v55+s3+$0x0], $0xffff;
	v52 =	vor.u32 v1, v5  }
0x116: {  	v11 =	vld.idx.msk [tilespmem:v56+s3+$0x0], $0xffff;
	v53 =	vor.u32 v2, v5  }
0x117: {  	v12 =	vld.idx.msk [tilespmem:v57+s3+$0x0], $0xffff;
	v5 =	vor.u32 v3, v5  }
0x118: {  	v9 =	vld.idx.msk [tilespmem:v9+s3+$0x0], $0xffff  }
0x119: {  	v6 =	vld.idx.msk [tilespmem:v51+s3+$0x0], $0xffff  }
0x11a: {  	v7 =	vld.idx.msk [tilespmem:v52+s3+$0x0], $0xffff  }
0x11b: {  	v8 =	vld.idx.msk [tilespmem:v53+s3+$0x0], $0xffff  }
0x11c: {  	v5 =	vld.idx.msk [tilespmem:v5+s3+$0x0], $0xffff;
	[tilespmem:s28+$0x280] =	vst v10  }
0x11d: {  	v58 =	vbroadcast v4, $0xE;
	[tilespmem:s28+$0x290] =	vst v11  }
0x11e: {  	[tilespmem:s28+$0x2A0] =	vst v12  }
0x11f: {  	v59 =	vor.u32 v1, v58;
	v4 =	vbroadcast v4, $0xF;
	[tilespmem:s28+$0x2B0] =	vst v9  }
0x120: {  	v60 =	vor.u32 v2, v58;
	[tilespmem:s28+$0x200] =	vst v6  }
0x121: {  	v61 =	vor.u32 v0, v4;
	[tilespmem:s28+$0x210] =	vst v7  }
0x122: {  	v62 =	vor.u32 v1, v4;
	[tilespmem:s28+$0x220] =	vst v8  }
0x123: {  	v63 =	vor.u32 v2, v4;
	[tilespmem:s28+$0x230] =	vst v5  }
0x124: {  	v4 =	vor.u32 v3, v4;
	v7 =	vld.idx.msk [tilespmem:v59+s3+$0x0], $0xffff  }
0x125: {  	v5 =	vor.u32 v0, v58;
	v8 =	vld.idx.msk [tilespmem:v60+s3+$0x0], $0xffff  }
0x126: {  	v6 =	vor.u32 v3, v58;
	v9 =	vld.idx.msk [tilespmem:v61+s3+$0x0], $0xffff  }
0x127: {  	v10 =	vld.idx.msk [tilespmem:v62+s3+$0x0], $0xffff  }
0x128: {  	v11 =	vld.idx.msk [tilespmem:v63+s3+$0x0], $0xffff  }
0x129: {  	v4 =	vld.idx.msk [tilespmem:v4+s3+$0x0], $0xffff  }
0x12a: {  	v5 =	vld.idx.msk [tilespmem:v5+s3+$0x0], $0xffff  }
0x12b: {  	v6 =	vld.idx.msk [tilespmem:v6+s3+$0x0], $0xffff;
	[tilespmem:s28+$0x310] =	vst v7  }
0x12c: {  	[tilespmem:s28+$0x320] =	vst v8  }
0x12d: {  	p0 =	sne.s32 s26, $0x3C0;
	[tilespmem:s28+$0x380] =	vst v9  }
.Ltmp3:
0x12e: {  	[tilespmem:s28+$0x390] =	vst v10;
	(pc) =	sbr.rel @p0 .LBB2_5-.Ltmp3, $4  }
0x12f: {  	[tilespmem:s28+$0x3A0] =	vst v11  }
0x130: {  	[tilespmem:s28+$0x3B0] =	vst v4  }
0x131: {  	[tilespmem:s28+$0x300] =	vst v5  }
0x132: {  	s26 =	sadd.s32 $0x40, s26;
	[tilespmem:s28+$0x330] =	vst v6;
	s28 =	sadd.s32 $0x800, s28  }
.Ltmp4:
0x133: {  	(pc) =	sbr.rel @p1 .LBB2_8-.Ltmp4, $4  }
0x134: {  	_ = 	snop  }
0x135: {  	s25 =	sshll.u32 s25, $0x4  }
0x136: {  	s25 =	sadd.s32 s6, s25  }
0x137: {  	[hbm4b:s25+s3] =	stream.linear.scatter [tilespmem:s19], [sflag:$0x5], $0x8000, $0x38;
	[tilespmem:$0x11280] =	vst v63  }
.Ltmp5:
0x138: {  	(pc) =	sbr.rel .LBB2_2-.Ltmp5, $4  }
0x139: {  	s24 =	sadd.s32 s24, s11  }
0x13a: {  	s24 =	sshrl.u32 s24, $0x3  }
0x13b: {  	s23 =	sadd.s32 $0x1, s23;
	s24 =	sadd.s32 s2, s24  }
0x13c: {  	[tilespmem:s15], [sflag:$0x3] =	stream.linear.gather [hbm4b:s24+s3], $0x100, $0x38;
	[tilespmem:$0x11280] =	vst v63  }
.LBB2_9:
0x13d: {  	_ =	sfence.sel $0x180000  }
0x13e: {  	[bflag:$0x0] =	sbarrier.arrive $0xFFFF  }
0x13f: {  	p0 =	sne.s32 s0, $0x0;
	_ =	strace $0x90000047  }
0x140: {  	s0 =	sadd.s32 @!p0 $0x100000, s1;
	[bflag:$0x2] =	sbarrier.arrive $0xFFFF  }
0x141: {  	[sflag:s0] =	ssyncadd.tile.s32 @!p0 $0x1;
	_ =	shalt  }
.Lfunc_end2:
_tile_overlayer_lowered:
.L_overlay_start_2:
0x142: {  	(tag) =	ssettag $0x2  }
0x143: {  	s0 =	rddreg [dreg:$0x0];
	s2 =	stileid.u32  }
0x144: {  	s1 =	rddreg [dreg:$0x1];
	p0 =	sne.s32 s2, $0x0  }
0x145: {  	s3 =	rddreg [dreg:$0x2];
	[bflag:$0x3] =	sbarrier.arrive $0xFFFF;
	s2 =	simm.s32 @!p0 $0x1C06  }
0x146: {  	[timem:s3], [sflag:s2] =	dma.local @!p0 [hbm:s0], s1  }
0x147: {  	s0 =	simm.s32 @!p0 $0x6  }
0x148: {  	_ =	swait.ge @!p0 [sflag:s0], s1  }
0x149: {  	s1 =	ssub.s32 @!p0 $0x0, s1;
	[sflag:s0] =	ssyncset.done @!p0 $0x0  }
0x14a: {  	[sflag:s0] =	ssyncadd.s32 @!p0 s1  }
0x14b: {  	[bflag:$0x3] =	sbarrier.arrive $0xFFFF  }
0x14c: {  	_ =	shalt  }

// kernel: sparse-core-data-format-call.cloned.1.call-start
scs
called_computation_lowered:
.L_overlay_start_0:
0x0: {  	s2 =	sld [smem:$0x3FD9]  }
0x1: {  	s3 =	sld [smem:$0x3FFE];
	_ =	sdelay $0x1  }
0x2: {  	s1 =	srdreg.scid  }
0x3: {  	s0 =	sand.u32 $0x1, s1  }
0x4: {  	s15 =	sshll.u32 s0, $0xA;
	s2 =	sadd.s32 s3, s2  }
0x5: {  	s2 =	sadd.s32 s2, s15  }
0x6: {  	[smem:$0x3FC5] =	sst s2  }
0x7: {  	_ = 	snop  }
0x8: {  	s2 =	sld [smem:$0x3FD0];
	_ =	sdelay $0x2  }
0x9: {  	s16 =	simm.s32 $0xA;
	s4 =	simm.s32 $0x10  }
0xa: {  	[smem:s4], [sflag:s16] =	dma.local [hbm:s2], $0x1  }
0xb: {  	_ =	swait.eq [sflag:s16], $0x1  }
0xc: {  	[sflag:s16] =	ssyncset.done $0x0  }
0xd: {  	[sflag:s16] =	ssyncadd.s32 $0xFFFFFFFF  }
0xe: {  	s17 =	sld [smem:$0x10];
	(tm) =	ssettm $0x1  }
0xf: {  	s18 =	sld [smem:$0x3FFB];
	_ =	sdelay $0x3  }
0x10: {  	_ =	strace s18  }
0x11: {  	s3 =	sld [smem:$0x3FFC];
	_ =	sdelay $0x3  }
0x12: {  	_ =	strace s3  }
0x13: {  	s3 =	sld [smem:$0x3FFD];
	_ =	sdelay $0x3  }
0x14: {  	_ =	strace s3  }
0x15: {  	_ =	strace $0x8FFFFFFF  }
0x16: {  	s19 =	sld [smem:$0x3FDB];
	_ =	sdelay $0x1  }
0x17: {  	s20 =	simm.s32 $_scs_section_size  }
0x18: {  	s5 =	simm.s32 $_size__tile_overlayer_lowered;
	s6 =	simm.s32 $_tile_overlayer_lowered  }
0x19: {  	s23 =	simm.s32 $0x1BFF;
	s22 =	sshll.u32 s6, $0x1;
	s3 =	sadd.s32 s20, s19  }
0x1a: {  	s7 =	simm.s32 $0x0;
	s21 =	sshll.u32 s5, $0x1;
	s5 =	sadd.s32 s22, s3  }
0x1b: {  	[timem:s7], [sflag:s23] =	dma.local [hbm:s5], s21  }
0x1c: {  	_ =	swait.ge [sflag:s23], s21  }
0x1d: {  	s4 =	ssub.s32 $0x0, s21;
	[sflag:s23] =	ssyncset.done $0x0  }
0x1e: {  	[sflag:s23] =	ssyncadd.s32 s4;
	_ =	sdelay $0x1  }
0x1f: {  	s24 =	simm.s32 $0x1B8B  }
0x20: {  	_ =	swait.ge [sflag:s24], $0x1  }
0x21: {  	[sflag:s24] =	ssyncset.done $0x0  }
0x22: {  	s26 =	simm.s32 $0x1B8E;
	s25 =	sld [smem:$0x3FFE];
	[sflag:s24] =	ssyncadd.s32 $0xFFFFFFFF  }
0x23: {  	s27 =	simm.s32 $execute0_lowered;
	[smem:$0x3FD2] =	sst s26  }
0x24: {  	s5 =	sshll.u32 s27, $0x1;
	_ =	strace $0x80000049;
	[dreg:$0x1] =	wrdreg $0xFFFFFFFF  }
0x25: {  	s28 =	simm.s32 $_size_execute0_lowered;
	s3 =	sadd.s32 s3, s5;
	[dreg:$0x0] =	wrdreg $0x0  }
0x26: {  	s5 =	sshll.u32 s28, $0x1;
	[dreg:$0x2] =	wrdreg s3  }
0x27: {  	[dreg:$0x3] =	wrdreg s5  }
0x28: {  	[dreg:$0x4] =	wrdreg $0xC0  }
0x29: {  	_ =	task [dreg:s7], $0x5FFFF  }
0x2a: {  	[dreg:$0x1] =	wrdreg $0xFFFFFFFF  }
0x2b: {  	[dreg:$0x0] =	wrdreg $0x60  }
0x2c: {  	[dreg:$0x2] =	wrdreg s25  }
0x2d: {  	[dreg:$0x3] =	wrdreg s17  }
0x2e: {  	[dreg:$0x4] =	wrdreg $0x9  }
0x2f: {  	_ =	task.clear_ibuf [dreg:s7], $0x5FFFF;
	_ =	strace $0x90000049  }
0x30: {  	s29 =	simm.s32 $0x9;
	_ =	strace $0x8000004B  }
0x31: {  	_ =	swait.ge [sflag:s29], $0x1  }
0x32: {  	[sflag:s29] =	ssyncadd.s32 $0xFFFFFFFF  }
0x33: {  	_ =	strace $0x9000004B  }
0x34: {  	_ =	sfence  }
0x35: {  	s30 =	sld [smem:$0x0];
	_ =	sdelay $0x2  }
0x36: {  	s31 =	sshll.u32 s1, $0xD;
	s1 =	sshrl.u32 s1, $0x2  }
0x37: {  	s3 =	sand.u32 $0x4000, s31;
	s1 =	sadd.s32 s1, s30  }
0x38: {  	s0 =	sor.u32 s3, s0;
	s1 =	sshll.u32 s1, $0x11  }
0x39: {  	s0 =	sor.u32 s1, s0  }
0x3a: {  	s0 =	sadd.s32 $0x8F2B, s0  }
0x3b: {  	[sflag:s0] =	ssyncadd.remote.s32 $0x1  }
0x3c: {  	_ =	sfence.sel $0xFFFF  }
0x3d: {  	[dreg:$0x0] =	wrdreg $0xFFFFFFFF;
	(pc) =	sbr.abs _section_cstart, $3  }
0x3e: {  	[dreg:$0x1] =	wrdreg $0xFFFFFFFF  }
0x3f: {  	_ =	task.clear_ibuf [dreg:s7], $0x2FFFF;
	_ =	strace $0x9FFFFFFF  }
0x40: {  	(tm) =	ssettm $0x7FFFFFFF  }
0x41: {  	_ =	shalt  }
tec
execute0_lowered:
.L_overlay_start_1:
0x0: {  	(tag) =	ssettag $0x1  }
0x1: {  	s0 =	srdreg.scid  }
0x2: {  	s1 =	sshll.u32 s0, $0x4  }
0x3: {  	s6 =	rddreg [dreg:$0x0];
	s0 =	stileid.u32;
	s1 =	sand.u32 $0x10, s1  }
0x4: {  	s3 =	rddreg [dreg:$0x1];
	s5 =	simm.s32 $0x1;
	s1 =	sor.u32 s0, s1  }
0x5: {  	s31 =	simm.s32 $0x2;
	s12 =	simm.s32 $0x0;
	s2 =	sshll.u32 s1, $0x7  }
0x6: {  	s8 =	simm.s32 $0x190000;
	s13 =	simm.s32 $0x0;
	s4 =	ssub.s32 $0x32000, s2  }
0x7: {  	s9 =	simm.s32 $0x0;
	s11 =	simm.s32 $0x0;
	s30 =	sand.u32 $0xF80, s4  }
.Ltmp0:
0x8: {  	s6 =	sadd.s32 $0xE00, s6;
	p0 =	sne.s32 s30, $0x0;
	(pc) =	sbr.rel .LBB1_1-.Ltmp0, $4  }
0x9: {  	s1 =	rddreg [dreg:$0x2];
	s7 =	sshrl.u32 s4, $0xC;
	s5 =	simm.s32 @!p0 $0x0  }
0xa: {  	_ =	strace $0x8000004A;
	s4 =	simm.s32 $0x1;
	s5 =	sadd.s32 s5, s7  }
0xb: {  	s10 =	smov.u32 s2;
	[sflag:s4] =	ssyncpa.u1 $0x0;
	s5 =	sshll.u32 s5, $0x4  }
0xc: {  	[sflag:s31] =	ssyncpa.u1 $0x0;
	p0 =	por $0x0, $0x0;
	s7 =	sor.u32 $0x1, s5  }
.LBB1_4:
0xd: {  	s16 =	sshll.u32 s13, $0x3  }
0xe: {  	s29 =	sand.u32 $0x7F, s13;
	s17 =	sand.u32 $0xFFFFFC00, s16  }
0xf: {  	s13 =	sor.u32 s29, s17  }
0x10: {  	s17 =	smulhi.u32 $0x51EB851F, s13  }
0x11: {  	s16 =	smulhi.u32 $0x51EB851F, s16  }
0x12: {  	s17 =	sshrl.u32 s17, $0x10  }
0x13: {  	s16 =	sshrl.u32 s16, $0x10;
	s17 =	smul.u32 $0x32000, s17  }
0x14: {  	s12 =	smul.u32 $0x190000, s12;
	s16 =	sand.u32 $0x3F, s16  }
0x15: {  	s16 =	smul.u32 $0x6400, s16;
	s13 =	ssub.s32 s13, s17  }
0x16: {  	[tilespmem:s15+$0x810 ss:$0x81] =	vst.msk $0xffff, v2;
	s12 =	sadd.s32 s3, s12;
	s17 =	sand.u32 $0x7, s13  }
0x17: {  	[tilespmem:s15+$0x1020 ss:$0x81] =	vst.msk $0xffff, v0;
	s12 =	sadd.s32 s16, s12;
	s13 =	sshrl.u32 s13, $0x3;
	s30 =	sshll.u32 s17, $0x12  }
0x18: {  	[tilespmem:s15+$0x0 ss:$0x81] =	vst.msk $0xffff, v1;
	s12 =	sadd.s32 s13, s12;
	s31 =	sor.u32 $0x400, s30  }
0x19: {  	[hbm4b:s12+s31] =	stream.strided.scatter [tilespmem:s14], [sflag:$0x2], $0x2000, s8, s31, $0x20;
	[tilespmem:$0x8080] =	vst v63  }
.LBB1_5:
0x1a: {  	s14 =	sadd.s32 $0x1, s9  }
0x1b: {  	s12 =	sadd.s32 $0x1000, s10;
	s16 =	smov.u32 s10;
	p2 =	sgt.s32 s14, $0xF  }
0x1c: {  	s16 =	smov.u32 @p2 s12  }
0x1d: {  	s14 =	simm.s32 @p2 $0x0;
	p2 =	sgt.s32 s16, $0x31FFF  }
0x1e: {  	s16 =	smov.u32 @p2 s2;
	p2 =	sne.s32 s11, s7  }
.Ltmp1:
0x1f: {  	p1 =	slt.u32 s11, $0x2;
	(pc) =	sbr.rel @!p2 .LBB1_6-.Ltmp1, $4  }
0x20: {  	s15 =	simm.s32 @!p1 $0x2  }
0x21: {  	s13 =	smov.u32 s10;
	p0 =	por !p0, !p0;
	_ =	swait.ge @!p1 [sflag:s15], $0x2000  }
0x22: {  	s12 =	smov.u32 s9;
	[sflag:s15] =	ssyncset.done @!p1 $0x0;
	s9 =	smov.u32 s14  }
0x23: {  	s11 =	sadd.s32 $0x1, s11;
	[sflag:s15] =	ssyncadd.s32 @!p1 $0xFFFFE000;
	s10 =	smov.u32 s16  }
.LBB1_1:
0x24: {  	p1 =	sge.u32 s11, s5  }
0x25: {  	s31 =	sadd.s32 $0xFFFFFFFF, s11;
	s14 =	sxor.u32 @!p1 $0xFFFFFFFF, s11  }
0x26: {  	s15 =	sshll.u32 @!p1 s10, $0x8;
	s16 =	sshll.u32 @!p1 s9, $0x4;
	s17 =	simm.s32 @!p1 $0x800  }
0x27: {  	s14 =	sshll.u32 @!p1 s14, $0xD;
	s16 =	sand.u32 @!p1 $0xF0, s16;
	s15 =	sadd.s32 @!p1 s6, s15  }
0x28: {  	s14 =	sand.u32 @!p1 $0x2000, s14;
	s15 =	sadd.s32 @!p1 s16, s15;
	s16 =	simm.s32 @!p1 $0x40  }
0x29: {  	[tilespmem:s14], [sflag:$0x1] =	stream.strided.gather @!p1 [hbm4b:s15+s16], $0x2000, s17, s16, $0x38;
	[tilespmem:$0x8080] =	vst v63  }
0x2a: {  	p1 =	sge.u32 s31, s5  }
.Ltmp2:
0x2b: {  	_ = 	snop;
	(pc) =	sbr.rel @p1 .LBB1_5-.Ltmp2, $1  }
0x2c: {  	_ =	sdelay $0x3  }
0x2d: {  	s14 =	simm.s32 $0x1  }
0x2e: {  	_ =	swait.ge [sflag:s4], $0x2000;
	s14 =	simm.s32 @!p0 $0x0  }
0x2f: {  	[sflag:s4] =	ssyncset.done $0x0;
	s15 =	sshll.u32 s14, $0xD  }
0x30: {  	[sflag:s4] =	ssyncadd.s32 $0xFFFFE000;
	s18 =	sor.u32 $0x20, s15  }
0x31: {  	s14 =	smul.u32 $0x8100, s14;
	v3 =	vld [tilespmem:s18+$0x10]  }
0x32: {  	s30 =	sand.u32 $0x1, s11;
	v2 =	vld [tilespmem:s18+$0xFFFFFFF0]  }
0x33: {  	s15 =	smul.u32 $0x8100, s30;
	s14 =	sshrl.u32 s14, $0x2;
	v0 =	vld [tilespmem:s18+$0x0]  }
0x34: {  	v1 =	vld [tilespmem:s18+$0xFFFFFFE0];
	s16 =	sor.u32 $0x4000, s14  }
0x35: {  	s31 =	sshrl.u32 s15, $0x2;
	s15 =	sadd.s32 $0x0, s16  }
0x36: {  	s17 =	simm.s32 $0x4;
	s18 =	sadd.s32 $0x40, s18;
	s14 =	sor.u32 $0x4000, s31;
	[tilespmem:s15+$0x1830 ss:$0x81] =	vst.msk $0xffff, v3  }
.LBB1_3:
0x37: {  	v3 =	vld [tilespmem:s18+$0x10];
	p1 =	sne.s32 s17, $0x1FC;
	[tilespmem:s15+$0x810 ss:$0x81] =	vst.msk $0xffff, v2;
	s19 =	smov.u32 s17;
	s17 =	sadd.s32 $0x4, s17  }
.Ltmp3:
0x38: {  	v2 =	vld [tilespmem:s18+$0xFFFFFFF0];
	[tilespmem:s15+$0x1020 ss:$0x81] =	vst.msk $0xffff, v0;
	(pc) =	sbr.rel @p1 .LBB1_3-.Ltmp3, $4  }
0x39: {  	v0 =	vld [tilespmem:s18+$0x0];
	[tilespmem:s15+$0x0 ss:$0x81] =	vst.msk $0xffff, v1  }
0x3a: {  	s15 =	sshra.s32 s19, $0x2;
	v1 =	vld [tilespmem:s18+$0xFFFFFFE0]  }
0x3b: {  	s15 =	sadd.s32 s15, s16  }
0x3c: {  	s18 =	sadd.s32 $0x40, s18;
	[tilespmem:s15+$0x1830 ss:$0x81] =	vst.msk $0xffff, v3  }
.Ltmp4:
0x3d: {  	_ = 	snop;
	(pc) =	sbr.rel .LBB1_4-.Ltmp4, $1  }
0x3e: {  	_ =	sdelay $0x3  }
.LBB1_6:
0x3f: {  	_ =	sfence.sel $0x180000  }
0x40: {  	s2 =	simm.s32 $0x1;
	[bflag:$0x0] =	sbarrier.arrive $0xFFFF  }
0x41: {  	s31 =	simm.s32 $0x2;
	[sflag:s2] =	ssyncpa.u1 $0x1  }
0x42: {  	[sflag:s31] =	ssyncpa.u1 $0x1  }
0x43: {  	p0 =	sne.s32 s0, $0x0;
	_ =	strace $0x9000004A  }
0x44: {  	s0 =	sadd.s32 @!p0 $0x100000, s1;
	[bflag:$0x2] =	sbarrier.arrive $0xFFFF  }
0x45: {  	[sflag:s0] =	ssyncadd.tile.s32 @!p0 $0x1;
	_ =	shalt  }
.Lfunc_end1:
_tile_overlayer_lowered:
.L_overlay_start_2:
0x46: {  	(tag) =	ssettag $0x2  }
0x47: {  	s0 =	rddreg [dreg:$0x0];
	s2 =	stileid.u32  }
0x48: {  	s1 =	rddreg [dreg:$0x1];
	p0 =	sne.s32 s2, $0x0  }
0x49: {  	s3 =	rddreg [dreg:$0x2];
	[bflag:$0x3] =	sbarrier.arrive $0xFFFF;
	s2 =	simm.s32 @!p0 $0x1C01  }
0x4a: {  	[timem:s3], [sflag:s2] =	dma.local @!p0 [hbm:s0], s1  }
0x4b: {  	s0 =	simm.s32 @!p0 $0x1  }
0x4c: {  	_ =	swait.ge @!p0 [sflag:s0], s1  }
0x4d: {  	s1 =	ssub.s32 @!p0 $0x0, s1;
	[sflag:s0] =	ssyncset.done @!p0 $0x0  }
0x4e: {  	[sflag:s0] =	ssyncadd.s32 @!p0 s1  }
0x4f: {  	[bflag:$0x3] =	sbarrier.arrive $0xFFFF  }
0x50: {  	_ =	shalt  }

</sc_bundles>
